<compile_context>
chip_gen: v7x
topology: tpu7x:2x2x1
jax: 0.10.2.dev20260603
libtpu: 0.0.44.dev20260713+nightly
codegen_flags: <defaults>
</compile_context>

<pallas_src>
import functools

import jax
import jax.numpy as jnp
from jax import lax
from jax.experimental import pallas as pl
from jax.experimental.pallas import tpu as pltpu
from jax.experimental.pallas import tpu_sc as plsc

B, F, T = 4096, 128, 100
N = B * F
NC, NS, L = 2, 16, 16
NW = NC * NS
ROWS_W = N // NW
PB = 8
GR = PB * F
NG = ROWS_W // GR
TSUB = 25
NT = T // TSUB
NCHUNK = NG * NT
CW = TSUB * GR
JG = GR // L


def _spike_times(xv):
    xn = jnp.minimum(jnp.maximum((xv + 1.0) * 0.5, 0.0), 1.0)
    v = (1.0 - xn) * 99.0
    fv = v + 0.5
    ti = fv.astype(jnp.int32)
    tie = ti.astype(jnp.float32) == fv
    odd = (ti & 1) == 1
    ti = ti - jnp.where(tie & odd, 1, 0)
    return jnp.minimum(jnp.maximum(ti, 0), T - 1)


@functools.partial(
    pl.kernel,
    out_type=jax.ShapeDtypeStruct((T, B, F), jnp.float32),
    mesh=plsc.VectorSubcoreMesh(core_axis_name="c", subcore_axis_name="s"),
    compiler_params=pltpu.CompilerParams(needs_layout_passes=False),
    scratch_types=[
        pltpu.VMEM((ROWS_W,), jnp.float32),
        pltpu.VMEM((TSUB, PB, F), jnp.float32),
        pltpu.VMEM((TSUB, PB, F), jnp.float32),
        pltpu.VMEM((TSUB, PB, F), jnp.float32),
        pltpu.VMEM((TSUB, PB, F), jnp.float32),
        pltpu.VMEM((GR,), jnp.int32),
        pltpu.VMEM((GR,), jnp.int32),
        pltpu.SemaphoreType.DMA,
        pltpu.SemaphoreType.DMA,
        pltpu.SemaphoreType.DMA,
        pltpu.SemaphoreType.DMA,
    ],
)
def _encode(x_hbm, out_hbm, xbuf, ob0, ob1, ob2, ob3, tb0, tb1, sem0, sem1, sem2, sem3):
    wid = lax.axis_index("s") * NC + lax.axis_index("c")
    row0 = wid * ROWS_W
    plane0 = wid * (B // NW)
    pltpu.sync_copy(x_hbm.at[pl.ds(row0, ROWS_W)], xbuf)

    zeros = jnp.zeros((L,), jnp.float32)
    ones = jnp.full((L,), 1.0, jnp.float32)
    lanes = lax.iota(jnp.int32, L)

    def _zero_init(i, _):
        q = i * L + lanes
        qt, qr = q // (PB * F), q % (PB * F)
        plsc.store_scatter(ob0, [qt, qr // F, qr % F], zeros)
        plsc.store_scatter(ob1, [qt, qr // F, qr % F], zeros)
        plsc.store_scatter(ob2, [qt, qr // F, qr % F], zeros)
        plsc.store_scatter(ob3, [qt, qr // F, qr % F], zeros)
        return 0

    lax.fori_loop(0, CW // L, _zero_init, 0)

    def _scatter_pass(ob, tb, t0, val):
        def body(j, _):
            ti = tb[pl.ds(j * L, L)]
            m = (ti >= t0) & (ti < t0 + TSUB)
            dt = jnp.minimum(jnp.maximum(ti - t0, 0), TSUB - 1)
            idx_b = jnp.full((L,), 0, jnp.int32) + j // PB
            idx_f = (j % PB) * L + lanes
            plsc.store_scatter(ob, [dt, idx_b, idx_f], val, mask=m)
            return 0

        lax.fori_loop(0, JG, body, 0)

    obufs, tbufs, sems = (ob0, ob1, ob2, ob3), (tb0, tb1), (sem0, sem1, sem2, sem3)
    NBUF = 4

    def _times(tb, g):
        def body(j, _):
            xv = xbuf[pl.ds(g * GR + j * L, L)]
            tb[pl.ds(j * L, L)] = _spike_times(xv)
            return 0

        lax.fori_loop(0, JG, body, 0)

    def _dst(g, c):
        gp = pl.multiple_of(plane0 + g * PB, PB)
        return out_hbm.at[pl.ds(c * TSUB, TSUB), pl.ds(gp, PB), :]

    def _super(m, first):
        g0 = 2 * m
        for half, (tb, tbo) in enumerate(((tb0, tb1), (tb1, tb0))):
            g = g0 + half
            _times(tb, g)
            for c in range(NT):
                ob = obufs[c]
                if first and half == 0:
                    pass
                else:
                    pltpu.make_async_copy(ob, _dst(g - 1, c), sems[c]).wait()
                    _scatter_pass(ob, tbo, c * TSUB, zeros)
                _scatter_pass(ob, tb, c * TSUB, ones)
                pltpu.async_copy(ob, _dst(g, c), sems[c])

    _super(0, True)

    def _loop(m, _):
        _super(m, False)
        return 0

    lax.fori_loop(1, NG // 2, _loop, 0)

    g_last = NG - 1
    for c in range(NT):
        pltpu.make_async_copy(obufs[c], _dst(g_last, c), sems[c]).wait()


def kernel(x):
    return jnp.transpose(_encode(x.reshape(N)), (1, 2, 0))

# --- scband reference (transcript-rebuilt; emitter-appended) ---
"""Pipeline reference for scband-temporal-encoder-44092134260939 (READ-ONLY COPY).

The authoritative reference and input builder live on the scoring server;
editing this copy changes nothing except your own understanding.
"""

import jax, jax.numpy as jnp
import numpy as np

INPUT_DIM = 128
TIME_STEPS = 100
MIN_VALUE = -1.0
MAX_VALUE = 1.0
SPIKE_PRECISION = 1
BATCH = 4096


def setup_inputs(seed: int = 0) -> dict:
    key = jax.random.key(seed)
    x = jax.random.normal(key, (BATCH, INPUT_DIM), dtype=jnp.float32)
    return {"x": x}


def reference(x):
    B, F = x.shape
    T = TIME_STEPS
    # linear timing: lower values spike later mapping per module
    x_norm = (x - MIN_VALUE) / (MAX_VALUE - MIN_VALUE)
    x_norm = jnp.clip(x_norm, 0.0, 1.0)
    spike_times = (1.0 - x_norm) * (T - 1)
    spike_times = jnp.round(spike_times)
    spike_times = jnp.clip(spike_times, 0, T - 1).astype(jnp.int32)

    batch_indices = jnp.arange(B, dtype=jnp.int32)[:, None]  # [B,1] broadcasts
    feature_indices = jnp.arange(F, dtype=jnp.int32)[None, :]  # [1,F]

    spikes = jnp.zeros((B, F, T), dtype=jnp.float32)
    # scatter-overwrite: spikes[b, f, t_bf] = 1.0
    spikes = spikes.at[batch_indices, feature_indices, spike_times].set(1.0)
    for i in range(1, SPIKE_PRECISION):
        offset_times = jnp.clip(spike_times + i, 0, T - 1)
        spikes = spikes.at[batch_indices, feature_indices, offset_times].set(1.0)
    return spikes

if __name__ == "__main__":
    import jax
    _d = setup_inputs()
    print(jax.jit(kernel)(*tuple(_d.values())))

</pallas_src>

<mosaic_0001>
#map = affine_map<(d0, d1) -> (0)>
#map1 = affine_map<(d0, d1) -> (0, 0, 0)>
module attributes {stable_mosaic.version = 14 : i64} {
  func.func @_encode(%arg0: i32, %arg1: i32, %arg2: memref<524288xf32, #tpu.memory_space<hbm>>, %arg3: memref<100x4096x128xf32, #tpu.memory_space<hbm>>, %arg4: memref<16384xf32, #tpu.memory_space<vmem>>, %arg5: memref<25x8x128xf32, #tpu.memory_space<vmem>>, %arg6: memref<25x8x128xf32, #tpu.memory_space<vmem>>, %arg7: memref<25x8x128xf32, #tpu.memory_space<vmem>>, %arg8: memref<25x8x128xf32, #tpu.memory_space<vmem>>, %arg9: memref<1024xi32, #tpu.memory_space<vmem>>, %arg10: memref<1024xi32, #tpu.memory_space<vmem>>, %arg11: memref<!tpu.dma_semaphore, #tpu.memory_space<semaphore_mem>>, %arg12: memref<!tpu.dma_semaphore, #tpu.memory_space<semaphore_mem>>, %arg13: memref<!tpu.dma_semaphore, #tpu.memory_space<semaphore_mem>>, %arg14: memref<!tpu.dma_semaphore, #tpu.memory_space<semaphore_mem>>) attributes {dimension_semantics = [#tpu.dimension_semantics<core_parallel>, #tpu.dimension_semantics<subcore_parallel>], iteration_bounds = array<i64: 2, 16>, scalar_prefetch = 0 : i64, scratch_operands = 11 : i64, tpu.core_type = #tpu.core_type<sc_vector_subcore>, window_params = [{transform_indices = #map}, {transform_indices = #map1}]} {
    %mul3A = arith.constant 2 : i32
    %mul3A_0 = arith.muli %arg1, %mul3A : i32
    %add3A = arith.addi %mul3A_0, %arg0 : i32
    %mul3A_1 = arith.constant 16384 : i32
    %mul3A_2 = arith.muli %add3A, %mul3A_1 : i32
    %mul3A_3 = arith.constant 128 : i32
    %mul3A_4 = arith.muli %add3A, %mul3A_3 : i32
    "tpu.region"() ({
      %run_scoped3A = tpu.sem_alloc : memref<!tpu.dma_semaphore, #tpu.memory_space<semaphore_mem>>
      %dma_start3A_260 = tpu.memref_slice %arg2[%mul3A_2] : memref<524288xf32, #tpu.memory_space<hbm>> -> memref<16384xf32, #tpu.memory_space<hbm>>
      %dma_start3A_261 = tpu.memref_slice %arg2[%mul3A_2] : memref<524288xf32, #tpu.memory_space<hbm>> -> memref<16384xf32, #tpu.memory_space<hbm>>
      tpu.enqueue_dma source(%dma_start3A_261 : memref<16384xf32, #tpu.memory_space<hbm>>) target(%arg4 : memref<16384xf32, #tpu.memory_space<vmem>>) target_semaphore(%run_scoped3A : memref<!tpu.dma_semaphore, #tpu.memory_space<semaphore_mem>>)
      %dma_wait3A_262 = tpu.memref_slice %arg2[%mul3A_2] : memref<524288xf32, #tpu.memory_space<hbm>> -> memref<16384xf32, #tpu.memory_space<hbm>>
      %dma_wait3A_263 = tpu.memref_slice %arg2[%mul3A_2] : memref<524288xf32, #tpu.memory_space<hbm>> -> memref<16384xf32, #tpu.memory_space<hbm>>
      tpu.wait_dma2 semaphore(%run_scoped3A : memref<!tpu.dma_semaphore, #tpu.memory_space<semaphore_mem>>) src(%dma_wait3A_263 : memref<16384xf32, #tpu.memory_space<hbm>>) dst(%arg4 : memref<16384xf32, #tpu.memory_space<vmem>>)
      tpu.yield
    }) : () -> ()
    %broadcast_in_dim3A = arith.constant 0.000000e+00 : f32
    %broadcast_in_dim3A_5 = vector.broadcast %broadcast_in_dim3A : f32 to vector<16xf32>
    %broadcast_in_dim3A_6 = arith.constant 1.000000e+00 : f32
    %broadcast_in_dim3A_7 = vector.broadcast %broadcast_in_dim3A_6 : f32 to vector<16xf32>
    %iota3A = tpu.iota {dimensions = array<i32: 0>} : vector<16xi32>
    %scan3A = arith.constant 0 : i32
    %scan3A_8 = arith.constant 0 : i32
    %scan3A_9 = arith.constant 1600 : i32
    %scan3A_10 = arith.addi %scan3A_8, %scan3A_9 : i32
    %scan3A_11 = arith.constant 1 : i32
    %scan3A_12 = scf.for %scan3A_260 = %scan3A_8 to %scan3A_10 step %scan3A_11 iter_args(%scan3A_261 = %scan3A) -> (i32)  : i32 {
      %mul3A_262 = arith.constant 16 : i32
      %mul3A_263 = arith.muli %scan3A_260, %mul3A_262 : i32
      %add3A_264 = vector.broadcast %mul3A_263 : i32 to vector<16xi32>
      %add3A_265 = arith.addi %add3A_264, %iota3A : vector<16xi32>
      %jit3A = arith.constant 1024 : i32
      %div3A = vector.broadcast %jit3A : i32 to vector<16xi32>
      %div3A_266 = arith.divsi %add3A_265, %div3A : vector<16xi32>
      %sign3A = arith.constant 0 : i32
      %sign3A_267 = vector.broadcast %sign3A : i32 to vector<16xi32>
      %sign3A_268 = arith.cmpi sgt, %add3A_265, %sign3A_267 : vector<16xi32>
      %sign3A_269 = arith.extui %sign3A_268 : vector<16xi1> to vector<16xi32>
      %sign3A_270 = arith.constant 0 : i32
      %sign3A_271 = vector.broadcast %sign3A_270 : i32 to vector<16xi32>
      %sign3A_272 = arith.cmpi slt, %add3A_265, %sign3A_271 : vector<16xi32>
      %sign3A_273 = arith.extui %sign3A_272 : vector<16xi1> to vector<16xi32>
      %sign3A_274 = arith.subi %sign3A_269, %sign3A_273 : vector<16xi32>
      %sign3A_275 = arith.constant 0 : i32
      %sign3A_276 = arith.cmpi sgt, %jit3A, %sign3A_275 : i32
      %sign3A_277 = arith.extui %sign3A_276 : i1 to i32
      %sign3A_278 = arith.constant 0 : i32
      %sign3A_279 = arith.cmpi slt, %jit3A, %sign3A_278 : i32
      %sign3A_280 = arith.extui %sign3A_279 : i1 to i32
      %sign3A_281 = arith.subi %sign3A_277, %sign3A_280 : i32
      %ne3A = vector.broadcast %sign3A_281 : i32 to vector<16xi32>
      %ne3A_282 = arith.cmpi ne, %sign3A_274, %ne3A : vector<16xi32>
      %rem3A = vector.broadcast %jit3A : i32 to vector<16xi32>
      %rem3A_283 = arith.remsi %add3A_265, %rem3A : vector<16xi32>
      %ne3A_284 = arith.constant 0 : i32
      %ne3A_285 = vector.broadcast %ne3A_284 : i32 to vector<16xi32>
      %ne3A_286 = arith.cmpi ne, %rem3A_283, %ne3A_285 : vector<16xi32>
      %and3A = arith.andi %ne3A_282, %ne3A_286 : vector<16xi1>
      %sub3A = arith.constant 1 : i32
      %sub3A_287 = vector.broadcast %sub3A : i32 to vector<16xi32>
      %sub3A_288 = arith.subi %div3A_266, %sub3A_287 : vector<16xi32>
      %select_n3A = arith.select %and3A, %sub3A_288, %div3A_266 : vector<16xi1>, vector<16xi32>
      %jit3A_289 = arith.constant 1024 : i32
      %eq3A = arith.constant 0 : i32
      %eq3A_290 = arith.cmpi eq, %jit3A_289, %eq3A : i32
      %jit3A_291 = arith.constant 1 : i32
      %select_n3A_292 = arith.select %eq3A_290, %jit3A_291, %jit3A_289 : i32
      %rem3A_293 = vector.broadcast %select_n3A_292 : i32 to vector<16xi32>
      %rem3A_294 = arith.remsi %add3A_265, %rem3A_293 : vector<16xi32>
      %ne3A_295 = arith.constant 0 : i32
      %ne3A_296 = vector.broadcast %ne3A_295 : i32 to vector<16xi32>
      %ne3A_297 = arith.cmpi ne, %rem3A_294, %ne3A_296 : vector<16xi32>
      %lt3A = arith.constant 0 : i32
      %lt3A_298 = vector.broadcast %lt3A : i32 to vector<16xi32>
      %lt3A_299 = arith.cmpi slt, %rem3A_294, %lt3A_298 : vector<16xi32>
      %lt3A_300 = arith.constant 0 : i32
      %lt3A_301 = arith.cmpi slt, %select_n3A_292, %lt3A_300 : i32
      %ne3A_302 = vector.broadcast %lt3A_301 : i1 to vector<16xi1>
      %ne3A_303 = vector.broadcast %ne3A_302 : vector<16xi1> to vector<16xi1>
      %ne3A_304 = arith.xori %lt3A_299, %ne3A_303 : vector<16xi1>
      %and3A_305 = arith.andi %ne3A_304, %ne3A_297 : vector<16xi1>
      %add3A_306 = vector.broadcast %select_n3A_292 : i32 to vector<16xi32>
      %add3A_307 = arith.addi %rem3A_294, %add3A_306 : vector<16xi32>
      %select_n3A_308 = arith.select %and3A_305, %add3A_307, %rem3A_294 : vector<16xi1>, vector<16xi32>
      %jit3A_309 = arith.constant 128 : i32
      %div3A_310 = vector.broadcast %jit3A_309 : i32 to vector<16xi32>
      %div3A_311 = arith.divsi %select_n3A_308, %div3A_310 : vector<16xi32>
      %sign3A_312 = arith.constant 0 : i32
      %sign3A_313 = vector.broadcast %sign3A_312 : i32 to vector<16xi32>
      %sign3A_314 = arith.cmpi sgt, %select_n3A_308, %sign3A_313 : vector<16xi32>
      %sign3A_315 = arith.extui %sign3A_314 : vector<16xi1> to vector<16xi32>
      %sign3A_316 = arith.constant 0 : i32
      %sign3A_317 = vector.broadcast %sign3A_316 : i32 to vector<16xi32>
      %sign3A_318 = arith.cmpi slt, %select_n3A_308, %sign3A_317 : vector<16xi32>
      %sign3A_319 = arith.extui %sign3A_318 : vector<16xi1> to vector<16xi32>
      %sign3A_320 = arith.subi %sign3A_315, %sign3A_319 : vector<16xi32>
      %sign3A_321 = arith.constant 0 : i32
      %sign3A_322 = arith.cmpi sgt, %jit3A_309, %sign3A_321 : i32
      %sign3A_323 = arith.extui %sign3A_322 : i1 to i32
      %sign3A_324 = arith.constant 0 : i32
      %sign3A_325 = arith.cmpi slt, %jit3A_309, %sign3A_324 : i32
      %sign3A_326 = arith.extui %sign3A_325 : i1 to i32
      %sign3A_327 = arith.subi %sign3A_323, %sign3A_326 : i32
      %ne3A_328 = vector.broadcast %sign3A_327 : i32 to vector<16xi32>
      %ne3A_329 = arith.cmpi ne, %sign3A_320, %ne3A_328 : vector<16xi32>
      %rem3A_330 = vector.broadcast %jit3A_309 : i32 to vector<16xi32>
      %rem3A_331 = arith.remsi %select_n3A_308, %rem3A_330 : vector<16xi32>
      %ne3A_332 = arith.constant 0 : i32
      %ne3A_333 = vector.broadcast %ne3A_332 : i32 to vector<16xi32>
      %ne3A_334 = arith.cmpi ne, %rem3A_331, %ne3A_333 : vector<16xi32>
      %and3A_335 = arith.andi %ne3A_329, %ne3A_334 : vector<16xi1>
      %sub3A_336 = arith.constant 1 : i32
      %sub3A_337 = vector.broadcast %sub3A_336 : i32 to vector<16xi32>
      %sub3A_338 = arith.subi %div3A_311, %sub3A_337 : vector<16xi32>
      %select_n3A_339 = arith.select %and3A_335, %sub3A_338, %div3A_311 : vector<16xi1>, vector<16xi32>
      %jit3A_340 = arith.constant 128 : i32
      %eq3A_341 = arith.constant 0 : i32
      %eq3A_342 = arith.cmpi eq, %jit3A_340, %eq3A_341 : i32
      %jit3A_343 = arith.constant 1 : i32
      %select_n3A_344 = arith.select %eq3A_342, %jit3A_343, %jit3A_340 : i32
      %rem3A_345 = vector.broadcast %select_n3A_344 : i32 to vector<16xi32>
      %rem3A_346 = arith.remsi %select_n3A_308, %rem3A_345 : vector<16xi32>
      %ne3A_347 = arith.constant 0 : i32
      %ne3A_348 = vector.broadcast %ne3A_347 : i32 to vector<16xi32>
      %ne3A_349 = arith.cmpi ne, %rem3A_346, %ne3A_348 : vector<16xi32>
      %lt3A_350 = arith.constant 0 : i32
      %lt3A_351 = vector.broadcast %lt3A_350 : i32 to vector<16xi32>
      %lt3A_352 = arith.cmpi slt, %rem3A_346, %lt3A_351 : vector<16xi32>
      %lt3A_353 = arith.constant 0 : i32
      %lt3A_354 = arith.cmpi slt, %select_n3A_344, %lt3A_353 : i32
      %ne3A_355 = vector.broadcast %lt3A_354 : i1 to vector<16xi1>
      %ne3A_356 = vector.broadcast %ne3A_355 : vector<16xi1> to vector<16xi1>
      %ne3A_357 = arith.xori %lt3A_352, %ne3A_356 : vector<16xi1>
      %and3A_358 = arith.andi %ne3A_357, %ne3A_349 : vector<16xi1>
      %add3A_359 = vector.broadcast %select_n3A_344 : i32 to vector<16xi32>
      %add3A_360 = arith.addi %rem3A_346, %add3A_359 : vector<16xi32>
      %select_n3A_361 = arith.select %and3A_358, %add3A_360, %rem3A_346 : vector<16xi1>, vector<16xi32>
      tpu.vector_store_idx %arg5[%select_n3A, %select_n3A_339, %select_n3A_361], %broadcast_in_dim3A_5 : memref<25x8x128xf32, #tpu.memory_space<vmem>>[vector<16xi32>, vector<16xi32>, vector<16xi32>], vector<16xf32>,
      %jit3A_362 = arith.constant 128 : i32
      %div3A_363 = vector.broadcast %jit3A_362 : i32 to vector<16xi32>
      %div3A_364 = arith.divsi %select_n3A_308, %div3A_363 : vector<16xi32>
      %sign3A_365 = arith.constant 0 : i32
      %sign3A_366 = vector.broadcast %sign3A_365 : i32 to vector<16xi32>
      %sign3A_367 = arith.cmpi sgt, %select_n3A_308, %sign3A_366 : vector<16xi32>
      %sign3A_368 = arith.extui %sign3A_367 : vector<16xi1> to vector<16xi32>
      %sign3A_369 = arith.constant 0 : i32
      %sign3A_370 = vector.broadcast %sign3A_369 : i32 to vector<16xi32>
      %sign3A_371 = arith.cmpi slt, %select_n3A_308, %sign3A_370 : vector<16xi32>
      %sign3A_372 = arith.extui %sign3A_371 : vector<16xi1> to vector<16xi32>
      %sign3A_373 = arith.subi %sign3A_368, %sign3A_372 : vector<16xi32>
      %sign3A_374 = arith.constant 0 : i32
      %sign3A_375 = arith.cmpi sgt, %jit3A_362, %sign3A_374 : i32
      %sign3A_376 = arith.extui %sign3A_375 : i1 to i32
      %sign3A_377 = arith.constant 0 : i32
      %sign3A_378 = arith.cmpi slt, %jit3A_362, %sign3A_377 : i32
      %sign3A_379 = arith.extui %sign3A_378 : i1 to i32
      %sign3A_380 = arith.subi %sign3A_376, %sign3A_379 : i32
      %ne3A_381 = vector.broadcast %sign3A_380 : i32 to vector<16xi32>
      %ne3A_382 = arith.cmpi ne, %sign3A_373, %ne3A_381 : vector<16xi32>
      %rem3A_383 = vector.broadcast %jit3A_362 : i32 to vector<16xi32>
      %rem3A_384 = arith.remsi %select_n3A_308, %rem3A_383 : vector<16xi32>
      %ne3A_385 = arith.constant 0 : i32
      %ne3A_386 = vector.broadcast %ne3A_385 : i32 to vector<16xi32>
      %ne3A_387 = arith.cmpi ne, %rem3A_384, %ne3A_386 : vector<16xi32>
      %and3A_388 = arith.andi %ne3A_382, %ne3A_387 : vector<16xi1>
      %sub3A_389 = arith.constant 1 : i32
      %sub3A_390 = vector.broadcast %sub3A_389 : i32 to vector<16xi32>
      %sub3A_391 = arith.subi %div3A_364, %sub3A_390 : vector<16xi32>
      %select_n3A_392 = arith.select %and3A_388, %sub3A_391, %div3A_364 : vector<16xi1>, vector<16xi32>
      %jit3A_393 = arith.constant 128 : i32
      %eq3A_394 = arith.constant 0 : i32
      %eq3A_395 = arith.cmpi eq, %jit3A_393, %eq3A_394 : i32
      %jit3A_396 = arith.constant 1 : i32
      %select_n3A_397 = arith.select %eq3A_395, %jit3A_396, %jit3A_393 : i32
      %rem3A_398 = vector.broadcast %select_n3A_397 : i32 to vector<16xi32>
      %rem3A_399 = arith.remsi %select_n3A_308, %rem3A_398 : vector<16xi32>
      %ne3A_400 = arith.constant 0 : i32
      %ne3A_401 = vector.broadcast %ne3A_400 : i32 to vector<16xi32>
      %ne3A_402 = arith.cmpi ne, %rem3A_399, %ne3A_401 : vector<16xi32>
      %lt3A_403 = arith.constant 0 : i32
      %lt3A_404 = vector.broadcast %lt3A_403 : i32 to vector<16xi32>
      %lt3A_405 = arith.cmpi slt, %rem3A_399, %lt3A_404 : vector<16xi32>
      %lt3A_406 = arith.constant 0 : i32
      %lt3A_407 = arith.cmpi slt, %select_n3A_397, %lt3A_406 : i32
      %ne3A_408 = vector.broadcast %lt3A_407 : i1 to vector<16xi1>
      %ne3A_409 = vector.broadcast %ne3A_408 : vector<16xi1> to vector<16xi1>
      %ne3A_410 = arith.xori %lt3A_405, %ne3A_409 : vector<16xi1>
      %and3A_411 = arith.andi %ne3A_410, %ne3A_402 : vector<16xi1>
      %add3A_412 = vector.broadcast %select_n3A_397 : i32 to vector<16xi32>
      %add3A_413 = arith.addi %rem3A_399, %add3A_412 : vector<16xi32>
      %select_n3A_414 = arith.select %and3A_411, %add3A_413, %rem3A_399 : vector<16xi1>, vector<16xi32>
      tpu.vector_store_idx %arg6[%select_n3A, %select_n3A_392, %select_n3A_414], %broadcast_in_dim3A_5 : memref<25x8x128xf32, #tpu.memory_space<vmem>>[vector<16xi32>, vector<16xi32>, vector<16xi32>], vector<16xf32>,
      %jit3A_415 = arith.constant 128 : i32
      %div3A_416 = vector.broadcast %jit3A_415 : i32 to vector<16xi32>
      %div3A_417 = arith.divsi %select_n3A_308, %div3A_416 : vector<16xi32>
      %sign3A_418 = arith.constant 0 : i32
      %sign3A_419 = vector.broadcast %sign3A_418 : i32 to vector<16xi32>
      %sign3A_420 = arith.cmpi sgt, %select_n3A_308, %sign3A_419 : vector<16xi32>
      %sign3A_421 = arith.extui %sign3A_420 : vector<16xi1> to vector<16xi32>
      %sign3A_422 = arith.constant 0 : i32
      %sign3A_423 = vector.broadcast %sign3A_422 : i32 to vector<16xi32>
      %sign3A_424 = arith.cmpi slt, %select_n3A_308, %sign3A_423 : vector<16xi32>
      %sign3A_425 = arith.extui %sign3A_424 : vector<16xi1> to vector<16xi32>
      %sign3A_426 = arith.subi %sign3A_421, %sign3A_425 : vector<16xi32>
      %sign3A_427 = arith.constant 0 : i32
      %sign3A_428 = arith.cmpi sgt, %jit3A_415, %sign3A_427 : i32
      %sign3A_429 = arith.extui %sign3A_428 : i1 to i32
      %sign3A_430 = arith.constant 0 : i32
      %sign3A_431 = arith.cmpi slt, %jit3A_415, %sign3A_430 : i32
      %sign3A_432 = arith.extui %sign3A_431 : i1 to i32
      %sign3A_433 = arith.subi %sign3A_429, %sign3A_432 : i32
      %ne3A_434 = vector.broadcast %sign3A_433 : i32 to vector<16xi32>
      %ne3A_435 = arith.cmpi ne, %sign3A_426, %ne3A_434 : vector<16xi32>
      %rem3A_436 = vector.broadcast %jit3A_415 : i32 to vector<16xi32>
      %rem3A_437 = arith.remsi %select_n3A_308, %rem3A_436 : vector<16xi32>
      %ne3A_438 = arith.constant 0 : i32
      %ne3A_439 = vector.broadcast %ne3A_438 : i32 to vector<16xi32>
      %ne3A_440 = arith.cmpi ne, %rem3A_437, %ne3A_439 : vector<16xi32>
      %and3A_441 = arith.andi %ne3A_435, %ne3A_440 : vector<16xi1>
      %sub3A_442 = arith.constant 1 : i32
      %sub3A_443 = vector.broadcast %sub3A_442 : i32 to vector<16xi32>
      %sub3A_444 = arith.subi %div3A_417, %sub3A_443 : vector<16xi32>
      %select_n3A_445 = arith.select %and3A_441, %sub3A_444, %div3A_417 : vector<16xi1>, vector<16xi32>
      %jit3A_446 = arith.constant 128 : i32
      %eq3A_447 = arith.constant 0 : i32
      %eq3A_448 = arith.cmpi eq, %jit3A_446, %eq3A_447 : i32
      %jit3A_449 = arith.constant 1 : i32
      %select_n3A_450 = arith.select %eq3A_448, %jit3A_449, %jit3A_446 : i32
      %rem3A_451 = vector.broadcast %select_n3A_450 : i32 to vector<16xi32>
      %rem3A_452 = arith.remsi %select_n3A_308, %rem3A_451 : vector<16xi32>
      %ne3A_453 = arith.constant 0 : i32
      %ne3A_454 = vector.broadcast %ne3A_453 : i32 to vector<16xi32>
      %ne3A_455 = arith.cmpi ne, %rem3A_452, %ne3A_454 : vector<16xi32>
      %lt3A_456 = arith.constant 0 : i32
      %lt3A_457 = vector.broadcast %lt3A_456 : i32 to vector<16xi32>
      %lt3A_458 = arith.cmpi slt, %rem3A_452, %lt3A_457 : vector<16xi32>
      %lt3A_459 = arith.constant 0 : i32
      %lt3A_460 = arith.cmpi slt, %select_n3A_450, %lt3A_459 : i32
      %ne3A_461 = vector.broadcast %lt3A_460 : i1 to vector<16xi1>
      %ne3A_462 = vector.broadcast %ne3A_461 : vector<16xi1> to vector<16xi1>
      %ne3A_463 = arith.xori %lt3A_458, %ne3A_462 : vector<16xi1>
      %and3A_464 = arith.andi %ne3A_463, %ne3A_455 : vector<16xi1>
      %add3A_465 = vector.broadcast %select_n3A_450 : i32 to vector<16xi32>
      %add3A_466 = arith.addi %rem3A_452, %add3A_465 : vector<16xi32>
      %select_n3A_467 = arith.select %and3A_464, %add3A_466, %rem3A_452 : vector<16xi1>, vector<16xi32>
      tpu.vector_store_idx %arg7[%select_n3A, %select_n3A_445, %select_n3A_467], %broadcast_in_dim3A_5 : memref<25x8x128xf32, #tpu.memory_space<vmem>>[vector<16xi32>, vector<16xi32>, vector<16xi32>], vector<16xf32>,
      %jit3A_468 = arith.constant 128 : i32
      %div3A_469 = vector.broadcast %jit3A_468 : i32 to vector<16xi32>
      %div3A_470 = arith.divsi %select_n3A_308, %div3A_469 : vector<16xi32>
      %sign3A_471 = arith.constant 0 : i32
      %sign3A_472 = vector.broadcast %sign3A_471 : i32 to vector<16xi32>
      %sign3A_473 = arith.cmpi sgt, %select_n3A_308, %sign3A_472 : vector<16xi32>
      %sign3A_474 = arith.extui %sign3A_473 : vector<16xi1> to vector<16xi32>
      %sign3A_475 = arith.constant 0 : i32
      %sign3A_476 = vector.broadcast %sign3A_475 : i32 to vector<16xi32>
      %sign3A_477 = arith.cmpi slt, %select_n3A_308, %sign3A_476 : vector<16xi32>
      %sign3A_478 = arith.extui %sign3A_477 : vector<16xi1> to vector<16xi32>
      %sign3A_479 = arith.subi %sign3A_474, %sign3A_478 : vector<16xi32>
      %sign3A_480 = arith.constant 0 : i32
      %sign3A_481 = arith.cmpi sgt, %jit3A_468, %sign3A_480 : i32
      %sign3A_482 = arith.extui %sign3A_481 : i1 to i32
      %sign3A_483 = arith.constant 0 : i32
      %sign3A_484 = arith.cmpi slt, %jit3A_468, %sign3A_483 : i32
      %sign3A_485 = arith.extui %sign3A_484 : i1 to i32
      %sign3A_486 = arith.subi %sign3A_482, %sign3A_485 : i32
      %ne3A_487 = vector.broadcast %sign3A_486 : i32 to vector<16xi32>
      %ne3A_488 = arith.cmpi ne, %sign3A_479, %ne3A_487 : vector<16xi32>
      %rem3A_489 = vector.broadcast %jit3A_468 : i32 to vector<16xi32>
      %rem3A_490 = arith.remsi %select_n3A_308, %rem3A_489 : vector<16xi32>
      %ne3A_491 = arith.constant 0 : i32
      %ne3A_492 = vector.broadcast %ne3A_491 : i32 to vector<16xi32>
      %ne3A_493 = arith.cmpi ne, %rem3A_490, %ne3A_492 : vector<16xi32>
      %and3A_494 = arith.andi %ne3A_488, %ne3A_493 : vector<16xi1>
      %sub3A_495 = arith.constant 1 : i32
      %sub3A_496 = vector.broadcast %sub3A_495 : i32 to vector<16xi32>
      %sub3A_497 = arith.subi %div3A_470, %sub3A_496 : vector<16xi32>
      %select_n3A_498 = arith.select %and3A_494, %sub3A_497, %div3A_470 : vector<16xi1>, vector<16xi32>
      %jit3A_499 = arith.constant 128 : i32
      %eq3A_500 = arith.constant 0 : i32
      %eq3A_501 = arith.cmpi eq, %jit3A_499, %eq3A_500 : i32
      %jit3A_502 = arith.constant 1 : i32
      %select_n3A_503 = arith.select %eq3A_501, %jit3A_502, %jit3A_499 : i32
      %rem3A_504 = vector.broadcast %select_n3A_503 : i32 to vector<16xi32>
      %rem3A_505 = arith.remsi %select_n3A_308, %rem3A_504 : vector<16xi32>
      %ne3A_506 = arith.constant 0 : i32
      %ne3A_507 = vector.broadcast %ne3A_506 : i32 to vector<16xi32>
      %ne3A_508 = arith.cmpi ne, %rem3A_505, %ne3A_507 : vector<16xi32>
      %lt3A_509 = arith.constant 0 : i32
      %lt3A_510 = vector.broadcast %lt3A_509 : i32 to vector<16xi32>
      %lt3A_511 = arith.cmpi slt, %rem3A_505, %lt3A_510 : vector<16xi32>
      %lt3A_512 = arith.constant 0 : i32
      %lt3A_513 = arith.cmpi slt, %select_n3A_503, %lt3A_512 : i32
      %ne3A_514 = vector.broadcast %lt3A_513 : i1 to vector<16xi1>
      %ne3A_515 = vector.broadcast %ne3A_514 : vector<16xi1> to vector<16xi1>
      %ne3A_516 = arith.xori %lt3A_511, %ne3A_515 : vector<16xi1>
      %and3A_517 = arith.andi %ne3A_516, %ne3A_508 : vector<16xi1>
      %add3A_518 = vector.broadcast %select_n3A_503 : i32 to vector<16xi32>
      %add3A_519 = arith.addi %rem3A_505, %add3A_518 : vector<16xi32>
      %select_n3A_520 = arith.select %and3A_517, %add3A_519, %rem3A_505 : vector<16xi1>, vector<16xi32>
      tpu.vector_store_idx %arg8[%select_n3A, %select_n3A_498, %select_n3A_520], %broadcast_in_dim3A_5 : memref<25x8x128xf32, #tpu.memory_space<vmem>>[vector<16xi32>, vector<16xi32>, vector<16xi32>], vector<16xf32>,
      %scan3A_521 = arith.constant 0 : i32
      scf.yield %scan3A_521 : i32
    }
    %scan3A_13 = arith.constant 1600 : i32
    %scan3A_14 = arith.constant 0 : i32
    %scan3A_15 = arith.constant 0 : i32
    %scan3A_16 = arith.constant 64 : i32
    %scan3A_17 = arith.addi %scan3A_15, %scan3A_16 : i32
    %scan3A_18 = arith.constant 1 : i32
    %scan3A_19 = scf.for %scan3A_260 = %scan3A_15 to %scan3A_17 step %scan3A_18 iter_args(%scan3A_261 = %scan3A_14) -> (i32)  : i32 {
      %mul3A_262 = arith.constant 16 : i32
      %mul3A_263 = arith.muli %scan3A_260, %mul3A_262 : i32
      %add3A_264 = arith.constant 0 : i32
      %add3A_265 = arith.addi %add3A_264, %mul3A_263 : i32
      %get3A = arith.index_cast %add3A_265 : i32 to index
      %get3A_266 = tpu.vector_load %arg4[%get3A] {strides = array<i32>} : memref<16384xf32, #tpu.memory_space<vmem>>, vector<16xf32>,
      %add3A_267 = arith.constant 1.000000e+00 : f32
      %add3A_268 = vector.broadcast %add3A_267 : f32 to vector<16xf32>
      %add3A_269 = arith.addf %get3A_266, %add3A_268 : vector<16xf32>
      %mul3A_270 = arith.constant 5.000000e-01 : f32
      %mul3A_271 = vector.broadcast %mul3A_270 : f32 to vector<16xf32>
      %mul3A_272 = arith.mulf %add3A_269, %mul3A_271 : vector<16xf32>
      %max3A = arith.constant 0.000000e+00 : f32
      %max3A_273 = vector.broadcast %max3A : f32 to vector<16xf32>
      %max3A_274 = arith.maximumf %mul3A_272, %max3A_273 : vector<16xf32>
      %min3A = arith.constant 1.000000e+00 : f32
      %min3A_275 = vector.broadcast %min3A : f32 to vector<16xf32>
      %min3A_276 = arith.minimumf %max3A_274, %min3A_275 : vector<16xf32>
      %sub3A = arith.constant 1.000000e+00 : f32
      %sub3A_277 = vector.broadcast %sub3A : f32 to vector<16xf32>
      %sub3A_278 = arith.subf %sub3A_277, %min3A_276 : vector<16xf32>
      %mul3A_279 = arith.constant 9.900000e+01 : f32
      %mul3A_280 = vector.broadcast %mul3A_279 : f32 to vector<16xf32>
      %mul3A_281 = arith.mulf %sub3A_278, %mul3A_280 : vector<16xf32>
      %add3A_282 = arith.constant 5.000000e-01 : f32
      %add3A_283 = vector.broadcast %add3A_282 : f32 to vector<16xf32>
      %add3A_284 = arith.addf %mul3A_281, %add3A_283 : vector<16xf32>
      %convert_element_type3A = arith.fptosi %add3A_284 : vector<16xf32> to vector<16xi32>
      %convert_element_type3A_285 = arith.sitofp %convert_element_type3A : vector<16xi32> to vector<16xf32>
      %eq3A = arith.cmpf oeq, %convert_element_type3A_285, %add3A_284 : vector<16xf32>
      %and3A = arith.constant 1 : i32
      %and3A_286 = vector.broadcast %and3A : i32 to vector<16xi32>
      %and3A_287 = arith.andi %convert_element_type3A, %and3A_286 : vector<16xi32>
      %eq3A_288 = arith.constant 1 : i32
      %eq3A_289 = vector.broadcast %eq3A_288 : i32 to vector<16xi32>
      %eq3A_290 = arith.cmpi eq, %and3A_287, %eq3A_289 : vector<16xi32>
      %and3A_291 = arith.andi %eq3A, %eq3A_290 : vector<16xi1>
      %jit3A = arith.constant 1 : i32
      %jit3A_292 = arith.constant 0 : i32
      %broadcast_in_dim3A_293 = vector.broadcast %jit3A : i32 to vector<16xi32>
      %broadcast_in_dim3A_294 = vector.broadcast %jit3A_292 : i32 to vector<16xi32>
      %select_n3A = arith.select %and3A_291, %broadcast_in_dim3A_293, %broadcast_in_dim3A_294 : vector<16xi1>, vector<16xi32>
      %sub3A_295 = arith.subi %convert_element_type3A, %select_n3A : vector<16xi32>
      %max3A_296 = arith.constant 0 : i32
      %max3A_297 = vector.broadcast %max3A_296 : i32 to vector<16xi32>
      %max3A_298 = arith.maxsi %sub3A_295, %max3A_297 : vector<16xi32>
      %min3A_299 = arith.constant 99 : i32
      %min3A_300 = vector.broadcast %min3A_299 : i32 to vector<16xi32>
      %min3A_301 = arith.minsi %max3A_298, %min3A_300 : vector<16xi32>
      %mul3A_302 = arith.constant 16 : i32
      %mul3A_303 = arith.muli %scan3A_260, %mul3A_302 : i32
      %swap3A = arith.index_cast %mul3A_303 : i32 to index
      %swap3A_304 = tpu.vector_load %arg9[%swap3A] {strides = array<i32>} : memref<1024xi32, #tpu.memory_space<vmem>>, vector<16xi32>,
      tpu.vector_store %arg9[%swap3A], %min3A_301 {strides = array<i32>} : memref<1024xi32, #tpu.memory_space<vmem>>, vector<16xi32>,
      %scan3A_305 = arith.constant 0 : i32
      scf.yield %scan3A_305 : i32
    }
    %scan3A_20 = arith.constant 64 : i32
    %scan3A_21 = arith.constant 0 : i32
    %scan3A_22 = arith.constant 0 : i32
    %scan3A_23 = arith.constant 64 : i32
    %scan3A_24 = arith.addi %scan3A_22, %scan3A_23 : i32
    %scan3A_25 = arith.constant 1 : i32
    %scan3A_26 = scf.for %scan3A_260 = %scan3A_22 to %scan3A_24 step %scan3A_25 iter_args(%scan3A_261 = %scan3A_21) -> (i32)  : i32 {
      %mul3A_262 = arith.constant 16 : i32
      %mul3A_263 = arith.muli %scan3A_260, %mul3A_262 : i32
      %get3A = arith.index_cast %mul3A_263 : i32 to index
      %get3A_264 = tpu.vector_load %arg9[%get3A] {strides = array<i32>} : memref<1024xi32, #tpu.memory_space<vmem>>, vector<16xi32>,
      %ge3A = arith.constant 0 : i32
      %ge3A_265 = vector.broadcast %ge3A : i32 to vector<16xi32>
      %ge3A_266 = arith.cmpi sge, %get3A_264, %ge3A_265 : vector<16xi32>
      %lt3A = arith.constant 25 : i32
      %lt3A_267 = vector.broadcast %lt3A : i32 to vector<16xi32>
      %lt3A_268 = arith.cmpi slt, %get3A_264, %lt3A_267 : vector<16xi32>
      %and3A = arith.andi %ge3A_266, %lt3A_268 : vector<16xi1>
      %sub3A = arith.constant 0 : i32
      %sub3A_269 = vector.broadcast %sub3A : i32 to vector<16xi32>
      %sub3A_270 = arith.subi %get3A_264, %sub3A_269 : vector<16xi32>
      %max3A = arith.constant 0 : i32
      %max3A_271 = vector.broadcast %max3A : i32 to vector<16xi32>
      %max3A_272 = arith.maxsi %sub3A_270, %max3A_271 : vector<16xi32>
      %min3A = arith.constant 24 : i32
      %min3A_273 = vector.broadcast %min3A : i32 to vector<16xi32>
      %min3A_274 = arith.minsi %max3A_272, %min3A_273 : vector<16xi32>
      %broadcast_in_dim3A_275 = arith.constant 0 : i32
      %broadcast_in_dim3A_276 = vector.broadcast %broadcast_in_dim3A_275 : i32 to vector<16xi32>
      %jit3A = arith.constant 8 : i32
      %div3A = arith.divsi %scan3A_260, %jit3A : i32
      %sign3A = arith.constant 0 : i32
      %sign3A_277 = arith.cmpi sgt, %scan3A_260, %sign3A : i32
      %sign3A_278 = arith.extui %sign3A_277 : i1 to i32
      %sign3A_279 = arith.constant 0 : i32
      %sign3A_280 = arith.cmpi slt, %scan3A_260, %sign3A_279 : i32
      %sign3A_281 = arith.extui %sign3A_280 : i1 to i32
      %sign3A_282 = arith.subi %sign3A_278, %sign3A_281 : i32
      %sign3A_283 = arith.constant 0 : i32
      %sign3A_284 = arith.cmpi sgt, %jit3A, %sign3A_283 : i32
      %sign3A_285 = arith.extui %sign3A_284 : i1 to i32
      %sign3A_286 = arith.constant 0 : i32
      %sign3A_287 = arith.cmpi slt, %jit3A, %sign3A_286 : i32
      %sign3A_288 = arith.extui %sign3A_287 : i1 to i32
      %sign3A_289 = arith.subi %sign3A_285, %sign3A_288 : i32
      %ne3A = arith.cmpi ne, %sign3A_282, %sign3A_289 : i32
      %rem3A = arith.remsi %scan3A_260, %jit3A : i32
      %ne3A_290 = arith.constant 0 : i32
      %ne3A_291 = arith.cmpi ne, %rem3A, %ne3A_290 : i32
      %and3A_292 = arith.andi %ne3A, %ne3A_291 : i1
      %sub3A_293 = arith.constant 1 : i32
      %sub3A_294 = arith.subi %div3A, %sub3A_293 : i32
      %select_n3A = arith.select %and3A_292, %sub3A_294, %div3A : i32
      %add3A_295 = vector.broadcast %select_n3A : i32 to vector<16xi32>
      %add3A_296 = arith.addi %broadcast_in_dim3A_276, %add3A_295 : vector<16xi32>
      %jit3A_297 = arith.constant 8 : i32
      %eq3A = arith.constant 0 : i32
      %eq3A_298 = arith.cmpi eq, %jit3A_297, %eq3A : i32
      %jit3A_299 = arith.constant 1 : i32
      %select_n3A_300 = arith.select %eq3A_298, %jit3A_299, %jit3A_297 : i32
      %rem3A_301 = arith.remsi %scan3A_260, %select_n3A_300 : i32
      %ne3A_302 = arith.constant 0 : i32
      %ne3A_303 = arith.cmpi ne, %rem3A_301, %ne3A_302 : i32
      %lt3A_304 = arith.constant 0 : i32
      %lt3A_305 = arith.cmpi slt, %rem3A_301, %lt3A_304 : i32
      %lt3A_306 = arith.constant 0 : i32
      %lt3A_307 = arith.cmpi slt, %select_n3A_300, %lt3A_306 : i32
      %ne3A_308 = arith.xori %lt3A_305, %lt3A_307 : i1
      %and3A_309 = arith.andi %ne3A_308, %ne3A_303 : i1
      %add3A_310 = arith.addi %rem3A_301, %select_n3A_300 : i32
      %select_n3A_311 = arith.select %and3A_309, %add3A_310, %rem3A_301 : i32
      %mul3A_312 = arith.constant 16 : i32
      %mul3A_313 = arith.muli %select_n3A_311, %mul3A_312 : i32
      %add3A_314 = vector.broadcast %mul3A_313 : i32 to vector<16xi32>
      %add3A_315 = arith.addi %add3A_314, %iota3A : vector<16xi32>
      tpu.vector_store_idx %arg5[%min3A_274, %add3A_296, %add3A_315], %broadcast_in_dim3A_7 masked %and3A : memref<25x8x128xf32, #tpu.memory_space<vmem>>[vector<16xi32>, vector<16xi32>, vector<16xi32>], vector<16xf32>, vector<16xi1>
      %scan3A_316 = arith.constant 0 : i32
      scf.yield %scan3A_316 : i32
    }
    %scan3A_27 = arith.constant 64 : i32
    %add3A_28 = arith.constant 0 : i32
    %add3A_29 = arith.addi %mul3A_4, %add3A_28 : i32
    %multiple_of3A = tpu.assume_multiple %add3A_29, 8 : i32
    %dma_start3A = arith.constant 0 : i32
    %dma_start3A_30 = arith.constant 0 : i32
    %dma_start3A_31 = tpu.memref_slice %arg3[%dma_start3A, %multiple_of3A, %dma_start3A_30] : memref<100x4096x128xf32, #tpu.memory_space<hbm>> -> memref<25x8x128xf32, #tpu.memory_space<hbm>>
    %dma_start3A_32 = arith.constant 0 : i32
    %dma_start3A_33 = arith.constant 0 : i32
    %dma_start3A_34 = tpu.memref_slice %arg3[%dma_start3A_32, %multiple_of3A, %dma_start3A_33] : memref<100x4096x128xf32, #tpu.memory_space<hbm>> -> memref<25x8x128xf32, #tpu.memory_space<hbm>>
    tpu.enqueue_dma source(%arg5 : memref<25x8x128xf32, #tpu.memory_space<vmem>>) target(%dma_start3A_34 : memref<25x8x128xf32, #tpu.memory_space<hbm>>) target_semaphore(%arg11 : memref<!tpu.dma_semaphore, #tpu.memory_space<semaphore_mem>>)
    %scan3A_35 = arith.constant 0 : i32
    %scan3A_36 = arith.constant 0 : i32
    %scan3A_37 = arith.constant 64 : i32
    %scan3A_38 = arith.addi %scan3A_36, %scan3A_37 : i32
    %scan3A_39 = arith.constant 1 : i32
    %scan3A_40 = scf.for %scan3A_260 = %scan3A_36 to %scan3A_38 step %scan3A_39 iter_args(%scan3A_261 = %scan3A_35) -> (i32)  : i32 {
      %mul3A_262 = arith.constant 16 : i32
      %mul3A_263 = arith.muli %scan3A_260, %mul3A_262 : i32
      %get3A = arith.index_cast %mul3A_263 : i32 to index
      %get3A_264 = tpu.vector_load %arg9[%get3A] {strides = array<i32>} : memref<1024xi32, #tpu.memory_space<vmem>>, vector<16xi32>,
      %ge3A = arith.constant 25 : i32
      %ge3A_265 = vector.broadcast %ge3A : i32 to vector<16xi32>
      %ge3A_266 = arith.cmpi sge, %get3A_264, %ge3A_265 : vector<16xi32>
      %lt3A = arith.constant 50 : i32
      %lt3A_267 = vector.broadcast %lt3A : i32 to vector<16xi32>
      %lt3A_268 = arith.cmpi slt, %get3A_264, %lt3A_267 : vector<16xi32>
      %and3A = arith.andi %ge3A_266, %lt3A_268 : vector<16xi1>
      %sub3A = arith.constant 25 : i32
      %sub3A_269 = vector.broadcast %sub3A : i32 to vector<16xi32>
      %sub3A_270 = arith.subi %get3A_264, %sub3A_269 : vector<16xi32>
      %max3A = arith.constant 0 : i32
      %max3A_271 = vector.broadcast %max3A : i32 to vector<16xi32>
      %max3A_272 = arith.maxsi %sub3A_270, %max3A_271 : vector<16xi32>
      %min3A = arith.constant 24 : i32
      %min3A_273 = vector.broadcast %min3A : i32 to vector<16xi32>
      %min3A_274 = arith.minsi %max3A_272, %min3A_273 : vector<16xi32>
      %broadcast_in_dim3A_275 = arith.constant 0 : i32
      %broadcast_in_dim3A_276 = vector.broadcast %broadcast_in_dim3A_275 : i32 to vector<16xi32>
      %jit3A = arith.constant 8 : i32
      %div3A = arith.divsi %scan3A_260, %jit3A : i32
      %sign3A = arith.constant 0 : i32
      %sign3A_277 = arith.cmpi sgt, %scan3A_260, %sign3A : i32
      %sign3A_278 = arith.extui %sign3A_277 : i1 to i32
      %sign3A_279 = arith.constant 0 : i32
      %sign3A_280 = arith.cmpi slt, %scan3A_260, %sign3A_279 : i32
      %sign3A_281 = arith.extui %sign3A_280 : i1 to i32
      %sign3A_282 = arith.subi %sign3A_278, %sign3A_281 : i32
      %sign3A_283 = arith.constant 0 : i32
      %sign3A_284 = arith.cmpi sgt, %jit3A, %sign3A_283 : i32
      %sign3A_285 = arith.extui %sign3A_284 : i1 to i32
      %sign3A_286 = arith.constant 0 : i32
      %sign3A_287 = arith.cmpi slt, %jit3A, %sign3A_286 : i32
      %sign3A_288 = arith.extui %sign3A_287 : i1 to i32
      %sign3A_289 = arith.subi %sign3A_285, %sign3A_288 : i32
      %ne3A = arith.cmpi ne, %sign3A_282, %sign3A_289 : i32
      %rem3A = arith.remsi %scan3A_260, %jit3A : i32
      %ne3A_290 = arith.constant 0 : i32
      %ne3A_291 = arith.cmpi ne, %rem3A, %ne3A_290 : i32
      %and3A_292 = arith.andi %ne3A, %ne3A_291 : i1
      %sub3A_293 = arith.constant 1 : i32
      %sub3A_294 = arith.subi %div3A, %sub3A_293 : i32
      %select_n3A = arith.select %and3A_292, %sub3A_294, %div3A : i32
      %add3A_295 = vector.broadcast %select_n3A : i32 to vector<16xi32>
      %add3A_296 = arith.addi %broadcast_in_dim3A_276, %add3A_295 : vector<16xi32>
      %jit3A_297 = arith.constant 8 : i32
      %eq3A = arith.constant 0 : i32
      %eq3A_298 = arith.cmpi eq, %jit3A_297, %eq3A : i32
      %jit3A_299 = arith.constant 1 : i32
      %select_n3A_300 = arith.select %eq3A_298, %jit3A_299, %jit3A_297 : i32
      %rem3A_301 = arith.remsi %scan3A_260, %select_n3A_300 : i32
      %ne3A_302 = arith.constant 0 : i32
      %ne3A_303 = arith.cmpi ne, %rem3A_301, %ne3A_302 : i32
      %lt3A_304 = arith.constant 0 : i32
      %lt3A_305 = arith.cmpi slt, %rem3A_301, %lt3A_304 : i32
      %lt3A_306 = arith.constant 0 : i32
      %lt3A_307 = arith.cmpi slt, %select_n3A_300, %lt3A_306 : i32
      %ne3A_308 = arith.xori %lt3A_305, %lt3A_307 : i1
      %and3A_309 = arith.andi %ne3A_308, %ne3A_303 : i1
      %add3A_310 = arith.addi %rem3A_301, %select_n3A_300 : i32
      %select_n3A_311 = arith.select %and3A_309, %add3A_310, %rem3A_301 : i32
      %mul3A_312 = arith.constant 16 : i32
      %mul3A_313 = arith.muli %select_n3A_311, %mul3A_312 : i32
      %add3A_314 = vector.broadcast %mul3A_313 : i32 to vector<16xi32>
      %add3A_315 = arith.addi %add3A_314, %iota3A : vector<16xi32>
      tpu.vector_store_idx %arg6[%min3A_274, %add3A_296, %add3A_315], %broadcast_in_dim3A_7 masked %and3A : memref<25x8x128xf32, #tpu.memory_space<vmem>>[vector<16xi32>, vector<16xi32>, vector<16xi32>], vector<16xf32>, vector<16xi1>
      %scan3A_316 = arith.constant 0 : i32
      scf.yield %scan3A_316 : i32
    }
    %scan3A_41 = arith.constant 64 : i32
    %add3A_42 = arith.constant 0 : i32
    %add3A_43 = arith.addi %mul3A_4, %add3A_42 : i32
    %multiple_of3A_44 = tpu.assume_multiple %add3A_43, 8 : i32
    %dma_start3A_45 = arith.constant 25 : i32
    %dma_start3A_46 = arith.constant 0 : i32
    %dma_start3A_47 = tpu.memref_slice %arg3[%dma_start3A_45, %multiple_of3A_44, %dma_start3A_46] : memref<100x4096x128xf32, #tpu.memory_space<hbm>> -> memref<25x8x128xf32, #tpu.memory_space<hbm>>
    %dma_start3A_48 = arith.constant 25 : i32
    %dma_start3A_49 = arith.constant 0 : i32
    %dma_start3A_50 = tpu.memref_slice %arg3[%dma_start3A_48, %multiple_of3A_44, %dma_start3A_49] : memref<100x4096x128xf32, #tpu.memory_space<hbm>> -> memref<25x8x128xf32, #tpu.memory_space<hbm>>
    tpu.enqueue_dma source(%arg6 : memref<25x8x128xf32, #tpu.memory_space<vmem>>) target(%dma_start3A_50 : memref<25x8x128xf32, #tpu.memory_space<hbm>>) target_semaphore(%arg12 : memref<!tpu.dma_semaphore, #tpu.memory_space<semaphore_mem>>)
    %scan3A_51 = arith.constant 0 : i32
    %scan3A_52 = arith.constant 0 : i32
    %scan3A_53 = arith.constant 64 : i32
    %scan3A_54 = arith.addi %scan3A_52, %scan3A_53 : i32
    %scan3A_55 = arith.constant 1 : i32
    %scan3A_56 = scf.for %scan3A_260 = %scan3A_52 to %scan3A_54 step %scan3A_55 iter_args(%scan3A_261 = %scan3A_51) -> (i32)  : i32 {
      %mul3A_262 = arith.constant 16 : i32
      %mul3A_263 = arith.muli %scan3A_260, %mul3A_262 : i32
      %get3A = arith.index_cast %mul3A_263 : i32 to index
      %get3A_264 = tpu.vector_load %arg9[%get3A] {strides = array<i32>} : memref<1024xi32, #tpu.memory_space<vmem>>, vector<16xi32>,
      %ge3A = arith.constant 50 : i32
      %ge3A_265 = vector.broadcast %ge3A : i32 to vector<16xi32>
      %ge3A_266 = arith.cmpi sge, %get3A_264, %ge3A_265 : vector<16xi32>
      %lt3A = arith.constant 75 : i32
      %lt3A_267 = vector.broadcast %lt3A : i32 to vector<16xi32>
      %lt3A_268 = arith.cmpi slt, %get3A_264, %lt3A_267 : vector<16xi32>
      %and3A = arith.andi %ge3A_266, %lt3A_268 : vector<16xi1>
      %sub3A = arith.constant 50 : i32
      %sub3A_269 = vector.broadcast %sub3A : i32 to vector<16xi32>
      %sub3A_270 = arith.subi %get3A_264, %sub3A_269 : vector<16xi32>
      %max3A = arith.constant 0 : i32
      %max3A_271 = vector.broadcast %max3A : i32 to vector<16xi32>
      %max3A_272 = arith.maxsi %sub3A_270, %max3A_271 : vector<16xi32>
      %min3A = arith.constant 24 : i32
      %min3A_273 = vector.broadcast %min3A : i32 to vector<16xi32>
      %min3A_274 = arith.minsi %max3A_272, %min3A_273 : vector<16xi32>
      %broadcast_in_dim3A_275 = arith.constant 0 : i32
      %broadcast_in_dim3A_276 = vector.broadcast %broadcast_in_dim3A_275 : i32 to vector<16xi32>
      %jit3A = arith.constant 8 : i32
      %div3A = arith.divsi %scan3A_260, %jit3A : i32
      %sign3A = arith.constant 0 : i32
      %sign3A_277 = arith.cmpi sgt, %scan3A_260, %sign3A : i32
      %sign3A_278 = arith.extui %sign3A_277 : i1 to i32
      %sign3A_279 = arith.constant 0 : i32
      %sign3A_280 = arith.cmpi slt, %scan3A_260, %sign3A_279 : i32
      %sign3A_281 = arith.extui %sign3A_280 : i1 to i32
      %sign3A_282 = arith.subi %sign3A_278, %sign3A_281 : i32
      %sign3A_283 = arith.constant 0 : i32
      %sign3A_284 = arith.cmpi sgt, %jit3A, %sign3A_283 : i32
      %sign3A_285 = arith.extui %sign3A_284 : i1 to i32
      %sign3A_286 = arith.constant 0 : i32
      %sign3A_287 = arith.cmpi slt, %jit3A, %sign3A_286 : i32
      %sign3A_288 = arith.extui %sign3A_287 : i1 to i32
      %sign3A_289 = arith.subi %sign3A_285, %sign3A_288 : i32
      %ne3A = arith.cmpi ne, %sign3A_282, %sign3A_289 : i32
      %rem3A = arith.remsi %scan3A_260, %jit3A : i32
      %ne3A_290 = arith.constant 0 : i32
      %ne3A_291 = arith.cmpi ne, %rem3A, %ne3A_290 : i32
      %and3A_292 = arith.andi %ne3A, %ne3A_291 : i1
      %sub3A_293 = arith.constant 1 : i32
      %sub3A_294 = arith.subi %div3A, %sub3A_293 : i32
      %select_n3A = arith.select %and3A_292, %sub3A_294, %div3A : i32
      %add3A_295 = vector.broadcast %select_n3A : i32 to vector<16xi32>
      %add3A_296 = arith.addi %broadcast_in_dim3A_276, %add3A_295 : vector<16xi32>
      %jit3A_297 = arith.constant 8 : i32
      %eq3A = arith.constant 0 : i32
      %eq3A_298 = arith.cmpi eq, %jit3A_297, %eq3A : i32
      %jit3A_299 = arith.constant 1 : i32
      %select_n3A_300 = arith.select %eq3A_298, %jit3A_299, %jit3A_297 : i32
      %rem3A_301 = arith.remsi %scan3A_260, %select_n3A_300 : i32
      %ne3A_302 = arith.constant 0 : i32
      %ne3A_303 = arith.cmpi ne, %rem3A_301, %ne3A_302 : i32
      %lt3A_304 = arith.constant 0 : i32
      %lt3A_305 = arith.cmpi slt, %rem3A_301, %lt3A_304 : i32
      %lt3A_306 = arith.constant 0 : i32
      %lt3A_307 = arith.cmpi slt, %select_n3A_300, %lt3A_306 : i32
      %ne3A_308 = arith.xori %lt3A_305, %lt3A_307 : i1
      %and3A_309 = arith.andi %ne3A_308, %ne3A_303 : i1
      %add3A_310 = arith.addi %rem3A_301, %select_n3A_300 : i32
      %select_n3A_311 = arith.select %and3A_309, %add3A_310, %rem3A_301 : i32
      %mul3A_312 = arith.constant 16 : i32
      %mul3A_313 = arith.muli %select_n3A_311, %mul3A_312 : i32
      %add3A_314 = vector.broadcast %mul3A_313 : i32 to vector<16xi32>
      %add3A_315 = arith.addi %add3A_314, %iota3A : vector<16xi32>
      tpu.vector_store_idx %arg7[%min3A_274, %add3A_296, %add3A_315], %broadcast_in_dim3A_7 masked %and3A : memref<25x8x128xf32, #tpu.memory_space<vmem>>[vector<16xi32>, vector<16xi32>, vector<16xi32>], vector<16xf32>, vector<16xi1>
      %scan3A_316 = arith.constant 0 : i32
      scf.yield %scan3A_316 : i32
    }
    %scan3A_57 = arith.constant 64 : i32
    %add3A_58 = arith.constant 0 : i32
    %add3A_59 = arith.addi %mul3A_4, %add3A_58 : i32
    %multiple_of3A_60 = tpu.assume_multiple %add3A_59, 8 : i32
    %dma_start3A_61 = arith.constant 50 : i32
    %dma_start3A_62 = arith.constant 0 : i32
    %dma_start3A_63 = tpu.memref_slice %arg3[%dma_start3A_61, %multiple_of3A_60, %dma_start3A_62] : memref<100x4096x128xf32, #tpu.memory_space<hbm>> -> memref<25x8x128xf32, #tpu.memory_space<hbm>>
    %dma_start3A_64 = arith.constant 50 : i32
    %dma_start3A_65 = arith.constant 0 : i32
    %dma_start3A_66 = tpu.memref_slice %arg3[%dma_start3A_64, %multiple_of3A_60, %dma_start3A_65] : memref<100x4096x128xf32, #tpu.memory_space<hbm>> -> memref<25x8x128xf32, #tpu.memory_space<hbm>>
    tpu.enqueue_dma source(%arg7 : memref<25x8x128xf32, #tpu.memory_space<vmem>>) target(%dma_start3A_66 : memref<25x8x128xf32, #tpu.memory_space<hbm>>) target_semaphore(%arg13 : memref<!tpu.dma_semaphore, #tpu.memory_space<semaphore_mem>>)
    %scan3A_67 = arith.constant 0 : i32
    %scan3A_68 = arith.constant 0 : i32
    %scan3A_69 = arith.constant 64 : i32
    %scan3A_70 = arith.addi %scan3A_68, %scan3A_69 : i32
    %scan3A_71 = arith.constant 1 : i32
    %scan3A_72 = scf.for %scan3A_260 = %scan3A_68 to %scan3A_70 step %scan3A_71 iter_args(%scan3A_261 = %scan3A_67) -> (i32)  : i32 {
      %mul3A_262 = arith.constant 16 : i32
      %mul3A_263 = arith.muli %scan3A_260, %mul3A_262 : i32
      %get3A = arith.index_cast %mul3A_263 : i32 to index
      %get3A_264 = tpu.vector_load %arg9[%get3A] {strides = array<i32>} : memref<1024xi32, #tpu.memory_space<vmem>>, vector<16xi32>,
      %ge3A = arith.constant 75 : i32
      %ge3A_265 = vector.broadcast %ge3A : i32 to vector<16xi32>
      %ge3A_266 = arith.cmpi sge, %get3A_264, %ge3A_265 : vector<16xi32>
      %lt3A = arith.constant 100 : i32
      %lt3A_267 = vector.broadcast %lt3A : i32 to vector<16xi32>
      %lt3A_268 = arith.cmpi slt, %get3A_264, %lt3A_267 : vector<16xi32>
      %and3A = arith.andi %ge3A_266, %lt3A_268 : vector<16xi1>
      %sub3A = arith.constant 75 : i32
      %sub3A_269 = vector.broadcast %sub3A : i32 to vector<16xi32>
      %sub3A_270 = arith.subi %get3A_264, %sub3A_269 : vector<16xi32>
      %max3A = arith.constant 0 : i32
      %max3A_271 = vector.broadcast %max3A : i32 to vector<16xi32>
      %max3A_272 = arith.maxsi %sub3A_270, %max3A_271 : vector<16xi32>
      %min3A = arith.constant 24 : i32
      %min3A_273 = vector.broadcast %min3A : i32 to vector<16xi32>
      %min3A_274 = arith.minsi %max3A_272, %min3A_273 : vector<16xi32>
      %broadcast_in_dim3A_275 = arith.constant 0 : i32
      %broadcast_in_dim3A_276 = vector.broadcast %broadcast_in_dim3A_275 : i32 to vector<16xi32>
      %jit3A = arith.constant 8 : i32
      %div3A = arith.divsi %scan3A_260, %jit3A : i32
      %sign3A = arith.constant 0 : i32
      %sign3A_277 = arith.cmpi sgt, %scan3A_260, %sign3A : i32
      %sign3A_278 = arith.extui %sign3A_277 : i1 to i32
      %sign3A_279 = arith.constant 0 : i32
      %sign3A_280 = arith.cmpi slt, %scan3A_260, %sign3A_279 : i32
      %sign3A_281 = arith.extui %sign3A_280 : i1 to i32
      %sign3A_282 = arith.subi %sign3A_278, %sign3A_281 : i32
      %sign3A_283 = arith.constant 0 : i32
      %sign3A_284 = arith.cmpi sgt, %jit3A, %sign3A_283 : i32
      %sign3A_285 = arith.extui %sign3A_284 : i1 to i32
      %sign3A_286 = arith.constant 0 : i32
      %sign3A_287 = arith.cmpi slt, %jit3A, %sign3A_286 : i32
      %sign3A_288 = arith.extui %sign3A_287 : i1 to i32
      %sign3A_289 = arith.subi %sign3A_285, %sign3A_288 : i32
      %ne3A = arith.cmpi ne, %sign3A_282, %sign3A_289 : i32
      %rem3A = arith.remsi %scan3A_260, %jit3A : i32
      %ne3A_290 = arith.constant 0 : i32
      %ne3A_291 = arith.cmpi ne, %rem3A, %ne3A_290 : i32
      %and3A_292 = arith.andi %ne3A, %ne3A_291 : i1
      %sub3A_293 = arith.constant 1 : i32
      %sub3A_294 = arith.subi %div3A, %sub3A_293 : i32
      %select_n3A = arith.select %and3A_292, %sub3A_294, %div3A : i32
      %add3A_295 = vector.broadcast %select_n3A : i32 to vector<16xi32>
      %add3A_296 = arith.addi %broadcast_in_dim3A_276, %add3A_295 : vector<16xi32>
      %jit3A_297 = arith.constant 8 : i32
      %eq3A = arith.constant 0 : i32
      %eq3A_298 = arith.cmpi eq, %jit3A_297, %eq3A : i32
      %jit3A_299 = arith.constant 1 : i32
      %select_n3A_300 = arith.select %eq3A_298, %jit3A_299, %jit3A_297 : i32
      %rem3A_301 = arith.remsi %scan3A_260, %select_n3A_300 : i32
      %ne3A_302 = arith.constant 0 : i32
      %ne3A_303 = arith.cmpi ne, %rem3A_301, %ne3A_302 : i32
      %lt3A_304 = arith.constant 0 : i32
      %lt3A_305 = arith.cmpi slt, %rem3A_301, %lt3A_304 : i32
      %lt3A_306 = arith.constant 0 : i32
      %lt3A_307 = arith.cmpi slt, %select_n3A_300, %lt3A_306 : i32
      %ne3A_308 = arith.xori %lt3A_305, %lt3A_307 : i1
      %and3A_309 = arith.andi %ne3A_308, %ne3A_303 : i1
      %add3A_310 = arith.addi %rem3A_301, %select_n3A_300 : i32
      %select_n3A_311 = arith.select %and3A_309, %add3A_310, %rem3A_301 : i32
      %mul3A_312 = arith.constant 16 : i32
      %mul3A_313 = arith.muli %select_n3A_311, %mul3A_312 : i32
      %add3A_314 = vector.broadcast %mul3A_313 : i32 to vector<16xi32>
      %add3A_315 = arith.addi %add3A_314, %iota3A : vector<16xi32>
      tpu.vector_store_idx %arg8[%min3A_274, %add3A_296, %add3A_315], %broadcast_in_dim3A_7 masked %and3A : memref<25x8x128xf32, #tpu.memory_space<vmem>>[vector<16xi32>, vector<16xi32>, vector<16xi32>], vector<16xf32>, vector<16xi1>
      %scan3A_316 = arith.constant 0 : i32
      scf.yield %scan3A_316 : i32
    }
    %scan3A_73 = arith.constant 64 : i32
    %add3A_74 = arith.constant 0 : i32
    %add3A_75 = arith.addi %mul3A_4, %add3A_74 : i32
    %multiple_of3A_76 = tpu.assume_multiple %add3A_75, 8 : i32
    %dma_start3A_77 = arith.constant 75 : i32
    %dma_start3A_78 = arith.constant 0 : i32
    %dma_start3A_79 = tpu.memref_slice %arg3[%dma_start3A_77, %multiple_of3A_76, %dma_start3A_78] : memref<100x4096x128xf32, #tpu.memory_space<hbm>> -> memref<25x8x128xf32, #tpu.memory_space<hbm>>
    %dma_start3A_80 = arith.constant 75 : i32
    %dma_start3A_81 = arith.constant 0 : i32
    %dma_start3A_82 = tpu.memref_slice %arg3[%dma_start3A_80, %multiple_of3A_76, %dma_start3A_81] : memref<100x4096x128xf32, #tpu.memory_space<hbm>> -> memref<25x8x128xf32, #tpu.memory_space<hbm>>
    tpu.enqueue_dma source(%arg8 : memref<25x8x128xf32, #tpu.memory_space<vmem>>) target(%dma_start3A_82 : memref<25x8x128xf32, #tpu.memory_space<hbm>>) target_semaphore(%arg14 : memref<!tpu.dma_semaphore, #tpu.memory_space<semaphore_mem>>)
    %scan3A_83 = arith.constant 0 : i32
    %scan3A_84 = arith.constant 0 : i32
    %scan3A_85 = arith.constant 64 : i32
    %scan3A_86 = arith.addi %scan3A_84, %scan3A_85 : i32
    %scan3A_87 = arith.constant 1 : i32
    %scan3A_88 = scf.for %scan3A_260 = %scan3A_84 to %scan3A_86 step %scan3A_87 iter_args(%scan3A_261 = %scan3A_83) -> (i32)  : i32 {
      %mul3A_262 = arith.constant 16 : i32
      %mul3A_263 = arith.muli %scan3A_260, %mul3A_262 : i32
      %add3A_264 = arith.constant 1024 : i32
      %add3A_265 = arith.addi %add3A_264, %mul3A_263 : i32
      %get3A = arith.index_cast %add3A_265 : i32 to index
      %get3A_266 = tpu.vector_load %arg4[%get3A] {strides = array<i32>} : memref<16384xf32, #tpu.memory_space<vmem>>, vector<16xf32>,
      %add3A_267 = arith.constant 1.000000e+00 : f32
      %add3A_268 = vector.broadcast %add3A_267 : f32 to vector<16xf32>
      %add3A_269 = arith.addf %get3A_266, %add3A_268 : vector<16xf32>
      %mul3A_270 = arith.constant 5.000000e-01 : f32
      %mul3A_271 = vector.broadcast %mul3A_270 : f32 to vector<16xf32>
      %mul3A_272 = arith.mulf %add3A_269, %mul3A_271 : vector<16xf32>
      %max3A = arith.constant 0.000000e+00 : f32
      %max3A_273 = vector.broadcast %max3A : f32 to vector<16xf32>
      %max3A_274 = arith.maximumf %mul3A_272, %max3A_273 : vector<16xf32>
      %min3A = arith.constant 1.000000e+00 : f32
      %min3A_275 = vector.broadcast %min3A : f32 to vector<16xf32>
      %min3A_276 = arith.minimumf %max3A_274, %min3A_275 : vector<16xf32>
      %sub3A = arith.constant 1.000000e+00 : f32
      %sub3A_277 = vector.broadcast %sub3A : f32 to vector<16xf32>
      %sub3A_278 = arith.subf %sub3A_277, %min3A_276 : vector<16xf32>
      %mul3A_279 = arith.constant 9.900000e+01 : f32
      %mul3A_280 = vector.broadcast %mul3A_279 : f32 to vector<16xf32>
      %mul3A_281 = arith.mulf %sub3A_278, %mul3A_280 : vector<16xf32>
      %add3A_282 = arith.constant 5.000000e-01 : f32
      %add3A_283 = vector.broadcast %add3A_282 : f32 to vector<16xf32>
      %add3A_284 = arith.addf %mul3A_281, %add3A_283 : vector<16xf32>
      %convert_element_type3A = arith.fptosi %add3A_284 : vector<16xf32> to vector<16xi32>
      %convert_element_type3A_285 = arith.sitofp %convert_element_type3A : vector<16xi32> to vector<16xf32>
      %eq3A = arith.cmpf oeq, %convert_element_type3A_285, %add3A_284 : vector<16xf32>
      %and3A = arith.constant 1 : i32
      %and3A_286 = vector.broadcast %and3A : i32 to vector<16xi32>
      %and3A_287 = arith.andi %convert_element_type3A, %and3A_286 : vector<16xi32>
      %eq3A_288 = arith.constant 1 : i32
      %eq3A_289 = vector.broadcast %eq3A_288 : i32 to vector<16xi32>
      %eq3A_290 = arith.cmpi eq, %and3A_287, %eq3A_289 : vector<16xi32>
      %and3A_291 = arith.andi %eq3A, %eq3A_290 : vector<16xi1>
      %jit3A = arith.constant 1 : i32
      %jit3A_292 = arith.constant 0 : i32
      %broadcast_in_dim3A_293 = vector.broadcast %jit3A : i32 to vector<16xi32>
      %broadcast_in_dim3A_294 = vector.broadcast %jit3A_292 : i32 to vector<16xi32>
      %select_n3A = arith.select %and3A_291, %broadcast_in_dim3A_293, %broadcast_in_dim3A_294 : vector<16xi1>, vector<16xi32>
      %sub3A_295 = arith.subi %convert_element_type3A, %select_n3A : vector<16xi32>
      %max3A_296 = arith.constant 0 : i32
      %max3A_297 = vector.broadcast %max3A_296 : i32 to vector<16xi32>
      %max3A_298 = arith.maxsi %sub3A_295, %max3A_297 : vector<16xi32>
      %min3A_299 = arith.constant 99 : i32
      %min3A_300 = vector.broadcast %min3A_299 : i32 to vector<16xi32>
      %min3A_301 = arith.minsi %max3A_298, %min3A_300 : vector<16xi32>
      %mul3A_302 = arith.constant 16 : i32
      %mul3A_303 = arith.muli %scan3A_260, %mul3A_302 : i32
      %swap3A = arith.index_cast %mul3A_303 : i32 to index
      %swap3A_304 = tpu.vector_load %arg10[%swap3A] {strides = array<i32>} : memref<1024xi32, #tpu.memory_space<vmem>>, vector<16xi32>,
      tpu.vector_store %arg10[%swap3A], %min3A_301 {strides = array<i32>} : memref<1024xi32, #tpu.memory_space<vmem>>, vector<16xi32>,
      %scan3A_305 = arith.constant 0 : i32
      scf.yield %scan3A_305 : i32
    }
    %scan3A_89 = arith.constant 64 : i32
    %add3A_90 = arith.constant 0 : i32
    %add3A_91 = arith.addi %mul3A_4, %add3A_90 : i32
    %multiple_of3A_92 = tpu.assume_multiple %add3A_91, 8 : i32
    %dma_wait3A = arith.constant 0 : i32
    %dma_wait3A_93 = arith.constant 0 : i32
    %dma_wait3A_94 = tpu.memref_slice %arg3[%dma_wait3A, %multiple_of3A_92, %dma_wait3A_93] : memref<100x4096x128xf32, #tpu.memory_space<hbm>> -> memref<25x8x128xf32, #tpu.memory_space<hbm>>
    %dma_wait3A_95 = arith.constant 0 : i32
    %dma_wait3A_96 = arith.constant 0 : i32
    %dma_wait3A_97 = tpu.memref_slice %arg3[%dma_wait3A_95, %multiple_of3A_92, %dma_wait3A_96] : memref<100x4096x128xf32, #tpu.memory_space<hbm>> -> memref<25x8x128xf32, #tpu.memory_space<hbm>>
    tpu.wait_dma2 semaphore(%arg11 : memref<!tpu.dma_semaphore, #tpu.memory_space<semaphore_mem>>) src(%arg5 : memref<25x8x128xf32, #tpu.memory_space<vmem>>) dst(%dma_wait3A_97 : memref<25x8x128xf32, #tpu.memory_space<hbm>>)
    %scan3A_98 = arith.constant 0 : i32
    %scan3A_99 = arith.constant 0 : i32
    %scan3A_100 = arith.constant 64 : i32
    %scan3A_101 = arith.addi %scan3A_99, %scan3A_100 : i32
    %scan3A_102 = arith.constant 1 : i32
    %scan3A_103 = scf.for %scan3A_260 = %scan3A_99 to %scan3A_101 step %scan3A_102 iter_args(%scan3A_261 = %scan3A_98) -> (i32)  : i32 {
      %mul3A_262 = arith.constant 16 : i32
      %mul3A_263 = arith.muli %scan3A_260, %mul3A_262 : i32
      %get3A = arith.index_cast %mul3A_263 : i32 to index
      %get3A_264 = tpu.vector_load %arg9[%get3A] {strides = array<i32>} : memref<1024xi32, #tpu.memory_space<vmem>>, vector<16xi32>,
      %ge3A = arith.constant 0 : i32
      %ge3A_265 = vector.broadcast %ge3A : i32 to vector<16xi32>
      %ge3A_266 = arith.cmpi sge, %get3A_264, %ge3A_265 : vector<16xi32>
      %lt3A = arith.constant 25 : i32
      %lt3A_267 = vector.broadcast %lt3A : i32 to vector<16xi32>
      %lt3A_268 = arith.cmpi slt, %get3A_264, %lt3A_267 : vector<16xi32>
      %and3A = arith.andi %ge3A_266, %lt3A_268 : vector<16xi1>
      %sub3A = arith.constant 0 : i32
      %sub3A_269 = vector.broadcast %sub3A : i32 to vector<16xi32>
      %sub3A_270 = arith.subi %get3A_264, %sub3A_269 : vector<16xi32>
      %max3A = arith.constant 0 : i32
      %max3A_271 = vector.broadcast %max3A : i32 to vector<16xi32>
      %max3A_272 = arith.maxsi %sub3A_270, %max3A_271 : vector<16xi32>
      %min3A = arith.constant 24 : i32
      %min3A_273 = vector.broadcast %min3A : i32 to vector<16xi32>
      %min3A_274 = arith.minsi %max3A_272, %min3A_273 : vector<16xi32>
      %broadcast_in_dim3A_275 = arith.constant 0 : i32
      %broadcast_in_dim3A_276 = vector.broadcast %broadcast_in_dim3A_275 : i32 to vector<16xi32>
      %jit3A = arith.constant 8 : i32
      %div3A = arith.divsi %scan3A_260, %jit3A : i32
      %sign3A = arith.constant 0 : i32
      %sign3A_277 = arith.cmpi sgt, %scan3A_260, %sign3A : i32
      %sign3A_278 = arith.extui %sign3A_277 : i1 to i32
      %sign3A_279 = arith.constant 0 : i32
      %sign3A_280 = arith.cmpi slt, %scan3A_260, %sign3A_279 : i32
      %sign3A_281 = arith.extui %sign3A_280 : i1 to i32
      %sign3A_282 = arith.subi %sign3A_278, %sign3A_281 : i32
      %sign3A_283 = arith.constant 0 : i32
      %sign3A_284 = arith.cmpi sgt, %jit3A, %sign3A_283 : i32
      %sign3A_285 = arith.extui %sign3A_284 : i1 to i32
      %sign3A_286 = arith.constant 0 : i32
      %sign3A_287 = arith.cmpi slt, %jit3A, %sign3A_286 : i32
      %sign3A_288 = arith.extui %sign3A_287 : i1 to i32
      %sign3A_289 = arith.subi %sign3A_285, %sign3A_288 : i32
      %ne3A = arith.cmpi ne, %sign3A_282, %sign3A_289 : i32
      %rem3A = arith.remsi %scan3A_260, %jit3A : i32
      %ne3A_290 = arith.constant 0 : i32
      %ne3A_291 = arith.cmpi ne, %rem3A, %ne3A_290 : i32
      %and3A_292 = arith.andi %ne3A, %ne3A_291 : i1
      %sub3A_293 = arith.constant 1 : i32
      %sub3A_294 = arith.subi %div3A, %sub3A_293 : i32
      %select_n3A = arith.select %and3A_292, %sub3A_294, %div3A : i32
      %add3A_295 = vector.broadcast %select_n3A : i32 to vector<16xi32>
      %add3A_296 = arith.addi %broadcast_in_dim3A_276, %add3A_295 : vector<16xi32>
      %jit3A_297 = arith.constant 8 : i32
      %eq3A = arith.constant 0 : i32
      %eq3A_298 = arith.cmpi eq, %jit3A_297, %eq3A : i32
      %jit3A_299 = arith.constant 1 : i32
      %select_n3A_300 = arith.select %eq3A_298, %jit3A_299, %jit3A_297 : i32
      %rem3A_301 = arith.remsi %scan3A_260, %select_n3A_300 : i32
      %ne3A_302 = arith.constant 0 : i32
      %ne3A_303 = arith.cmpi ne, %rem3A_301, %ne3A_302 : i32
      %lt3A_304 = arith.constant 0 : i32
      %lt3A_305 = arith.cmpi slt, %rem3A_301, %lt3A_304 : i32
      %lt3A_306 = arith.constant 0 : i32
      %lt3A_307 = arith.cmpi slt, %select_n3A_300, %lt3A_306 : i32
      %ne3A_308 = arith.xori %lt3A_305, %lt3A_307 : i1
      %and3A_309 = arith.andi %ne3A_308, %ne3A_303 : i1
      %add3A_310 = arith.addi %rem3A_301, %select_n3A_300 : i32
      %select_n3A_311 = arith.select %and3A_309, %add3A_310, %rem3A_301 : i32
      %mul3A_312 = arith.constant 16 : i32
      %mul3A_313 = arith.muli %select_n3A_311, %mul3A_312 : i32
      %add3A_314 = vector.broadcast %mul3A_313 : i32 to vector<16xi32>
      %add3A_315 = arith.addi %add3A_314, %iota3A : vector<16xi32>
      tpu.vector_store_idx %arg5[%min3A_274, %add3A_296, %add3A_315], %broadcast_in_dim3A_5 masked %and3A : memref<25x8x128xf32, #tpu.memory_space<vmem>>[vector<16xi32>, vector<16xi32>, vector<16xi32>], vector<16xf32>, vector<16xi1>
      %scan3A_316 = arith.constant 0 : i32
      scf.yield %scan3A_316 : i32
    }
    %scan3A_104 = arith.constant 64 : i32
    %scan3A_105 = arith.constant 0 : i32
    %scan3A_106 = arith.constant 0 : i32
    %scan3A_107 = arith.constant 64 : i32
    %scan3A_108 = arith.addi %scan3A_106, %scan3A_107 : i32
    %scan3A_109 = arith.constant 1 : i32
    %scan3A_110 = scf.for %scan3A_260 = %scan3A_106 to %scan3A_108 step %scan3A_109 iter_args(%scan3A_261 = %scan3A_105) -> (i32)  : i32 {
      %mul3A_262 = arith.constant 16 : i32
      %mul3A_263 = arith.muli %scan3A_260, %mul3A_262 : i32
      %get3A = arith.index_cast %mul3A_263 : i32 to index
      %get3A_264 = tpu.vector_load %arg10[%get3A] {strides = array<i32>} : memref<1024xi32, #tpu.memory_space<vmem>>, vector<16xi32>,
      %ge3A = arith.constant 0 : i32
      %ge3A_265 = vector.broadcast %ge3A : i32 to vector<16xi32>
      %ge3A_266 = arith.cmpi sge, %get3A_264, %ge3A_265 : vector<16xi32>
      %lt3A = arith.constant 25 : i32
      %lt3A_267 = vector.broadcast %lt3A : i32 to vector<16xi32>
      %lt3A_268 = arith.cmpi slt, %get3A_264, %lt3A_267 : vector<16xi32>
      %and3A = arith.andi %ge3A_266, %lt3A_268 : vector<16xi1>
      %sub3A = arith.constant 0 : i32
      %sub3A_269 = vector.broadcast %sub3A : i32 to vector<16xi32>
      %sub3A_270 = arith.subi %get3A_264, %sub3A_269 : vector<16xi32>
      %max3A = arith.constant 0 : i32
      %max3A_271 = vector.broadcast %max3A : i32 to vector<16xi32>
      %max3A_272 = arith.maxsi %sub3A_270, %max3A_271 : vector<16xi32>
      %min3A = arith.constant 24 : i32
      %min3A_273 = vector.broadcast %min3A : i32 to vector<16xi32>
      %min3A_274 = arith.minsi %max3A_272, %min3A_273 : vector<16xi32>
      %broadcast_in_dim3A_275 = arith.constant 0 : i32
      %broadcast_in_dim3A_276 = vector.broadcast %broadcast_in_dim3A_275 : i32 to vector<16xi32>
      %jit3A = arith.constant 8 : i32
      %div3A = arith.divsi %scan3A_260, %jit3A : i32
      %sign3A = arith.constant 0 : i32
      %sign3A_277 = arith.cmpi sgt, %scan3A_260, %sign3A : i32
      %sign3A_278 = arith.extui %sign3A_277 : i1 to i32
      %sign3A_279 = arith.constant 0 : i32
      %sign3A_280 = arith.cmpi slt, %scan3A_260, %sign3A_279 : i32
      %sign3A_281 = arith.extui %sign3A_280 : i1 to i32
      %sign3A_282 = arith.subi %sign3A_278, %sign3A_281 : i32
      %sign3A_283 = arith.constant 0 : i32
      %sign3A_284 = arith.cmpi sgt, %jit3A, %sign3A_283 : i32
      %sign3A_285 = arith.extui %sign3A_284 : i1 to i32
      %sign3A_286 = arith.constant 0 : i32
      %sign3A_287 = arith.cmpi slt, %jit3A, %sign3A_286 : i32
      %sign3A_288 = arith.extui %sign3A_287 : i1 to i32
      %sign3A_289 = arith.subi %sign3A_285, %sign3A_288 : i32
      %ne3A = arith.cmpi ne, %sign3A_282, %sign3A_289 : i32
      %rem3A = arith.remsi %scan3A_260, %jit3A : i32
      %ne3A_290 = arith.constant 0 : i32
      %ne3A_291 = arith.cmpi ne, %rem3A, %ne3A_290 : i32
      %and3A_292 = arith.andi %ne3A, %ne3A_291 : i1
      %sub3A_293 = arith.constant 1 : i32
      %sub3A_294 = arith.subi %div3A, %sub3A_293 : i32
      %select_n3A = arith.select %and3A_292, %sub3A_294, %div3A : i32
      %add3A_295 = vector.broadcast %select_n3A : i32 to vector<16xi32>
      %add3A_296 = arith.addi %broadcast_in_dim3A_276, %add3A_295 : vector<16xi32>
      %jit3A_297 = arith.constant 8 : i32
      %eq3A = arith.constant 0 : i32
      %eq3A_298 = arith.cmpi eq, %jit3A_297, %eq3A : i32
      %jit3A_299 = arith.constant 1 : i32
      %select_n3A_300 = arith.select %eq3A_298, %jit3A_299, %jit3A_297 : i32
      %rem3A_301 = arith.remsi %scan3A_260, %select_n3A_300 : i32
      %ne3A_302 = arith.constant 0 : i32
      %ne3A_303 = arith.cmpi ne, %rem3A_301, %ne3A_302 : i32
      %lt3A_304 = arith.constant 0 : i32
      %lt3A_305 = arith.cmpi slt, %rem3A_301, %lt3A_304 : i32
      %lt3A_306 = arith.constant 0 : i32
      %lt3A_307 = arith.cmpi slt, %select_n3A_300, %lt3A_306 : i32
      %ne3A_308 = arith.xori %lt3A_305, %lt3A_307 : i1
      %and3A_309 = arith.andi %ne3A_308, %ne3A_303 : i1
      %add3A_310 = arith.addi %rem3A_301, %select_n3A_300 : i32
      %select_n3A_311 = arith.select %and3A_309, %add3A_310, %rem3A_301 : i32
      %mul3A_312 = arith.constant 16 : i32
      %mul3A_313 = arith.muli %select_n3A_311, %mul3A_312 : i32
      %add3A_314 = vector.broadcast %mul3A_313 : i32 to vector<16xi32>
      %add3A_315 = arith.addi %add3A_314, %iota3A : vector<16xi32>
      tpu.vector_store_idx %arg5[%min3A_274, %add3A_296, %add3A_315], %broadcast_in_dim3A_7 masked %and3A : memref<25x8x128xf32, #tpu.memory_space<vmem>>[vector<16xi32>, vector<16xi32>, vector<16xi32>], vector<16xf32>, vector<16xi1>
      %scan3A_316 = arith.constant 0 : i32
      scf.yield %scan3A_316 : i32
    }
    %scan3A_111 = arith.constant 64 : i32
    %add3A_112 = arith.constant 8 : i32
    %add3A_113 = arith.addi %mul3A_4, %add3A_112 : i32
    %multiple_of3A_114 = tpu.assume_multiple %add3A_113, 8 : i32
    %dma_start3A_115 = arith.constant 0 : i32
    %dma_start3A_116 = arith.constant 0 : i32
    %dma_start3A_117 = tpu.memref_slice %arg3[%dma_start3A_115, %multiple_of3A_114, %dma_start3A_116] : memref<100x4096x128xf32, #tpu.memory_space<hbm>> -> memref<25x8x128xf32, #tpu.memory_space<hbm>>
    %dma_start3A_118 = arith.constant 0 : i32
    %dma_start3A_119 = arith.constant 0 : i32
    %dma_start3A_120 = tpu.memref_slice %arg3[%dma_start3A_118, %multiple_of3A_114, %dma_start3A_119] : memref<100x4096x128xf32, #tpu.memory_space<hbm>> -> memref<25x8x128xf32, #tpu.memory_space<hbm>>
    tpu.enqueue_dma source(%arg5 : memref<25x8x128xf32, #tpu.memory_space<vmem>>) target(%dma_start3A_120 : memref<25x8x128xf32, #tpu.memory_space<hbm>>) target_semaphore(%arg11 : memref<!tpu.dma_semaphore, #tpu.memory_space<semaphore_mem>>)
    %add3A_121 = arith.constant 0 : i32
    %add3A_122 = arith.addi %mul3A_4, %add3A_121 : i32
    %multiple_of3A_123 = tpu.assume_multiple %add3A_122, 8 : i32
    %dma_wait3A_124 = arith.constant 25 : i32
    %dma_wait3A_125 = arith.constant 0 : i32
    %dma_wait3A_126 = tpu.memref_slice %arg3[%dma_wait3A_124, %multiple_of3A_123, %dma_wait3A_125] : memref<100x4096x128xf32, #tpu.memory_space<hbm>> -> memref<25x8x128xf32, #tpu.memory_space<hbm>>
    %dma_wait3A_127 = arith.constant 25 : i32
    %dma_wait3A_128 = arith.constant 0 : i32
    %dma_wait3A_129 = tpu.memref_slice %arg3[%dma_wait3A_127, %multiple_of3A_123, %dma_wait3A_128] : memref<100x4096x128xf32, #tpu.memory_space<hbm>> -> memref<25x8x128xf32, #tpu.memory_space<hbm>>
    tpu.wait_dma2 semaphore(%arg12 : memref<!tpu.dma_semaphore, #tpu.memory_space<semaphore_mem>>) src(%arg6 : memref<25x8x128xf32, #tpu.memory_space<vmem>>) dst(%dma_wait3A_129 : memref<25x8x128xf32, #tpu.memory_space<hbm>>)
    %scan3A_130 = arith.constant 0 : i32
    %scan3A_131 = arith.constant 0 : i32
    %scan3A_132 = arith.constant 64 : i32
    %scan3A_133 = arith.addi %scan3A_131, %scan3A_132 : i32
    %scan3A_134 = arith.constant 1 : i32
    %scan3A_135 = scf.for %scan3A_260 = %scan3A_131 to %scan3A_133 step %scan3A_134 iter_args(%scan3A_261 = %scan3A_130) -> (i32)  : i32 {
      %mul3A_262 = arith.constant 16 : i32
      %mul3A_263 = arith.muli %scan3A_260, %mul3A_262 : i32
      %get3A = arith.index_cast %mul3A_263 : i32 to index
      %get3A_264 = tpu.vector_load %arg9[%get3A] {strides = array<i32>} : memref<1024xi32, #tpu.memory_space<vmem>>, vector<16xi32>,
      %ge3A = arith.constant 25 : i32
      %ge3A_265 = vector.broadcast %ge3A : i32 to vector<16xi32>
      %ge3A_266 = arith.cmpi sge, %get3A_264, %ge3A_265 : vector<16xi32>
      %lt3A = arith.constant 50 : i32
      %lt3A_267 = vector.broadcast %lt3A : i32 to vector<16xi32>
      %lt3A_268 = arith.cmpi slt, %get3A_264, %lt3A_267 : vector<16xi32>
      %and3A = arith.andi %ge3A_266, %lt3A_268 : vector<16xi1>
      %sub3A = arith.constant 25 : i32
      %sub3A_269 = vector.broadcast %sub3A : i32 to vector<16xi32>
      %sub3A_270 = arith.subi %get3A_264, %sub3A_269 : vector<16xi32>
      %max3A = arith.constant 0 : i32
      %max3A_271 = vector.broadcast %max3A : i32 to vector<16xi32>
      %max3A_272 = arith.maxsi %sub3A_270, %max3A_271 : vector<16xi32>
      %min3A = arith.constant 24 : i32
      %min3A_273 = vector.broadcast %min3A : i32 to vector<16xi32>
      %min3A_274 = arith.minsi %max3A_272, %min3A_273 : vector<16xi32>
      %broadcast_in_dim3A_275 = arith.constant 0 : i32
      %broadcast_in_dim3A_276 = vector.broadcast %broadcast_in_dim3A_275 : i32 to vector<16xi32>
      %jit3A = arith.constant 8 : i32
      %div3A = arith.divsi %scan3A_260, %jit3A : i32
      %sign3A = arith.constant 0 : i32
      %sign3A_277 = arith.cmpi sgt, %scan3A_260, %sign3A : i32
      %sign3A_278 = arith.extui %sign3A_277 : i1 to i32
      %sign3A_279 = arith.constant 0 : i32
      %sign3A_280 = arith.cmpi slt, %scan3A_260, %sign3A_279 : i32
      %sign3A_281 = arith.extui %sign3A_280 : i1 to i32
      %sign3A_282 = arith.subi %sign3A_278, %sign3A_281 : i32
      %sign3A_283 = arith.constant 0 : i32
      %sign3A_284 = arith.cmpi sgt, %jit3A, %sign3A_283 : i32
      %sign3A_285 = arith.extui %sign3A_284 : i1 to i32
      %sign3A_286 = arith.constant 0 : i32
      %sign3A_287 = arith.cmpi slt, %jit3A, %sign3A_286 : i32
      %sign3A_288 = arith.extui %sign3A_287 : i1 to i32
      %sign3A_289 = arith.subi %sign3A_285, %sign3A_288 : i32
      %ne3A = arith.cmpi ne, %sign3A_282, %sign3A_289 : i32
      %rem3A = arith.remsi %scan3A_260, %jit3A : i32
      %ne3A_290 = arith.constant 0 : i32
      %ne3A_291 = arith.cmpi ne, %rem3A, %ne3A_290 : i32
      %and3A_292 = arith.andi %ne3A, %ne3A_291 : i1
      %sub3A_293 = arith.constant 1 : i32
      %sub3A_294 = arith.subi %div3A, %sub3A_293 : i32
      %select_n3A = arith.select %and3A_292, %sub3A_294, %div3A : i32
      %add3A_295 = vector.broadcast %select_n3A : i32 to vector<16xi32>
      %add3A_296 = arith.addi %broadcast_in_dim3A_276, %add3A_295 : vector<16xi32>
      %jit3A_297 = arith.constant 8 : i32
      %eq3A = arith.constant 0 : i32
      %eq3A_298 = arith.cmpi eq, %jit3A_297, %eq3A : i32
      %jit3A_299 = arith.constant 1 : i32
      %select_n3A_300 = arith.select %eq3A_298, %jit3A_299, %jit3A_297 : i32
      %rem3A_301 = arith.remsi %scan3A_260, %select_n3A_300 : i32
      %ne3A_302 = arith.constant 0 : i32
      %ne3A_303 = arith.cmpi ne, %rem3A_301, %ne3A_302 : i32
      %lt3A_304 = arith.constant 0 : i32
      %lt3A_305 = arith.cmpi slt, %rem3A_301, %lt3A_304 : i32
      %lt3A_306 = arith.constant 0 : i32
      %lt3A_307 = arith.cmpi slt, %select_n3A_300, %lt3A_306 : i32
      %ne3A_308 = arith.xori %lt3A_305, %lt3A_307 : i1
      %and3A_309 = arith.andi %ne3A_308, %ne3A_303 : i1
      %add3A_310 = arith.addi %rem3A_301, %select_n3A_300 : i32
      %select_n3A_311 = arith.select %and3A_309, %add3A_310, %rem3A_301 : i32
      %mul3A_312 = arith.constant 16 : i32
      %mul3A_313 = arith.muli %select_n3A_311, %mul3A_312 : i32
      %add3A_314 = vector.broadcast %mul3A_313 : i32 to vector<16xi32>
      %add3A_315 = arith.addi %add3A_314, %iota3A : vector<16xi32>
      tpu.vector_store_idx %arg6[%min3A_274, %add3A_296, %add3A_315], %broadcast_in_dim3A_5 masked %and3A : memref<25x8x128xf32, #tpu.memory_space<vmem>>[vector<16xi32>, vector<16xi32>, vector<16xi32>], vector<16xf32>, vector<16xi1>
      %scan3A_316 = arith.constant 0 : i32
      scf.yield %scan3A_316 : i32
    }
    %scan3A_136 = arith.constant 64 : i32
    %scan3A_137 = arith.constant 0 : i32
    %scan3A_138 = arith.constant 0 : i32
    %scan3A_139 = arith.constant 64 : i32
    %scan3A_140 = arith.addi %scan3A_138, %scan3A_139 : i32
    %scan3A_141 = arith.constant 1 : i32
    %scan3A_142 = scf.for %scan3A_260 = %scan3A_138 to %scan3A_140 step %scan3A_141 iter_args(%scan3A_261 = %scan3A_137) -> (i32)  : i32 {
      %mul3A_262 = arith.constant 16 : i32
      %mul3A_263 = arith.muli %scan3A_260, %mul3A_262 : i32
      %get3A = arith.index_cast %mul3A_263 : i32 to index
      %get3A_264 = tpu.vector_load %arg10[%get3A] {strides = array<i32>} : memref<1024xi32, #tpu.memory_space<vmem>>, vector<16xi32>,
      %ge3A = arith.constant 25 : i32
      %ge3A_265 = vector.broadcast %ge3A : i32 to vector<16xi32>
      %ge3A_266 = arith.cmpi sge, %get3A_264, %ge3A_265 : vector<16xi32>
      %lt3A = arith.constant 50 : i32
      %lt3A_267 = vector.broadcast %lt3A : i32 to vector<16xi32>
      %lt3A_268 = arith.cmpi slt, %get3A_264, %lt3A_267 : vector<16xi32>
      %and3A = arith.andi %ge3A_266, %lt3A_268 : vector<16xi1>
      %sub3A = arith.constant 25 : i32
      %sub3A_269 = vector.broadcast %sub3A : i32 to vector<16xi32>
      %sub3A_270 = arith.subi %get3A_264, %sub3A_269 : vector<16xi32>
      %max3A = arith.constant 0 : i32
      %max3A_271 = vector.broadcast %max3A : i32 to vector<16xi32>
      %max3A_272 = arith.maxsi %sub3A_270, %max3A_271 : vector<16xi32>
      %min3A = arith.constant 24 : i32
      %min3A_273 = vector.broadcast %min3A : i32 to vector<16xi32>
      %min3A_274 = arith.minsi %max3A_272, %min3A_273 : vector<16xi32>
      %broadcast_in_dim3A_275 = arith.constant 0 : i32
      %broadcast_in_dim3A_276 = vector.broadcast %broadcast_in_dim3A_275 : i32 to vector<16xi32>
      %jit3A = arith.constant 8 : i32
      %div3A = arith.divsi %scan3A_260, %jit3A : i32
      %sign3A = arith.constant 0 : i32
      %sign3A_277 = arith.cmpi sgt, %scan3A_260, %sign3A : i32
      %sign3A_278 = arith.extui %sign3A_277 : i1 to i32
      %sign3A_279 = arith.constant 0 : i32
      %sign3A_280 = arith.cmpi slt, %scan3A_260, %sign3A_279 : i32
      %sign3A_281 = arith.extui %sign3A_280 : i1 to i32
      %sign3A_282 = arith.subi %sign3A_278, %sign3A_281 : i32
      %sign3A_283 = arith.constant 0 : i32
      %sign3A_284 = arith.cmpi sgt, %jit3A, %sign3A_283 : i32
      %sign3A_285 = arith.extui %sign3A_284 : i1 to i32
      %sign3A_286 = arith.constant 0 : i32
      %sign3A_287 = arith.cmpi slt, %jit3A, %sign3A_286 : i32
      %sign3A_288 = arith.extui %sign3A_287 : i1 to i32
      %sign3A_289 = arith.subi %sign3A_285, %sign3A_288 : i32
      %ne3A = arith.cmpi ne, %sign3A_282, %sign3A_289 : i32
      %rem3A = arith.remsi %scan3A_260, %jit3A : i32
      %ne3A_290 = arith.constant 0 : i32
      %ne3A_291 = arith.cmpi ne, %rem3A, %ne3A_290 : i32
      %and3A_292 = arith.andi %ne3A, %ne3A_291 : i1
      %sub3A_293 = arith.constant 1 : i32
      %sub3A_294 = arith.subi %div3A, %sub3A_293 : i32
      %select_n3A = arith.select %and3A_292, %sub3A_294, %div3A : i32
      %add3A_295 = vector.broadcast %select_n3A : i32 to vector<16xi32>
      %add3A_296 = arith.addi %broadcast_in_dim3A_276, %add3A_295 : vector<16xi32>
      %jit3A_297 = arith.constant 8 : i32
      %eq3A = arith.constant 0 : i32
      %eq3A_298 = arith.cmpi eq, %jit3A_297, %eq3A : i32
      %jit3A_299 = arith.constant 1 : i32
      %select_n3A_300 = arith.select %eq3A_298, %jit3A_299, %jit3A_297 : i32
      %rem3A_301 = arith.remsi %scan3A_260, %select_n3A_300 : i32
      %ne3A_302 = arith.constant 0 : i32
      %ne3A_303 = arith.cmpi ne, %rem3A_301, %ne3A_302 : i32
      %lt3A_304 = arith.constant 0 : i32
      %lt3A_305 = arith.cmpi slt, %rem3A_301, %lt3A_304 : i32
      %lt3A_306 = arith.constant 0 : i32
      %lt3A_307 = arith.cmpi slt, %select_n3A_300, %lt3A_306 : i32
      %ne3A_308 = arith.xori %lt3A_305, %lt3A_307 : i1
      %and3A_309 = arith.andi %ne3A_308, %ne3A_303 : i1
      %add3A_310 = arith.addi %rem3A_301, %select_n3A_300 : i32
      %select_n3A_311 = arith.select %and3A_309, %add3A_310, %rem3A_301 : i32
      %mul3A_312 = arith.constant 16 : i32
      %mul3A_313 = arith.muli %select_n3A_311, %mul3A_312 : i32
      %add3A_314 = vector.broadcast %mul3A_313 : i32 to vector<16xi32>
      %add3A_315 = arith.addi %add3A_314, %iota3A : vector<16xi32>
      tpu.vector_store_idx %arg6[%min3A_274, %add3A_296, %add3A_315], %broadcast_in_dim3A_7 masked %and3A : memref<25x8x128xf32, #tpu.memory_space<vmem>>[vector<16xi32>, vector<16xi32>, vector<16xi32>], vector<16xf32>, vector<16xi1>
      %scan3A_316 = arith.constant 0 : i32
      scf.yield %scan3A_316 : i32
    }
    %scan3A_143 = arith.constant 64 : i32
    %add3A_144 = arith.constant 8 : i32
    %add3A_145 = arith.addi %mul3A_4, %add3A_144 : i32
    %multiple_of3A_146 = tpu.assume_multiple %add3A_145, 8 : i32
    %dma_start3A_147 = arith.constant 25 : i32
    %dma_start3A_148 = arith.constant 0 : i32
    %dma_start3A_149 = tpu.memref_slice %arg3[%dma_start3A_147, %multiple_of3A_146, %dma_start3A_148] : memref<100x4096x128xf32, #tpu.memory_space<hbm>> -> memref<25x8x128xf32, #tpu.memory_space<hbm>>
    %dma_start3A_150 = arith.constant 25 : i32
    %dma_start3A_151 = arith.constant 0 : i32
    %dma_start3A_152 = tpu.memref_slice %arg3[%dma_start3A_150, %multiple_of3A_146, %dma_start3A_151] : memref<100x4096x128xf32, #tpu.memory_space<hbm>> -> memref<25x8x128xf32, #tpu.memory_space<hbm>>
    tpu.enqueue_dma source(%arg6 : memref<25x8x128xf32, #tpu.memory_space<vmem>>) target(%dma_start3A_152 : memref<25x8x128xf32, #tpu.memory_space<hbm>>) target_semaphore(%arg12 : memref<!tpu.dma_semaphore, #tpu.memory_space<semaphore_mem>>)
    %add3A_153 = arith.constant 0 : i32
    %add3A_154 = arith.addi %mul3A_4, %add3A_153 : i32
    %multiple_of3A_155 = tpu.assume_multiple %add3A_154, 8 : i32
    %dma_wait3A_156 = arith.constant 50 : i32
    %dma_wait3A_157 = arith.constant 0 : i32
    %dma_wait3A_158 = tpu.memref_slice %arg3[%dma_wait3A_156, %multiple_of3A_155, %dma_wait3A_157] : memref<100x4096x128xf32, #tpu.memory_space<hbm>> -> memref<25x8x128xf32, #tpu.memory_space<hbm>>
    %dma_wait3A_159 = arith.constant 50 : i32
    %dma_wait3A_160 = arith.constant 0 : i32
    %dma_wait3A_161 = tpu.memref_slice %arg3[%dma_wait3A_159, %multiple_of3A_155, %dma_wait3A_160] : memref<100x4096x128xf32, #tpu.memory_space<hbm>> -> memref<25x8x128xf32, #tpu.memory_space<hbm>>
    tpu.wait_dma2 semaphore(%arg13 : memref<!tpu.dma_semaphore, #tpu.memory_space<semaphore_mem>>) src(%arg7 : memref<25x8x128xf32, #tpu.memory_space<vmem>>) dst(%dma_wait3A_161 : memref<25x8x128xf32, #tpu.memory_space<hbm>>)
    %scan3A_162 = arith.constant 0 : i32
    %scan3A_163 = arith.constant 0 : i32
    %scan3A_164 = arith.constant 64 : i32
    %scan3A_165 = arith.addi %scan3A_163, %scan3A_164 : i32
    %scan3A_166 = arith.constant 1 : i32
    %scan3A_167 = scf.for %scan3A_260 = %scan3A_163 to %scan3A_165 step %scan3A_166 iter_args(%scan3A_261 = %scan3A_162) -> (i32)  : i32 {
      %mul3A_262 = arith.constant 16 : i32
      %mul3A_263 = arith.muli %scan3A_260, %mul3A_262 : i32
      %get3A = arith.index_cast %mul3A_263 : i32 to index
      %get3A_264 = tpu.vector_load %arg9[%get3A] {strides = array<i32>} : memref<1024xi32, #tpu.memory_space<vmem>>, vector<16xi32>,
      %ge3A = arith.constant 50 : i32
      %ge3A_265 = vector.broadcast %ge3A : i32 to vector<16xi32>
      %ge3A_266 = arith.cmpi sge, %get3A_264, %ge3A_265 : vector<16xi32>
      %lt3A = arith.constant 75 : i32
      %lt3A_267 = vector.broadcast %lt3A : i32 to vector<16xi32>
      %lt3A_268 = arith.cmpi slt, %get3A_264, %lt3A_267 : vector<16xi32>
      %and3A = arith.andi %ge3A_266, %lt3A_268 : vector<16xi1>
      %sub3A = arith.constant 50 : i32
      %sub3A_269 = vector.broadcast %sub3A : i32 to vector<16xi32>
      %sub3A_270 = arith.subi %get3A_264, %sub3A_269 : vector<16xi32>
      %max3A = arith.constant 0 : i32
      %max3A_271 = vector.broadcast %max3A : i32 to vector<16xi32>
      %max3A_272 = arith.maxsi %sub3A_270, %max3A_271 : vector<16xi32>
      %min3A = arith.constant 24 : i32
      %min3A_273 = vector.broadcast %min3A : i32 to vector<16xi32>
      %min3A_274 = arith.minsi %max3A_272, %min3A_273 : vector<16xi32>
      %broadcast_in_dim3A_275 = arith.constant 0 : i32
      %broadcast_in_dim3A_276 = vector.broadcast %broadcast_in_dim3A_275 : i32 to vector<16xi32>
      %jit3A = arith.constant 8 : i32
      %div3A = arith.divsi %scan3A_260, %jit3A : i32
      %sign3A = arith.constant 0 : i32
      %sign3A_277 = arith.cmpi sgt, %scan3A_260, %sign3A : i32
      %sign3A_278 = arith.extui %sign3A_277 : i1 to i32
      %sign3A_279 = arith.constant 0 : i32
      %sign3A_280 = arith.cmpi slt, %scan3A_260, %sign3A_279 : i32
      %sign3A_281 = arith.extui %sign3A_280 : i1 to i32
      %sign3A_282 = arith.subi %sign3A_278, %sign3A_281 : i32
      %sign3A_283 = arith.constant 0 : i32
      %sign3A_284 = arith.cmpi sgt, %jit3A, %sign3A_283 : i32
      %sign3A_285 = arith.extui %sign3A_284 : i1 to i32
      %sign3A_286 = arith.constant 0 : i32
      %sign3A_287 = arith.cmpi slt, %jit3A, %sign3A_286 : i32
      %sign3A_288 = arith.extui %sign3A_287 : i1 to i32
      %sign3A_289 = arith.subi %sign3A_285, %sign3A_288 : i32
      %ne3A = arith.cmpi ne, %sign3A_282, %sign3A_289 : i32
      %rem3A = arith.remsi %scan3A_260, %jit3A : i32
      %ne3A_290 = arith.constant 0 : i32
      %ne3A_291 = arith.cmpi ne, %rem3A, %ne3A_290 : i32
      %and3A_292 = arith.andi %ne3A, %ne3A_291 : i1
      %sub3A_293 = arith.constant 1 : i32
      %sub3A_294 = arith.subi %div3A, %sub3A_293 : i32
      %select_n3A = arith.select %and3A_292, %sub3A_294, %div3A : i32
      %add3A_295 = vector.broadcast %select_n3A : i32 to vector<16xi32>
      %add3A_296 = arith.addi %broadcast_in_dim3A_276, %add3A_295 : vector<16xi32>
      %jit3A_297 = arith.constant 8 : i32
      %eq3A = arith.constant 0 : i32
      %eq3A_298 = arith.cmpi eq, %jit3A_297, %eq3A : i32
      %jit3A_299 = arith.constant 1 : i32
      %select_n3A_300 = arith.select %eq3A_298, %jit3A_299, %jit3A_297 : i32
      %rem3A_301 = arith.remsi %scan3A_260, %select_n3A_300 : i32
      %ne3A_302 = arith.constant 0 : i32
      %ne3A_303 = arith.cmpi ne, %rem3A_301, %ne3A_302 : i32
      %lt3A_304 = arith.constant 0 : i32
      %lt3A_305 = arith.cmpi slt, %rem3A_301, %lt3A_304 : i32
      %lt3A_306 = arith.constant 0 : i32
      %lt3A_307 = arith.cmpi slt, %select_n3A_300, %lt3A_306 : i32
      %ne3A_308 = arith.xori %lt3A_305, %lt3A_307 : i1
      %and3A_309 = arith.andi %ne3A_308, %ne3A_303 : i1
      %add3A_310 = arith.addi %rem3A_301, %select_n3A_300 : i32
      %select_n3A_311 = arith.select %and3A_309, %add3A_310, %rem3A_301 : i32
      %mul3A_312 = arith.constant 16 : i32
      %mul3A_313 = arith.muli %select_n3A_311, %mul3A_312 : i32
      %add3A_314 = vector.broadcast %mul3A_313 : i32 to vector<16xi32>
      %add3A_315 = arith.addi %add3A_314, %iota3A : vector<16xi32>
      tpu.vector_store_idx %arg7[%min3A_274, %add3A_296, %add3A_315], %broadcast_in_dim3A_5 masked %and3A : memref<25x8x128xf32, #tpu.memory_space<vmem>>[vector<16xi32>, vector<16xi32>, vector<16xi32>], vector<16xf32>, vector<16xi1>
      %scan3A_316 = arith.constant 0 : i32
      scf.yield %scan3A_316 : i32
    }
    %scan3A_168 = arith.constant 64 : i32
    %scan3A_169 = arith.constant 0 : i32
    %scan3A_170 = arith.constant 0 : i32
    %scan3A_171 = arith.constant 64 : i32
    %scan3A_172 = arith.addi %scan3A_170, %scan3A_171 : i32
    %scan3A_173 = arith.constant 1 : i32
    %scan3A_174 = scf.for %scan3A_260 = %scan3A_170 to %scan3A_172 step %scan3A_173 iter_args(%scan3A_261 = %scan3A_169) -> (i32)  : i32 {
      %mul3A_262 = arith.constant 16 : i32
      %mul3A_263 = arith.muli %scan3A_260, %mul3A_262 : i32
      %get3A = arith.index_cast %mul3A_263 : i32 to index
      %get3A_264 = tpu.vector_load %arg10[%get3A] {strides = array<i32>} : memref<1024xi32, #tpu.memory_space<vmem>>, vector<16xi32>,
      %ge3A = arith.constant 50 : i32
      %ge3A_265 = vector.broadcast %ge3A : i32 to vector<16xi32>
      %ge3A_266 = arith.cmpi sge, %get3A_264, %ge3A_265 : vector<16xi32>
      %lt3A = arith.constant 75 : i32
      %lt3A_267 = vector.broadcast %lt3A : i32 to vector<16xi32>
      %lt3A_268 = arith.cmpi slt, %get3A_264, %lt3A_267 : vector<16xi32>
      %and3A = arith.andi %ge3A_266, %lt3A_268 : vector<16xi1>
      %sub3A = arith.constant 50 : i32
      %sub3A_269 = vector.broadcast %sub3A : i32 to vector<16xi32>
      %sub3A_270 = arith.subi %get3A_264, %sub3A_269 : vector<16xi32>
      %max3A = arith.constant 0 : i32
      %max3A_271 = vector.broadcast %max3A : i32 to vector<16xi32>
      %max3A_272 = arith.maxsi %sub3A_270, %max3A_271 : vector<16xi32>
      %min3A = arith.constant 24 : i32
      %min3A_273 = vector.broadcast %min3A : i32 to vector<16xi32>
      %min3A_274 = arith.minsi %max3A_272, %min3A_273 : vector<16xi32>
      %broadcast_in_dim3A_275 = arith.constant 0 : i32
      %broadcast_in_dim3A_276 = vector.broadcast %broadcast_in_dim3A_275 : i32 to vector<16xi32>
      %jit3A = arith.constant 8 : i32
      %div3A = arith.divsi %scan3A_260, %jit3A : i32
      %sign3A = arith.constant 0 : i32
      %sign3A_277 = arith.cmpi sgt, %scan3A_260, %sign3A : i32
      %sign3A_278 = arith.extui %sign3A_277 : i1 to i32
      %sign3A_279 = arith.constant 0 : i32
      %sign3A_280 = arith.cmpi slt, %scan3A_260, %sign3A_279 : i32
      %sign3A_281 = arith.extui %sign3A_280 : i1 to i32
      %sign3A_282 = arith.subi %sign3A_278, %sign3A_281 : i32
      %sign3A_283 = arith.constant 0 : i32
      %sign3A_284 = arith.cmpi sgt, %jit3A, %sign3A_283 : i32
      %sign3A_285 = arith.extui %sign3A_284 : i1 to i32
      %sign3A_286 = arith.constant 0 : i32
      %sign3A_287 = arith.cmpi slt, %jit3A, %sign3A_286 : i32
      %sign3A_288 = arith.extui %sign3A_287 : i1 to i32
      %sign3A_289 = arith.subi %sign3A_285, %sign3A_288 : i32
      %ne3A = arith.cmpi ne, %sign3A_282, %sign3A_289 : i32
      %rem3A = arith.remsi %scan3A_260, %jit3A : i32
      %ne3A_290 = arith.constant 0 : i32
      %ne3A_291 = arith.cmpi ne, %rem3A, %ne3A_290 : i32
      %and3A_292 = arith.andi %ne3A, %ne3A_291 : i1
      %sub3A_293 = arith.constant 1 : i32
      %sub3A_294 = arith.subi %div3A, %sub3A_293 : i32
      %select_n3A = arith.select %and3A_292, %sub3A_294, %div3A : i32
      %add3A_295 = vector.broadcast %select_n3A : i32 to vector<16xi32>
      %add3A_296 = arith.addi %broadcast_in_dim3A_276, %add3A_295 : vector<16xi32>
      %jit3A_297 = arith.constant 8 : i32
      %eq3A = arith.constant 0 : i32
      %eq3A_298 = arith.cmpi eq, %jit3A_297, %eq3A : i32
      %jit3A_299 = arith.constant 1 : i32
      %select_n3A_300 = arith.select %eq3A_298, %jit3A_299, %jit3A_297 : i32
      %rem3A_301 = arith.remsi %scan3A_260, %select_n3A_300 : i32
      %ne3A_302 = arith.constant 0 : i32
      %ne3A_303 = arith.cmpi ne, %rem3A_301, %ne3A_302 : i32
      %lt3A_304 = arith.constant 0 : i32
      %lt3A_305 = arith.cmpi slt, %rem3A_301, %lt3A_304 : i32
      %lt3A_306 = arith.constant 0 : i32
      %lt3A_307 = arith.cmpi slt, %select_n3A_300, %lt3A_306 : i32
      %ne3A_308 = arith.xori %lt3A_305, %lt3A_307 : i1
      %and3A_309 = arith.andi %ne3A_308, %ne3A_303 : i1
      %add3A_310 = arith.addi %rem3A_301, %select_n3A_300 : i32
      %select_n3A_311 = arith.select %and3A_309, %add3A_310, %rem3A_301 : i32
      %mul3A_312 = arith.constant 16 : i32
      %mul3A_313 = arith.muli %select_n3A_311, %mul3A_312 : i32
      %add3A_314 = vector.broadcast %mul3A_313 : i32 to vector<16xi32>
      %add3A_315 = arith.addi %add3A_314, %iota3A : vector<16xi32>
      tpu.vector_store_idx %arg7[%min3A_274, %add3A_296, %add3A_315], %broadcast_in_dim3A_7 masked %and3A : memref<25x8x128xf32, #tpu.memory_space<vmem>>[vector<16xi32>, vector<16xi32>, vector<16xi32>], vector<16xf32>, vector<16xi1>
      %scan3A_316 = arith.constant 0 : i32
      scf.yield %scan3A_316 : i32
    }
    %scan3A_175 = arith.constant 64 : i32
    %add3A_176 = arith.constant 8 : i32
    %add3A_177 = arith.addi %mul3A_4, %add3A_176 : i32
    %multiple_of3A_178 = tpu.assume_multiple %add3A_177, 8 : i32
    %dma_start3A_179 = arith.constant 50 : i32
    %dma_start3A_180 = arith.constant 0 : i32
    %dma_start3A_181 = tpu.memref_slice %arg3[%dma_start3A_179, %multiple_of3A_178, %dma_start3A_180] : memref<100x4096x128xf32, #tpu.memory_space<hbm>> -> memref<25x8x128xf32, #tpu.memory_space<hbm>>
    %dma_start3A_182 = arith.constant 50 : i32
    %dma_start3A_183 = arith.constant 0 : i32
    %dma_start3A_184 = tpu.memref_slice %arg3[%dma_start3A_182, %multiple_of3A_178, %dma_start3A_183] : memref<100x4096x128xf32, #tpu.memory_space<hbm>> -> memref<25x8x128xf32, #tpu.memory_space<hbm>>
    tpu.enqueue_dma source(%arg7 : memref<25x8x128xf32, #tpu.memory_space<vmem>>) target(%dma_start3A_184 : memref<25x8x128xf32, #tpu.memory_space<hbm>>) target_semaphore(%arg13 : memref<!tpu.dma_semaphore, #tpu.memory_space<semaphore_mem>>)
    %add3A_185 = arith.constant 0 : i32
    %add3A_186 = arith.addi %mul3A_4, %add3A_185 : i32
    %multiple_of3A_187 = tpu.assume_multiple %add3A_186, 8 : i32
    %dma_wait3A_188 = arith.constant 75 : i32
    %dma_wait3A_189 = arith.constant 0 : i32
    %dma_wait3A_190 = tpu.memref_slice %arg3[%dma_wait3A_188, %multiple_of3A_187, %dma_wait3A_189] : memref<100x4096x128xf32, #tpu.memory_space<hbm>> -> memref<25x8x128xf32, #tpu.memory_space<hbm>>
    %dma_wait3A_191 = arith.constant 75 : i32
    %dma_wait3A_192 = arith.constant 0 : i32
    %dma_wait3A_193 = tpu.memref_slice %arg3[%dma_wait3A_191, %multiple_of3A_187, %dma_wait3A_192] : memref<100x4096x128xf32, #tpu.memory_space<hbm>> -> memref<25x8x128xf32, #tpu.memory_space<hbm>>
    tpu.wait_dma2 semaphore(%arg14 : memref<!tpu.dma_semaphore, #tpu.memory_space<semaphore_mem>>) src(%arg8 : memref<25x8x128xf32, #tpu.memory_space<vmem>>) dst(%dma_wait3A_193 : memref<25x8x128xf32, #tpu.memory_space<hbm>>)
    %scan3A_194 = arith.constant 0 : i32
    %scan3A_195 = arith.constant 0 : i32
    %scan3A_196 = arith.constant 64 : i32
    %scan3A_197 = arith.addi %scan3A_195, %scan3A_196 : i32
    %scan3A_198 = arith.constant 1 : i32
    %scan3A_199 = scf.for %scan3A_260 = %scan3A_195 to %scan3A_197 step %scan3A_198 iter_args(%scan3A_261 = %scan3A_194) -> (i32)  : i32 {
      %mul3A_262 = arith.constant 16 : i32
      %mul3A_263 = arith.muli %scan3A_260, %mul3A_262 : i32
      %get3A = arith.index_cast %mul3A_263 : i32 to index
      %get3A_264 = tpu.vector_load %arg9[%get3A] {strides = array<i32>} : memref<1024xi32, #tpu.memory_space<vmem>>, vector<16xi32>,
      %ge3A = arith.constant 75 : i32
      %ge3A_265 = vector.broadcast %ge3A : i32 to vector<16xi32>
      %ge3A_266 = arith.cmpi sge, %get3A_264, %ge3A_265 : vector<16xi32>
      %lt3A = arith.constant 100 : i32
      %lt3A_267 = vector.broadcast %lt3A : i32 to vector<16xi32>
      %lt3A_268 = arith.cmpi slt, %get3A_264, %lt3A_267 : vector<16xi32>
      %and3A = arith.andi %ge3A_266, %lt3A_268 : vector<16xi1>
      %sub3A = arith.constant 75 : i32
      %sub3A_269 = vector.broadcast %sub3A : i32 to vector<16xi32>
      %sub3A_270 = arith.subi %get3A_264, %sub3A_269 : vector<16xi32>
      %max3A = arith.constant 0 : i32
      %max3A_271 = vector.broadcast %max3A : i32 to vector<16xi32>
      %max3A_272 = arith.maxsi %sub3A_270, %max3A_271 : vector<16xi32>
      %min3A = arith.constant 24 : i32
      %min3A_273 = vector.broadcast %min3A : i32 to vector<16xi32>
      %min3A_274 = arith.minsi %max3A_272, %min3A_273 : vector<16xi32>
      %broadcast_in_dim3A_275 = arith.constant 0 : i32
      %broadcast_in_dim3A_276 = vector.broadcast %broadcast_in_dim3A_275 : i32 to vector<16xi32>
      %jit3A = arith.constant 8 : i32
      %div3A = arith.divsi %scan3A_260, %jit3A : i32
      %sign3A = arith.constant 0 : i32
      %sign3A_277 = arith.cmpi sgt, %scan3A_260, %sign3A : i32
      %sign3A_278 = arith.extui %sign3A_277 : i1 to i32
      %sign3A_279 = arith.constant 0 : i32
      %sign3A_280 = arith.cmpi slt, %scan3A_260, %sign3A_279 : i32
      %sign3A_281 = arith.extui %sign3A_280 : i1 to i32
      %sign3A_282 = arith.subi %sign3A_278, %sign3A_281 : i32
      %sign3A_283 = arith.constant 0 : i32
      %sign3A_284 = arith.cmpi sgt, %jit3A, %sign3A_283 : i32
      %sign3A_285 = arith.extui %sign3A_284 : i1 to i32
      %sign3A_286 = arith.constant 0 : i32
      %sign3A_287 = arith.cmpi slt, %jit3A, %sign3A_286 : i32
      %sign3A_288 = arith.extui %sign3A_287 : i1 to i32
      %sign3A_289 = arith.subi %sign3A_285, %sign3A_288 : i32
      %ne3A = arith.cmpi ne, %sign3A_282, %sign3A_289 : i32
      %rem3A = arith.remsi %scan3A_260, %jit3A : i32
      %ne3A_290 = arith.constant 0 : i32
      %ne3A_291 = arith.cmpi ne, %rem3A, %ne3A_290 : i32
      %and3A_292 = arith.andi %ne3A, %ne3A_291 : i1
      %sub3A_293 = arith.constant 1 : i32
      %sub3A_294 = arith.subi %div3A, %sub3A_293 : i32
      %select_n3A = arith.select %and3A_292, %sub3A_294, %div3A : i32
      %add3A_295 = vector.broadcast %select_n3A : i32 to vector<16xi32>
      %add3A_296 = arith.addi %broadcast_in_dim3A_276, %add3A_295 : vector<16xi32>
      %jit3A_297 = arith.constant 8 : i32
      %eq3A = arith.constant 0 : i32
      %eq3A_298 = arith.cmpi eq, %jit3A_297, %eq3A : i32
      %jit3A_299 = arith.constant 1 : i32
      %select_n3A_300 = arith.select %eq3A_298, %jit3A_299, %jit3A_297 : i32
      %rem3A_301 = arith.remsi %scan3A_260, %select_n3A_300 : i32
      %ne3A_302 = arith.constant 0 : i32
      %ne3A_303 = arith.cmpi ne, %rem3A_301, %ne3A_302 : i32
      %lt3A_304 = arith.constant 0 : i32
      %lt3A_305 = arith.cmpi slt, %rem3A_301, %lt3A_304 : i32
      %lt3A_306 = arith.constant 0 : i32
      %lt3A_307 = arith.cmpi slt, %select_n3A_300, %lt3A_306 : i32
      %ne3A_308 = arith.xori %lt3A_305, %lt3A_307 : i1
      %and3A_309 = arith.andi %ne3A_308, %ne3A_303 : i1
      %add3A_310 = arith.addi %rem3A_301, %select_n3A_300 : i32
      %select_n3A_311 = arith.select %and3A_309, %add3A_310, %rem3A_301 : i32
      %mul3A_312 = arith.constant 16 : i32
      %mul3A_313 = arith.muli %select_n3A_311, %mul3A_312 : i32
      %add3A_314 = vector.broadcast %mul3A_313 : i32 to vector<16xi32>
      %add3A_315 = arith.addi %add3A_314, %iota3A : vector<16xi32>
      tpu.vector_store_idx %arg8[%min3A_274, %add3A_296, %add3A_315], %broadcast_in_dim3A_5 masked %and3A : memref<25x8x128xf32, #tpu.memory_space<vmem>>[vector<16xi32>, vector<16xi32>, vector<16xi32>], vector<16xf32>, vector<16xi1>
      %scan3A_316 = arith.constant 0 : i32
      scf.yield %scan3A_316 : i32
    }
    %scan3A_200 = arith.constant 64 : i32
    %scan3A_201 = arith.constant 0 : i32
    %scan3A_202 = arith.constant 0 : i32
    %scan3A_203 = arith.constant 64 : i32
    %scan3A_204 = arith.addi %scan3A_202, %scan3A_203 : i32
    %scan3A_205 = arith.constant 1 : i32
    %scan3A_206 = scf.for %scan3A_260 = %scan3A_202 to %scan3A_204 step %scan3A_205 iter_args(%scan3A_261 = %scan3A_201) -> (i32)  : i32 {
      %mul3A_262 = arith.constant 16 : i32
      %mul3A_263 = arith.muli %scan3A_260, %mul3A_262 : i32
      %get3A = arith.index_cast %mul3A_263 : i32 to index
      %get3A_264 = tpu.vector_load %arg10[%get3A] {strides = array<i32>} : memref<1024xi32, #tpu.memory_space<vmem>>, vector<16xi32>,
      %ge3A = arith.constant 75 : i32
      %ge3A_265 = vector.broadcast %ge3A : i32 to vector<16xi32>
      %ge3A_266 = arith.cmpi sge, %get3A_264, %ge3A_265 : vector<16xi32>
      %lt3A = arith.constant 100 : i32
      %lt3A_267 = vector.broadcast %lt3A : i32 to vector<16xi32>
      %lt3A_268 = arith.cmpi slt, %get3A_264, %lt3A_267 : vector<16xi32>
      %and3A = arith.andi %ge3A_266, %lt3A_268 : vector<16xi1>
      %sub3A = arith.constant 75 : i32
      %sub3A_269 = vector.broadcast %sub3A : i32 to vector<16xi32>
      %sub3A_270 = arith.subi %get3A_264, %sub3A_269 : vector<16xi32>
      %max3A = arith.constant 0 : i32
      %max3A_271 = vector.broadcast %max3A : i32 to vector<16xi32>
      %max3A_272 = arith.maxsi %sub3A_270, %max3A_271 : vector<16xi32>
      %min3A = arith.constant 24 : i32
      %min3A_273 = vector.broadcast %min3A : i32 to vector<16xi32>
      %min3A_274 = arith.minsi %max3A_272, %min3A_273 : vector<16xi32>
      %broadcast_in_dim3A_275 = arith.constant 0 : i32
      %broadcast_in_dim3A_276 = vector.broadcast %broadcast_in_dim3A_275 : i32 to vector<16xi32>
      %jit3A = arith.constant 8 : i32
      %div3A = arith.divsi %scan3A_260, %jit3A : i32
      %sign3A = arith.constant 0 : i32
      %sign3A_277 = arith.cmpi sgt, %scan3A_260, %sign3A : i32
      %sign3A_278 = arith.extui %sign3A_277 : i1 to i32
      %sign3A_279 = arith.constant 0 : i32
      %sign3A_280 = arith.cmpi slt, %scan3A_260, %sign3A_279 : i32
      %sign3A_281 = arith.extui %sign3A_280 : i1 to i32
      %sign3A_282 = arith.subi %sign3A_278, %sign3A_281 : i32
      %sign3A_283 = arith.constant 0 : i32
      %sign3A_284 = arith.cmpi sgt, %jit3A, %sign3A_283 : i32
      %sign3A_285 = arith.extui %sign3A_284 : i1 to i32
      %sign3A_286 = arith.constant 0 : i32
      %sign3A_287 = arith.cmpi slt, %jit3A, %sign3A_286 : i32
      %sign3A_288 = arith.extui %sign3A_287 : i1 to i32
      %sign3A_289 = arith.subi %sign3A_285, %sign3A_288 : i32
      %ne3A = arith.cmpi ne, %sign3A_282, %sign3A_289 : i32
      %rem3A = arith.remsi %scan3A_260, %jit3A : i32
      %ne3A_290 = arith.constant 0 : i32
      %ne3A_291 = arith.cmpi ne, %rem3A, %ne3A_290 : i32
      %and3A_292 = arith.andi %ne3A, %ne3A_291 : i1
      %sub3A_293 = arith.constant 1 : i32
      %sub3A_294 = arith.subi %div3A, %sub3A_293 : i32
      %select_n3A = arith.select %and3A_292, %sub3A_294, %div3A : i32
      %add3A_295 = vector.broadcast %select_n3A : i32 to vector<16xi32>
      %add3A_296 = arith.addi %broadcast_in_dim3A_276, %add3A_295 : vector<16xi32>
      %jit3A_297 = arith.constant 8 : i32
      %eq3A = arith.constant 0 : i32
      %eq3A_298 = arith.cmpi eq, %jit3A_297, %eq3A : i32
      %jit3A_299 = arith.constant 1 : i32
      %select_n3A_300 = arith.select %eq3A_298, %jit3A_299, %jit3A_297 : i32
      %rem3A_301 = arith.remsi %scan3A_260, %select_n3A_300 : i32
      %ne3A_302 = arith.constant 0 : i32
      %ne3A_303 = arith.cmpi ne, %rem3A_301, %ne3A_302 : i32
      %lt3A_304 = arith.constant 0 : i32
      %lt3A_305 = arith.cmpi slt, %rem3A_301, %lt3A_304 : i32
      %lt3A_306 = arith.constant 0 : i32
      %lt3A_307 = arith.cmpi slt, %select_n3A_300, %lt3A_306 : i32
      %ne3A_308 = arith.xori %lt3A_305, %lt3A_307 : i1
      %and3A_309 = arith.andi %ne3A_308, %ne3A_303 : i1
      %add3A_310 = arith.addi %rem3A_301, %select_n3A_300 : i32
      %select_n3A_311 = arith.select %and3A_309, %add3A_310, %rem3A_301 : i32
      %mul3A_312 = arith.constant 16 : i32
      %mul3A_313 = arith.muli %select_n3A_311, %mul3A_312 : i32
      %add3A_314 = vector.broadcast %mul3A_313 : i32 to vector<16xi32>
      %add3A_315 = arith.addi %add3A_314, %iota3A : vector<16xi32>
      tpu.vector_store_idx %arg8[%min3A_274, %add3A_296, %add3A_315], %broadcast_in_dim3A_7 masked %and3A : memref<25x8x128xf32, #tpu.memory_space<vmem>>[vector<16xi32>, vector<16xi32>, vector<16xi32>], vector<16xf32>, vector<16xi1>
      %scan3A_316 = arith.constant 0 : i32
      scf.yield %scan3A_316 : i32
    }
    %scan3A_207 = arith.constant 64 : i32
    %add3A_208 = arith.constant 8 : i32
    %add3A_209 = arith.addi %mul3A_4, %add3A_208 : i32
    %multiple_of3A_210 = tpu.assume_multiple %add3A_209, 8 : i32
    %dma_start3A_211 = arith.constant 75 : i32
    %dma_start3A_212 = arith.constant 0 : i32
    %dma_start3A_213 = tpu.memref_slice %arg3[%dma_start3A_211, %multiple_of3A_210, %dma_start3A_212] : memref<100x4096x128xf32, #tpu.memory_space<hbm>> -> memref<25x8x128xf32, #tpu.memory_space<hbm>>
    %dma_start3A_214 = arith.constant 75 : i32
    %dma_start3A_215 = arith.constant 0 : i32
    %dma_start3A_216 = tpu.memref_slice %arg3[%dma_start3A_214, %multiple_of3A_210, %dma_start3A_215] : memref<100x4096x128xf32, #tpu.memory_space<hbm>> -> memref<25x8x128xf32, #tpu.memory_space<hbm>>
    tpu.enqueue_dma source(%arg8 : memref<25x8x128xf32, #tpu.memory_space<vmem>>) target(%dma_start3A_216 : memref<25x8x128xf32, #tpu.memory_space<hbm>>) target_semaphore(%arg14 : memref<!tpu.dma_semaphore, #tpu.memory_space<semaphore_mem>>)
    %scan3A_217 = arith.constant 0 : i32
    %scan3A_218 = arith.constant 1 : i32
    %scan3A_219 = arith.constant 7 : i32
    %scan3A_220 = arith.addi %scan3A_218, %scan3A_219 : i32
    %scan3A_221 = arith.constant 1 : i32
    %scan3A_222 = scf.for %scan3A_260 = %scan3A_218 to %scan3A_220 step %scan3A_221 iter_args(%scan3A_261 = %scan3A_217) -> (i32)  : i32 {
      %mul3A_262 = arith.constant 2 : i32
      %mul3A_263 = arith.muli %mul3A_262, %scan3A_260 : i32
      %add3A_264 = arith.constant 0 : i32
      %add3A_265 = arith.addi %mul3A_263, %add3A_264 : i32
      %scan3A_266 = arith.constant 0 : i32
      %scan3A_267 = arith.constant 0 : i32
      %scan3A_268 = arith.constant 64 : i32
      %scan3A_269 = arith.addi %scan3A_267, %scan3A_268 : i32
      %scan3A_270 = arith.constant 1 : i32
      %scan3A_271 = scf.for %scan3A_570 = %scan3A_267 to %scan3A_269 step %scan3A_270 iter_args(%scan3A_571 = %scan3A_266) -> (i32)  : i32 {
        %mul3A_572 = arith.constant 1024 : i32
        %mul3A_573 = arith.muli %add3A_265, %mul3A_572 : i32
        %mul3A_574 = arith.constant 16 : i32
        %mul3A_575 = arith.muli %scan3A_570, %mul3A_574 : i32
        %add3A_576 = arith.addi %mul3A_573, %mul3A_575 : i32
        %get3A = arith.index_cast %add3A_576 : i32 to index
        %get3A_577 = tpu.vector_load %arg4[%get3A] {strides = array<i32>} : memref<16384xf32, #tpu.memory_space<vmem>>, vector<16xf32>,
        %add3A_578 = arith.constant 1.000000e+00 : f32
        %add3A_579 = vector.broadcast %add3A_578 : f32 to vector<16xf32>
        %add3A_580 = arith.addf %get3A_577, %add3A_579 : vector<16xf32>
        %mul3A_581 = arith.constant 5.000000e-01 : f32
        %mul3A_582 = vector.broadcast %mul3A_581 : f32 to vector<16xf32>
        %mul3A_583 = arith.mulf %add3A_580, %mul3A_582 : vector<16xf32>
        %max3A = arith.constant 0.000000e+00 : f32
        %max3A_584 = vector.broadcast %max3A : f32 to vector<16xf32>
        %max3A_585 = arith.maximumf %mul3A_583, %max3A_584 : vector<16xf32>
        %min3A = arith.constant 1.000000e+00 : f32
        %min3A_586 = vector.broadcast %min3A : f32 to vector<16xf32>
        %min3A_587 = arith.minimumf %max3A_585, %min3A_586 : vector<16xf32>
        %sub3A_588 = arith.constant 1.000000e+00 : f32
        %sub3A_589 = vector.broadcast %sub3A_588 : f32 to vector<16xf32>
        %sub3A_590 = arith.subf %sub3A_589, %min3A_587 : vector<16xf32>
        %mul3A_591 = arith.constant 9.900000e+01 : f32
        %mul3A_592 = vector.broadcast %mul3A_591 : f32 to vector<16xf32>
        %mul3A_593 = arith.mulf %sub3A_590, %mul3A_592 : vector<16xf32>
        %add3A_594 = arith.constant 5.000000e-01 : f32
        %add3A_595 = vector.broadcast %add3A_594 : f32 to vector<16xf32>
        %add3A_596 = arith.addf %mul3A_593, %add3A_595 : vector<16xf32>
        %convert_element_type3A = arith.fptosi %add3A_596 : vector<16xf32> to vector<16xi32>
        %convert_element_type3A_597 = arith.sitofp %convert_element_type3A : vector<16xi32> to vector<16xf32>
        %eq3A = arith.cmpf oeq, %convert_element_type3A_597, %add3A_596 : vector<16xf32>
        %and3A = arith.constant 1 : i32
        %and3A_598 = vector.broadcast %and3A : i32 to vector<16xi32>
        %and3A_599 = arith.andi %convert_element_type3A, %and3A_598 : vector<16xi32>
        %eq3A_600 = arith.constant 1 : i32
        %eq3A_601 = vector.broadcast %eq3A_600 : i32 to vector<16xi32>
        %eq3A_602 = arith.cmpi eq, %and3A_599, %eq3A_601 : vector<16xi32>
        %and3A_603 = arith.andi %eq3A, %eq3A_602 : vector<16xi1>
        %jit3A = arith.constant 1 : i32
        %jit3A_604 = arith.constant 0 : i32
        %broadcast_in_dim3A_605 = vector.broadcast %jit3A : i32 to vector<16xi32>
        %broadcast_in_dim3A_606 = vector.broadcast %jit3A_604 : i32 to vector<16xi32>
        %select_n3A = arith.select %and3A_603, %broadcast_in_dim3A_605, %broadcast_in_dim3A_606 : vector<16xi1>, vector<16xi32>
        %sub3A_607 = arith.subi %convert_element_type3A, %select_n3A : vector<16xi32>
        %max3A_608 = arith.constant 0 : i32
        %max3A_609 = vector.broadcast %max3A_608 : i32 to vector<16xi32>
        %max3A_610 = arith.maxsi %sub3A_607, %max3A_609 : vector<16xi32>
        %min3A_611 = arith.constant 99 : i32
        %min3A_612 = vector.broadcast %min3A_611 : i32 to vector<16xi32>
        %min3A_613 = arith.minsi %max3A_610, %min3A_612 : vector<16xi32>
        %mul3A_614 = arith.constant 16 : i32
        %mul3A_615 = arith.muli %scan3A_570, %mul3A_614 : i32
        %swap3A = arith.index_cast %mul3A_615 : i32 to index
        %swap3A_616 = tpu.vector_load %arg9[%swap3A] {strides = array<i32>} : memref<1024xi32, #tpu.memory_space<vmem>>, vector<16xi32>,
        tpu.vector_store %arg9[%swap3A], %min3A_613 {strides = array<i32>} : memref<1024xi32, #tpu.memory_space<vmem>>, vector<16xi32>,
        %scan3A_617 = arith.constant 0 : i32
        scf.yield %scan3A_617 : i32
      }
      %scan3A_272 = arith.constant 64 : i32
      %sub3A = arith.constant 1 : i32
      %sub3A_273 = arith.subi %add3A_265, %sub3A : i32
      %mul3A_274 = arith.constant 8 : i32
      %mul3A_275 = arith.muli %sub3A_273, %mul3A_274 : i32
      %add3A_276 = arith.addi %mul3A_4, %mul3A_275 : i32
      %multiple_of3A_277 = tpu.assume_multiple %add3A_276, 8 : i32
      %dma_wait3A_278 = arith.constant 0 : i32
      %dma_wait3A_279 = arith.constant 0 : i32
      %dma_wait3A_280 = tpu.memref_slice %arg3[%dma_wait3A_278, %multiple_of3A_277, %dma_wait3A_279] : memref<100x4096x128xf32, #tpu.memory_space<hbm>> -> memref<25x8x128xf32, #tpu.memory_space<hbm>>
      %dma_wait3A_281 = arith.constant 0 : i32
      %dma_wait3A_282 = arith.constant 0 : i32
      %dma_wait3A_283 = tpu.memref_slice %arg3[%dma_wait3A_281, %multiple_of3A_277, %dma_wait3A_282] : memref<100x4096x128xf32, #tpu.memory_space<hbm>> -> memref<25x8x128xf32, #tpu.memory_space<hbm>>
      tpu.wait_dma2 semaphore(%arg11 : memref<!tpu.dma_semaphore, #tpu.memory_space<semaphore_mem>>) src(%arg5 : memref<25x8x128xf32, #tpu.memory_space<vmem>>) dst(%dma_wait3A_283 : memref<25x8x128xf32, #tpu.memory_space<hbm>>)
      %scan3A_284 = arith.constant 0 : i32
      %scan3A_285 = arith.constant 0 : i32
      %scan3A_286 = arith.constant 64 : i32
      %scan3A_287 = arith.addi %scan3A_285, %scan3A_286 : i32
      %scan3A_288 = arith.constant 1 : i32
      %scan3A_289 = scf.for %scan3A_570 = %scan3A_285 to %scan3A_287 step %scan3A_288 iter_args(%scan3A_571 = %scan3A_284) -> (i32)  : i32 {
        %mul3A_572 = arith.constant 16 : i32
        %mul3A_573 = arith.muli %scan3A_570, %mul3A_572 : i32
        %get3A = arith.index_cast %mul3A_573 : i32 to index
        %get3A_574 = tpu.vector_load %arg10[%get3A] {strides = array<i32>} : memref<1024xi32, #tpu.memory_space<vmem>>, vector<16xi32>,
        %ge3A = arith.constant 0 : i32
        %ge3A_575 = vector.broadcast %ge3A : i32 to vector<16xi32>
        %ge3A_576 = arith.cmpi sge, %get3A_574, %ge3A_575 : vector<16xi32>
        %lt3A = arith.constant 25 : i32
        %lt3A_577 = vector.broadcast %lt3A : i32 to vector<16xi32>
        %lt3A_578 = arith.cmpi slt, %get3A_574, %lt3A_577 : vector<16xi32>
        %and3A = arith.andi %ge3A_576, %lt3A_578 : vector<16xi1>
        %sub3A_579 = arith.constant 0 : i32
        %sub3A_580 = vector.broadcast %sub3A_579 : i32 to vector<16xi32>
        %sub3A_581 = arith.subi %get3A_574, %sub3A_580 : vector<16xi32>
        %max3A = arith.constant 0 : i32
        %max3A_582 = vector.broadcast %max3A : i32 to vector<16xi32>
        %max3A_583 = arith.maxsi %sub3A_581, %max3A_582 : vector<16xi32>
        %min3A = arith.constant 24 : i32
        %min3A_584 = vector.broadcast %min3A : i32 to vector<16xi32>
        %min3A_585 = arith.minsi %max3A_583, %min3A_584 : vector<16xi32>
        %broadcast_in_dim3A_586 = arith.constant 0 : i32
        %broadcast_in_dim3A_587 = vector.broadcast %broadcast_in_dim3A_586 : i32 to vector<16xi32>
        %jit3A = arith.constant 8 : i32
        %div3A = arith.divsi %scan3A_570, %jit3A : i32
        %sign3A = arith.constant 0 : i32
        %sign3A_588 = arith.cmpi sgt, %scan3A_570, %sign3A : i32
        %sign3A_589 = arith.extui %sign3A_588 : i1 to i32
        %sign3A_590 = arith.constant 0 : i32
        %sign3A_591 = arith.cmpi slt, %scan3A_570, %sign3A_590 : i32
        %sign3A_592 = arith.extui %sign3A_591 : i1 to i32
        %sign3A_593 = arith.subi %sign3A_589, %sign3A_592 : i32
        %sign3A_594 = arith.constant 0 : i32
        %sign3A_595 = arith.cmpi sgt, %jit3A, %sign3A_594 : i32
        %sign3A_596 = arith.extui %sign3A_595 : i1 to i32
        %sign3A_597 = arith.constant 0 : i32
        %sign3A_598 = arith.cmpi slt, %jit3A, %sign3A_597 : i32
        %sign3A_599 = arith.extui %sign3A_598 : i1 to i32
        %sign3A_600 = arith.subi %sign3A_596, %sign3A_599 : i32
        %ne3A = arith.cmpi ne, %sign3A_593, %sign3A_600 : i32
        %rem3A = arith.remsi %scan3A_570, %jit3A : i32
        %ne3A_601 = arith.constant 0 : i32
        %ne3A_602 = arith.cmpi ne, %rem3A, %ne3A_601 : i32
        %and3A_603 = arith.andi %ne3A, %ne3A_602 : i1
        %sub3A_604 = arith.constant 1 : i32
        %sub3A_605 = arith.subi %div3A, %sub3A_604 : i32
        %select_n3A = arith.select %and3A_603, %sub3A_605, %div3A : i32
        %add3A_606 = vector.broadcast %select_n3A : i32 to vector<16xi32>
        %add3A_607 = arith.addi %broadcast_in_dim3A_587, %add3A_606 : vector<16xi32>
        %jit3A_608 = arith.constant 8 : i32
        %eq3A = arith.constant 0 : i32
        %eq3A_609 = arith.cmpi eq, %jit3A_608, %eq3A : i32
        %jit3A_610 = arith.constant 1 : i32
        %select_n3A_611 = arith.select %eq3A_609, %jit3A_610, %jit3A_608 : i32
        %rem3A_612 = arith.remsi %scan3A_570, %select_n3A_611 : i32
        %ne3A_613 = arith.constant 0 : i32
        %ne3A_614 = arith.cmpi ne, %rem3A_612, %ne3A_613 : i32
        %lt3A_615 = arith.constant 0 : i32
        %lt3A_616 = arith.cmpi slt, %rem3A_612, %lt3A_615 : i32
        %lt3A_617 = arith.constant 0 : i32
        %lt3A_618 = arith.cmpi slt, %select_n3A_611, %lt3A_617 : i32
        %ne3A_619 = arith.xori %lt3A_616, %lt3A_618 : i1
        %and3A_620 = arith.andi %ne3A_619, %ne3A_614 : i1
        %add3A_621 = arith.addi %rem3A_612, %select_n3A_611 : i32
        %select_n3A_622 = arith.select %and3A_620, %add3A_621, %rem3A_612 : i32
        %mul3A_623 = arith.constant 16 : i32
        %mul3A_624 = arith.muli %select_n3A_622, %mul3A_623 : i32
        %add3A_625 = vector.broadcast %mul3A_624 : i32 to vector<16xi32>
        %add3A_626 = arith.addi %add3A_625, %iota3A : vector<16xi32>
        tpu.vector_store_idx %arg5[%min3A_585, %add3A_607, %add3A_626], %broadcast_in_dim3A_5 masked %and3A : memref<25x8x128xf32, #tpu.memory_space<vmem>>[vector<16xi32>, vector<16xi32>, vector<16xi32>], vector<16xf32>, vector<16xi1>
        %scan3A_627 = arith.constant 0 : i32
        scf.yield %scan3A_627 : i32
      }
      %scan3A_290 = arith.constant 64 : i32
      %scan3A_291 = arith.constant 0 : i32
      %scan3A_292 = arith.constant 0 : i32
      %scan3A_293 = arith.constant 64 : i32
      %scan3A_294 = arith.addi %scan3A_292, %scan3A_293 : i32
      %scan3A_295 = arith.constant 1 : i32
      %scan3A_296 = scf.for %scan3A_570 = %scan3A_292 to %scan3A_294 step %scan3A_295 iter_args(%scan3A_571 = %scan3A_291) -> (i32)  : i32 {
        %mul3A_572 = arith.constant 16 : i32
        %mul3A_573 = arith.muli %scan3A_570, %mul3A_572 : i32
        %get3A = arith.index_cast %mul3A_573 : i32 to index
        %get3A_574 = tpu.vector_load %arg9[%get3A] {strides = array<i32>} : memref<1024xi32, #tpu.memory_space<vmem>>, vector<16xi32>,
        %ge3A = arith.constant 0 : i32
        %ge3A_575 = vector.broadcast %ge3A : i32 to vector<16xi32>
        %ge3A_576 = arith.cmpi sge, %get3A_574, %ge3A_575 : vector<16xi32>
        %lt3A = arith.constant 25 : i32
        %lt3A_577 = vector.broadcast %lt3A : i32 to vector<16xi32>
        %lt3A_578 = arith.cmpi slt, %get3A_574, %lt3A_577 : vector<16xi32>
        %and3A = arith.andi %ge3A_576, %lt3A_578 : vector<16xi1>
        %sub3A_579 = arith.constant 0 : i32
        %sub3A_580 = vector.broadcast %sub3A_579 : i32 to vector<16xi32>
        %sub3A_581 = arith.subi %get3A_574, %sub3A_580 : vector<16xi32>
        %max3A = arith.constant 0 : i32
        %max3A_582 = vector.broadcast %max3A : i32 to vector<16xi32>
        %max3A_583 = arith.maxsi %sub3A_581, %max3A_582 : vector<16xi32>
        %min3A = arith.constant 24 : i32
        %min3A_584 = vector.broadcast %min3A : i32 to vector<16xi32>
        %min3A_585 = arith.minsi %max3A_583, %min3A_584 : vector<16xi32>
        %broadcast_in_dim3A_586 = arith.constant 0 : i32
        %broadcast_in_dim3A_587 = vector.broadcast %broadcast_in_dim3A_586 : i32 to vector<16xi32>
        %jit3A = arith.constant 8 : i32
        %div3A = arith.divsi %scan3A_570, %jit3A : i32
        %sign3A = arith.constant 0 : i32
        %sign3A_588 = arith.cmpi sgt, %scan3A_570, %sign3A : i32
        %sign3A_589 = arith.extui %sign3A_588 : i1 to i32
        %sign3A_590 = arith.constant 0 : i32
        %sign3A_591 = arith.cmpi slt, %scan3A_570, %sign3A_590 : i32
        %sign3A_592 = arith.extui %sign3A_591 : i1 to i32
        %sign3A_593 = arith.subi %sign3A_589, %sign3A_592 : i32
        %sign3A_594 = arith.constant 0 : i32
        %sign3A_595 = arith.cmpi sgt, %jit3A, %sign3A_594 : i32
        %sign3A_596 = arith.extui %sign3A_595 : i1 to i32
        %sign3A_597 = arith.constant 0 : i32
        %sign3A_598 = arith.cmpi slt, %jit3A, %sign3A_597 : i32
        %sign3A_599 = arith.extui %sign3A_598 : i1 to i32
        %sign3A_600 = arith.subi %sign3A_596, %sign3A_599 : i32
        %ne3A = arith.cmpi ne, %sign3A_593, %sign3A_600 : i32
        %rem3A = arith.remsi %scan3A_570, %jit3A : i32
        %ne3A_601 = arith.constant 0 : i32
        %ne3A_602 = arith.cmpi ne, %rem3A, %ne3A_601 : i32
        %and3A_603 = arith.andi %ne3A, %ne3A_602 : i1
        %sub3A_604 = arith.constant 1 : i32
        %sub3A_605 = arith.subi %div3A, %sub3A_604 : i32
        %select_n3A = arith.select %and3A_603, %sub3A_605, %div3A : i32
        %add3A_606 = vector.broadcast %select_n3A : i32 to vector<16xi32>
        %add3A_607 = arith.addi %broadcast_in_dim3A_587, %add3A_606 : vector<16xi32>
        %jit3A_608 = arith.constant 8 : i32
        %eq3A = arith.constant 0 : i32
        %eq3A_609 = arith.cmpi eq, %jit3A_608, %eq3A : i32
        %jit3A_610 = arith.constant 1 : i32
        %select_n3A_611 = arith.select %eq3A_609, %jit3A_610, %jit3A_608 : i32
        %rem3A_612 = arith.remsi %scan3A_570, %select_n3A_611 : i32
        %ne3A_613 = arith.constant 0 : i32
        %ne3A_614 = arith.cmpi ne, %rem3A_612, %ne3A_613 : i32
        %lt3A_615 = arith.constant 0 : i32
        %lt3A_616 = arith.cmpi slt, %rem3A_612, %lt3A_615 : i32
        %lt3A_617 = arith.constant 0 : i32
        %lt3A_618 = arith.cmpi slt, %select_n3A_611, %lt3A_617 : i32
        %ne3A_619 = arith.xori %lt3A_616, %lt3A_618 : i1
        %and3A_620 = arith.andi %ne3A_619, %ne3A_614 : i1
        %add3A_621 = arith.addi %rem3A_612, %select_n3A_611 : i32
        %select_n3A_622 = arith.select %and3A_620, %add3A_621, %rem3A_612 : i32
        %mul3A_623 = arith.constant 16 : i32
        %mul3A_624 = arith.muli %select_n3A_622, %mul3A_623 : i32
        %add3A_625 = vector.broadcast %mul3A_624 : i32 to vector<16xi32>
        %add3A_626 = arith.addi %add3A_625, %iota3A : vector<16xi32>
        tpu.vector_store_idx %arg5[%min3A_585, %add3A_607, %add3A_626], %broadcast_in_dim3A_7 masked %and3A : memref<25x8x128xf32, #tpu.memory_space<vmem>>[vector<16xi32>, vector<16xi32>, vector<16xi32>], vector<16xf32>, vector<16xi1>
        %scan3A_627 = arith.constant 0 : i32
        scf.yield %scan3A_627 : i32
      }
      %scan3A_297 = arith.constant 64 : i32
      %mul3A_298 = arith.constant 8 : i32
      %mul3A_299 = arith.muli %add3A_265, %mul3A_298 : i32
      %add3A_300 = arith.addi %mul3A_4, %mul3A_299 : i32
      %multiple_of3A_301 = tpu.assume_multiple %add3A_300, 8 : i32
      %dma_start3A_302 = arith.constant 0 : i32
      %dma_start3A_303 = arith.constant 0 : i32
      %dma_start3A_304 = tpu.memref_slice %arg3[%dma_start3A_302, %multiple_of3A_301, %dma_start3A_303] : memref<100x4096x128xf32, #tpu.memory_space<hbm>> -> memref<25x8x128xf32, #tpu.memory_space<hbm>>
      %dma_start3A_305 = arith.constant 0 : i32
      %dma_start3A_306 = arith.constant 0 : i32
      %dma_start3A_307 = tpu.memref_slice %arg3[%dma_start3A_305, %multiple_of3A_301, %dma_start3A_306] : memref<100x4096x128xf32, #tpu.memory_space<hbm>> -> memref<25x8x128xf32, #tpu.memory_space<hbm>>
      tpu.enqueue_dma source(%arg5 : memref<25x8x128xf32, #tpu.memory_space<vmem>>) target(%dma_start3A_307 : memref<25x8x128xf32, #tpu.memory_space<hbm>>) target_semaphore(%arg11 : memref<!tpu.dma_semaphore, #tpu.memory_space<semaphore_mem>>)
      %sub3A_308 = arith.constant 1 : i32
      %sub3A_309 = arith.subi %add3A_265, %sub3A_308 : i32
      %mul3A_310 = arith.constant 8 : i32
      %mul3A_311 = arith.muli %sub3A_309, %mul3A_310 : i32
      %add3A_312 = arith.addi %mul3A_4, %mul3A_311 : i32
      %multiple_of3A_313 = tpu.assume_multiple %add3A_312, 8 : i32
      %dma_wait3A_314 = arith.constant 25 : i32
      %dma_wait3A_315 = arith.constant 0 : i32
      %dma_wait3A_316 = tpu.memref_slice %arg3[%dma_wait3A_314, %multiple_of3A_313, %dma_wait3A_315] : memref<100x4096x128xf32, #tpu.memory_space<hbm>> -> memref<25x8x128xf32, #tpu.memory_space<hbm>>
      %dma_wait3A_317 = arith.constant 25 : i32
      %dma_wait3A_318 = arith.constant 0 : i32
      %dma_wait3A_319 = tpu.memref_slice %arg3[%dma_wait3A_317, %multiple_of3A_313, %dma_wait3A_318] : memref<100x4096x128xf32, #tpu.memory_space<hbm>> -> memref<25x8x128xf32, #tpu.memory_space<hbm>>
      tpu.wait_dma2 semaphore(%arg12 : memref<!tpu.dma_semaphore, #tpu.memory_space<semaphore_mem>>) src(%arg6 : memref<25x8x128xf32, #tpu.memory_space<vmem>>) dst(%dma_wait3A_319 : memref<25x8x128xf32, #tpu.memory_space<hbm>>)
      %scan3A_320 = arith.constant 0 : i32
      %scan3A_321 = arith.constant 0 : i32
      %scan3A_322 = arith.constant 64 : i32
      %scan3A_323 = arith.addi %scan3A_321, %scan3A_322 : i32
      %scan3A_324 = arith.constant 1 : i32
      %scan3A_325 = scf.for %scan3A_570 = %scan3A_321 to %scan3A_323 step %scan3A_324 iter_args(%scan3A_571 = %scan3A_320) -> (i32)  : i32 {
        %mul3A_572 = arith.constant 16 : i32
        %mul3A_573 = arith.muli %scan3A_570, %mul3A_572 : i32
        %get3A = arith.index_cast %mul3A_573 : i32 to index
        %get3A_574 = tpu.vector_load %arg10[%get3A] {strides = array<i32>} : memref<1024xi32, #tpu.memory_space<vmem>>, vector<16xi32>,
        %ge3A = arith.constant 25 : i32
        %ge3A_575 = vector.broadcast %ge3A : i32 to vector<16xi32>
        %ge3A_576 = arith.cmpi sge, %get3A_574, %ge3A_575 : vector<16xi32>
        %lt3A = arith.constant 50 : i32
        %lt3A_577 = vector.broadcast %lt3A : i32 to vector<16xi32>
        %lt3A_578 = arith.cmpi slt, %get3A_574, %lt3A_577 : vector<16xi32>
        %and3A = arith.andi %ge3A_576, %lt3A_578 : vector<16xi1>
        %sub3A_579 = arith.constant 25 : i32
        %sub3A_580 = vector.broadcast %sub3A_579 : i32 to vector<16xi32>
        %sub3A_581 = arith.subi %get3A_574, %sub3A_580 : vector<16xi32>
        %max3A = arith.constant 0 : i32
        %max3A_582 = vector.broadcast %max3A : i32 to vector<16xi32>
        %max3A_583 = arith.maxsi %sub3A_581, %max3A_582 : vector<16xi32>
        %min3A = arith.constant 24 : i32
        %min3A_584 = vector.broadcast %min3A : i32 to vector<16xi32>
        %min3A_585 = arith.minsi %max3A_583, %min3A_584 : vector<16xi32>
        %broadcast_in_dim3A_586 = arith.constant 0 : i32
        %broadcast_in_dim3A_587 = vector.broadcast %broadcast_in_dim3A_586 : i32 to vector<16xi32>
        %jit3A = arith.constant 8 : i32
        %div3A = arith.divsi %scan3A_570, %jit3A : i32
        %sign3A = arith.constant 0 : i32
        %sign3A_588 = arith.cmpi sgt, %scan3A_570, %sign3A : i32
        %sign3A_589 = arith.extui %sign3A_588 : i1 to i32
        %sign3A_590 = arith.constant 0 : i32
        %sign3A_591 = arith.cmpi slt, %scan3A_570, %sign3A_590 : i32
        %sign3A_592 = arith.extui %sign3A_591 : i1 to i32
        %sign3A_593 = arith.subi %sign3A_589, %sign3A_592 : i32
        %sign3A_594 = arith.constant 0 : i32
        %sign3A_595 = arith.cmpi sgt, %jit3A, %sign3A_594 : i32
        %sign3A_596 = arith.extui %sign3A_595 : i1 to i32
        %sign3A_597 = arith.constant 0 : i32
        %sign3A_598 = arith.cmpi slt, %jit3A, %sign3A_597 : i32
        %sign3A_599 = arith.extui %sign3A_598 : i1 to i32
        %sign3A_600 = arith.subi %sign3A_596, %sign3A_599 : i32
        %ne3A = arith.cmpi ne, %sign3A_593, %sign3A_600 : i32
        %rem3A = arith.remsi %scan3A_570, %jit3A : i32
        %ne3A_601 = arith.constant 0 : i32
        %ne3A_602 = arith.cmpi ne, %rem3A, %ne3A_601 : i32
        %and3A_603 = arith.andi %ne3A, %ne3A_602 : i1
        %sub3A_604 = arith.constant 1 : i32
        %sub3A_605 = arith.subi %div3A, %sub3A_604 : i32
        %select_n3A = arith.select %and3A_603, %sub3A_605, %div3A : i32
        %add3A_606 = vector.broadcast %select_n3A : i32 to vector<16xi32>
        %add3A_607 = arith.addi %broadcast_in_dim3A_587, %add3A_606 : vector<16xi32>
        %jit3A_608 = arith.constant 8 : i32
        %eq3A = arith.constant 0 : i32
        %eq3A_609 = arith.cmpi eq, %jit3A_608, %eq3A : i32
        %jit3A_610 = arith.constant 1 : i32
        %select_n3A_611 = arith.select %eq3A_609, %jit3A_610, %jit3A_608 : i32
        %rem3A_612 = arith.remsi %scan3A_570, %select_n3A_611 : i32
        %ne3A_613 = arith.constant 0 : i32
        %ne3A_614 = arith.cmpi ne, %rem3A_612, %ne3A_613 : i32
        %lt3A_615 = arith.constant 0 : i32
        %lt3A_616 = arith.cmpi slt, %rem3A_612, %lt3A_615 : i32
        %lt3A_617 = arith.constant 0 : i32
        %lt3A_618 = arith.cmpi slt, %select_n3A_611, %lt3A_617 : i32
        %ne3A_619 = arith.xori %lt3A_616, %lt3A_618 : i1
        %and3A_620 = arith.andi %ne3A_619, %ne3A_614 : i1
        %add3A_621 = arith.addi %rem3A_612, %select_n3A_611 : i32
        %select_n3A_622 = arith.select %and3A_620, %add3A_621, %rem3A_612 : i32
        %mul3A_623 = arith.constant 16 : i32
        %mul3A_624 = arith.muli %select_n3A_622, %mul3A_623 : i32
        %add3A_625 = vector.broadcast %mul3A_624 : i32 to vector<16xi32>
        %add3A_626 = arith.addi %add3A_625, %iota3A : vector<16xi32>
        tpu.vector_store_idx %arg6[%min3A_585, %add3A_607, %add3A_626], %broadcast_in_dim3A_5 masked %and3A : memref<25x8x128xf32, #tpu.memory_space<vmem>>[vector<16xi32>, vector<16xi32>, vector<16xi32>], vector<16xf32>, vector<16xi1>
        %scan3A_627 = arith.constant 0 : i32
        scf.yield %scan3A_627 : i32
      }
      %scan3A_326 = arith.constant 64 : i32
      %scan3A_327 = arith.constant 0 : i32
      %scan3A_328 = arith.constant 0 : i32
      %scan3A_329 = arith.constant 64 : i32
      %scan3A_330 = arith.addi %scan3A_328, %scan3A_329 : i32
      %scan3A_331 = arith.constant 1 : i32
      %scan3A_332 = scf.for %scan3A_570 = %scan3A_328 to %scan3A_330 step %scan3A_331 iter_args(%scan3A_571 = %scan3A_327) -> (i32)  : i32 {
        %mul3A_572 = arith.constant 16 : i32
        %mul3A_573 = arith.muli %scan3A_570, %mul3A_572 : i32
        %get3A = arith.index_cast %mul3A_573 : i32 to index
        %get3A_574 = tpu.vector_load %arg9[%get3A] {strides = array<i32>} : memref<1024xi32, #tpu.memory_space<vmem>>, vector<16xi32>,
        %ge3A = arith.constant 25 : i32
        %ge3A_575 = vector.broadcast %ge3A : i32 to vector<16xi32>
        %ge3A_576 = arith.cmpi sge, %get3A_574, %ge3A_575 : vector<16xi32>
        %lt3A = arith.constant 50 : i32
        %lt3A_577 = vector.broadcast %lt3A : i32 to vector<16xi32>
        %lt3A_578 = arith.cmpi slt, %get3A_574, %lt3A_577 : vector<16xi32>
        %and3A = arith.andi %ge3A_576, %lt3A_578 : vector<16xi1>
        %sub3A_579 = arith.constant 25 : i32
        %sub3A_580 = vector.broadcast %sub3A_579 : i32 to vector<16xi32>
        %sub3A_581 = arith.subi %get3A_574, %sub3A_580 : vector<16xi32>
        %max3A = arith.constant 0 : i32
        %max3A_582 = vector.broadcast %max3A : i32 to vector<16xi32>
        %max3A_583 = arith.maxsi %sub3A_581, %max3A_582 : vector<16xi32>
        %min3A = arith.constant 24 : i32
        %min3A_584 = vector.broadcast %min3A : i32 to vector<16xi32>
        %min3A_585 = arith.minsi %max3A_583, %min3A_584 : vector<16xi32>
        %broadcast_in_dim3A_586 = arith.constant 0 : i32
        %broadcast_in_dim3A_587 = vector.broadcast %broadcast_in_dim3A_586 : i32 to vector<16xi32>
        %jit3A = arith.constant 8 : i32
        %div3A = arith.divsi %scan3A_570, %jit3A : i32
        %sign3A = arith.constant 0 : i32
        %sign3A_588 = arith.cmpi sgt, %scan3A_570, %sign3A : i32
        %sign3A_589 = arith.extui %sign3A_588 : i1 to i32
        %sign3A_590 = arith.constant 0 : i32
        %sign3A_591 = arith.cmpi slt, %scan3A_570, %sign3A_590 : i32
        %sign3A_592 = arith.extui %sign3A_591 : i1 to i32
        %sign3A_593 = arith.subi %sign3A_589, %sign3A_592 : i32
        %sign3A_594 = arith.constant 0 : i32
        %sign3A_595 = arith.cmpi sgt, %jit3A, %sign3A_594 : i32
        %sign3A_596 = arith.extui %sign3A_595 : i1 to i32
        %sign3A_597 = arith.constant 0 : i32
        %sign3A_598 = arith.cmpi slt, %jit3A, %sign3A_597 : i32
        %sign3A_599 = arith.extui %sign3A_598 : i1 to i32
        %sign3A_600 = arith.subi %sign3A_596, %sign3A_599 : i32
        %ne3A = arith.cmpi ne, %sign3A_593, %sign3A_600 : i32
        %rem3A = arith.remsi %scan3A_570, %jit3A : i32
        %ne3A_601 = arith.constant 0 : i32
        %ne3A_602 = arith.cmpi ne, %rem3A, %ne3A_601 : i32
        %and3A_603 = arith.andi %ne3A, %ne3A_602 : i1
        %sub3A_604 = arith.constant 1 : i32
        %sub3A_605 = arith.subi %div3A, %sub3A_604 : i32
        %select_n3A = arith.select %and3A_603, %sub3A_605, %div3A : i32
        %add3A_606 = vector.broadcast %select_n3A : i32 to vector<16xi32>
        %add3A_607 = arith.addi %broadcast_in_dim3A_587, %add3A_606 : vector<16xi32>
        %jit3A_608 = arith.constant 8 : i32
        %eq3A = arith.constant 0 : i32
        %eq3A_609 = arith.cmpi eq, %jit3A_608, %eq3A : i32
        %jit3A_610 = arith.constant 1 : i32
        %select_n3A_611 = arith.select %eq3A_609, %jit3A_610, %jit3A_608 : i32
        %rem3A_612 = arith.remsi %scan3A_570, %select_n3A_611 : i32
        %ne3A_613 = arith.constant 0 : i32
        %ne3A_614 = arith.cmpi ne, %rem3A_612, %ne3A_613 : i32
        %lt3A_615 = arith.constant 0 : i32
        %lt3A_616 = arith.cmpi slt, %rem3A_612, %lt3A_615 : i32
        %lt3A_617 = arith.constant 0 : i32
        %lt3A_618 = arith.cmpi slt, %select_n3A_611, %lt3A_617 : i32
        %ne3A_619 = arith.xori %lt3A_616, %lt3A_618 : i1
        %and3A_620 = arith.andi %ne3A_619, %ne3A_614 : i1
        %add3A_621 = arith.addi %rem3A_612, %select_n3A_611 : i32
        %select_n3A_622 = arith.select %and3A_620, %add3A_621, %rem3A_612 : i32
        %mul3A_623 = arith.constant 16 : i32
        %mul3A_624 = arith.muli %select_n3A_622, %mul3A_623 : i32
        %add3A_625 = vector.broadcast %mul3A_624 : i32 to vector<16xi32>
        %add3A_626 = arith.addi %add3A_625, %iota3A : vector<16xi32>
        tpu.vector_store_idx %arg6[%min3A_585, %add3A_607, %add3A_626], %broadcast_in_dim3A_7 masked %and3A : memref<25x8x128xf32, #tpu.memory_space<vmem>>[vector<16xi32>, vector<16xi32>, vector<16xi32>], vector<16xf32>, vector<16xi1>
        %scan3A_627 = arith.constant 0 : i32
        scf.yield %scan3A_627 : i32
      }
      %scan3A_333 = arith.constant 64 : i32
      %mul3A_334 = arith.constant 8 : i32
      %mul3A_335 = arith.muli %add3A_265, %mul3A_334 : i32
      %add3A_336 = arith.addi %mul3A_4, %mul3A_335 : i32
      %multiple_of3A_337 = tpu.assume_multiple %add3A_336, 8 : i32
      %dma_start3A_338 = arith.constant 25 : i32
      %dma_start3A_339 = arith.constant 0 : i32
      %dma_start3A_340 = tpu.memref_slice %arg3[%dma_start3A_338, %multiple_of3A_337, %dma_start3A_339] : memref<100x4096x128xf32, #tpu.memory_space<hbm>> -> memref<25x8x128xf32, #tpu.memory_space<hbm>>
      %dma_start3A_341 = arith.constant 25 : i32
      %dma_start3A_342 = arith.constant 0 : i32
      %dma_start3A_343 = tpu.memref_slice %arg3[%dma_start3A_341, %multiple_of3A_337, %dma_start3A_342] : memref<100x4096x128xf32, #tpu.memory_space<hbm>> -> memref<25x8x128xf32, #tpu.memory_space<hbm>>
      tpu.enqueue_dma source(%arg6 : memref<25x8x128xf32, #tpu.memory_space<vmem>>) target(%dma_start3A_343 : memref<25x8x128xf32, #tpu.memory_space<hbm>>) target_semaphore(%arg12 : memref<!tpu.dma_semaphore, #tpu.memory_space<semaphore_mem>>)
      %sub3A_344 = arith.constant 1 : i32
      %sub3A_345 = arith.subi %add3A_265, %sub3A_344 : i32
      %mul3A_346 = arith.constant 8 : i32
      %mul3A_347 = arith.muli %sub3A_345, %mul3A_346 : i32
      %add3A_348 = arith.addi %mul3A_4, %mul3A_347 : i32
      %multiple_of3A_349 = tpu.assume_multiple %add3A_348, 8 : i32
      %dma_wait3A_350 = arith.constant 50 : i32
      %dma_wait3A_351 = arith.constant 0 : i32
      %dma_wait3A_352 = tpu.memref_slice %arg3[%dma_wait3A_350, %multiple_of3A_349, %dma_wait3A_351] : memref<100x4096x128xf32, #tpu.memory_space<hbm>> -> memref<25x8x128xf32, #tpu.memory_space<hbm>>
      %dma_wait3A_353 = arith.constant 50 : i32
      %dma_wait3A_354 = arith.constant 0 : i32
      %dma_wait3A_355 = tpu.memref_slice %arg3[%dma_wait3A_353, %multiple_of3A_349, %dma_wait3A_354] : memref<100x4096x128xf32, #tpu.memory_space<hbm>> -> memref<25x8x128xf32, #tpu.memory_space<hbm>>
      tpu.wait_dma2 semaphore(%arg13 : memref<!tpu.dma_semaphore, #tpu.memory_space<semaphore_mem>>) src(%arg7 : memref<25x8x128xf32, #tpu.memory_space<vmem>>) dst(%dma_wait3A_355 : memref<25x8x128xf32, #tpu.memory_space<hbm>>)
      %scan3A_356 = arith.constant 0 : i32
      %scan3A_357 = arith.constant 0 : i32
      %scan3A_358 = arith.constant 64 : i32
      %scan3A_359 = arith.addi %scan3A_357, %scan3A_358 : i32
      %scan3A_360 = arith.constant 1 : i32
      %scan3A_361 = scf.for %scan3A_570 = %scan3A_357 to %scan3A_359 step %scan3A_360 iter_args(%scan3A_571 = %scan3A_356) -> (i32)  : i32 {
        %mul3A_572 = arith.constant 16 : i32
        %mul3A_573 = arith.muli %scan3A_570, %mul3A_572 : i32
        %get3A = arith.index_cast %mul3A_573 : i32 to index
        %get3A_574 = tpu.vector_load %arg10[%get3A] {strides = array<i32>} : memref<1024xi32, #tpu.memory_space<vmem>>, vector<16xi32>,
        %ge3A = arith.constant 50 : i32
        %ge3A_575 = vector.broadcast %ge3A : i32 to vector<16xi32>
        %ge3A_576 = arith.cmpi sge, %get3A_574, %ge3A_575 : vector<16xi32>
        %lt3A = arith.constant 75 : i32
        %lt3A_577 = vector.broadcast %lt3A : i32 to vector<16xi32>
        %lt3A_578 = arith.cmpi slt, %get3A_574, %lt3A_577 : vector<16xi32>
        %and3A = arith.andi %ge3A_576, %lt3A_578 : vector<16xi1>
        %sub3A_579 = arith.constant 50 : i32
        %sub3A_580 = vector.broadcast %sub3A_579 : i32 to vector<16xi32>
        %sub3A_581 = arith.subi %get3A_574, %sub3A_580 : vector<16xi32>
        %max3A = arith.constant 0 : i32
        %max3A_582 = vector.broadcast %max3A : i32 to vector<16xi32>
        %max3A_583 = arith.maxsi %sub3A_581, %max3A_582 : vector<16xi32>
        %min3A = arith.constant 24 : i32
        %min3A_584 = vector.broadcast %min3A : i32 to vector<16xi32>
        %min3A_585 = arith.minsi %max3A_583, %min3A_584 : vector<16xi32>
        %broadcast_in_dim3A_586 = arith.constant 0 : i32
        %broadcast_in_dim3A_587 = vector.broadcast %broadcast_in_dim3A_586 : i32 to vector<16xi32>
        %jit3A = arith.constant 8 : i32
        %div3A = arith.divsi %scan3A_570, %jit3A : i32
        %sign3A = arith.constant 0 : i32
        %sign3A_588 = arith.cmpi sgt, %scan3A_570, %sign3A : i32
        %sign3A_589 = arith.extui %sign3A_588 : i1 to i32
        %sign3A_590 = arith.constant 0 : i32
        %sign3A_591 = arith.cmpi slt, %scan3A_570, %sign3A_590 : i32
        %sign3A_592 = arith.extui %sign3A_591 : i1 to i32
        %sign3A_593 = arith.subi %sign3A_589, %sign3A_592 : i32
        %sign3A_594 = arith.constant 0 : i32
        %sign3A_595 = arith.cmpi sgt, %jit3A, %sign3A_594 : i32
        %sign3A_596 = arith.extui %sign3A_595 : i1 to i32
        %sign3A_597 = arith.constant 0 : i32
        %sign3A_598 = arith.cmpi slt, %jit3A, %sign3A_597 : i32
        %sign3A_599 = arith.extui %sign3A_598 : i1 to i32
        %sign3A_600 = arith.subi %sign3A_596, %sign3A_599 : i32
        %ne3A = arith.cmpi ne, %sign3A_593, %sign3A_600 : i32
        %rem3A = arith.remsi %scan3A_570, %jit3A : i32
        %ne3A_601 = arith.constant 0 : i32
        %ne3A_602 = arith.cmpi ne, %rem3A, %ne3A_601 : i32
        %and3A_603 = arith.andi %ne3A, %ne3A_602 : i1
        %sub3A_604 = arith.constant 1 : i32
        %sub3A_605 = arith.subi %div3A, %sub3A_604 : i32
        %select_n3A = arith.select %and3A_603, %sub3A_605, %div3A : i32
        %add3A_606 = vector.broadcast %select_n3A : i32 to vector<16xi32>
        %add3A_607 = arith.addi %broadcast_in_dim3A_587, %add3A_606 : vector<16xi32>
        %jit3A_608 = arith.constant 8 : i32
        %eq3A = arith.constant 0 : i32
        %eq3A_609 = arith.cmpi eq, %jit3A_608, %eq3A : i32
        %jit3A_610 = arith.constant 1 : i32
        %select_n3A_611 = arith.select %eq3A_609, %jit3A_610, %jit3A_608 : i32
        %rem3A_612 = arith.remsi %scan3A_570, %select_n3A_611 : i32
        %ne3A_613 = arith.constant 0 : i32
        %ne3A_614 = arith.cmpi ne, %rem3A_612, %ne3A_613 : i32
        %lt3A_615 = arith.constant 0 : i32
        %lt3A_616 = arith.cmpi slt, %rem3A_612, %lt3A_615 : i32
        %lt3A_617 = arith.constant 0 : i32
        %lt3A_618 = arith.cmpi slt, %select_n3A_611, %lt3A_617 : i32
        %ne3A_619 = arith.xori %lt3A_616, %lt3A_618 : i1
        %and3A_620 = arith.andi %ne3A_619, %ne3A_614 : i1
        %add3A_621 = arith.addi %rem3A_612, %select_n3A_611 : i32
        %select_n3A_622 = arith.select %and3A_620, %add3A_621, %rem3A_612 : i32
        %mul3A_623 = arith.constant 16 : i32
        %mul3A_624 = arith.muli %select_n3A_622, %mul3A_623 : i32
        %add3A_625 = vector.broadcast %mul3A_624 : i32 to vector<16xi32>
        %add3A_626 = arith.addi %add3A_625, %iota3A : vector<16xi32>
        tpu.vector_store_idx %arg7[%min3A_585, %add3A_607, %add3A_626], %broadcast_in_dim3A_5 masked %and3A : memref<25x8x128xf32, #tpu.memory_space<vmem>>[vector<16xi32>, vector<16xi32>, vector<16xi32>], vector<16xf32>, vector<16xi1>
        %scan3A_627 = arith.constant 0 : i32
        scf.yield %scan3A_627 : i32
      }
      %scan3A_362 = arith.constant 64 : i32
      %scan3A_363 = arith.constant 0 : i32
      %scan3A_364 = arith.constant 0 : i32
      %scan3A_365 = arith.constant 64 : i32
      %scan3A_366 = arith.addi %scan3A_364, %scan3A_365 : i32
      %scan3A_367 = arith.constant 1 : i32
      %scan3A_368 = scf.for %scan3A_570 = %scan3A_364 to %scan3A_366 step %scan3A_367 iter_args(%scan3A_571 = %scan3A_363) -> (i32)  : i32 {
        %mul3A_572 = arith.constant 16 : i32
        %mul3A_573 = arith.muli %scan3A_570, %mul3A_572 : i32
        %get3A = arith.index_cast %mul3A_573 : i32 to index
        %get3A_574 = tpu.vector_load %arg9[%get3A] {strides = array<i32>} : memref<1024xi32, #tpu.memory_space<vmem>>, vector<16xi32>,
        %ge3A = arith.constant 50 : i32
        %ge3A_575 = vector.broadcast %ge3A : i32 to vector<16xi32>
        %ge3A_576 = arith.cmpi sge, %get3A_574, %ge3A_575 : vector<16xi32>
        %lt3A = arith.constant 75 : i32
        %lt3A_577 = vector.broadcast %lt3A : i32 to vector<16xi32>
        %lt3A_578 = arith.cmpi slt, %get3A_574, %lt3A_577 : vector<16xi32>
        %and3A = arith.andi %ge3A_576, %lt3A_578 : vector<16xi1>
        %sub3A_579 = arith.constant 50 : i32
        %sub3A_580 = vector.broadcast %sub3A_579 : i32 to vector<16xi32>
        %sub3A_581 = arith.subi %get3A_574, %sub3A_580 : vector<16xi32>
        %max3A = arith.constant 0 : i32
        %max3A_582 = vector.broadcast %max3A : i32 to vector<16xi32>
        %max3A_583 = arith.maxsi %sub3A_581, %max3A_582 : vector<16xi32>
        %min3A = arith.constant 24 : i32
        %min3A_584 = vector.broadcast %min3A : i32 to vector<16xi32>
        %min3A_585 = arith.minsi %max3A_583, %min3A_584 : vector<16xi32>
        %broadcast_in_dim3A_586 = arith.constant 0 : i32
        %broadcast_in_dim3A_587 = vector.broadcast %broadcast_in_dim3A_586 : i32 to vector<16xi32>
        %jit3A = arith.constant 8 : i32
        %div3A = arith.divsi %scan3A_570, %jit3A : i32
        %sign3A = arith.constant 0 : i32
        %sign3A_588 = arith.cmpi sgt, %scan3A_570, %sign3A : i32
        %sign3A_589 = arith.extui %sign3A_588 : i1 to i32
        %sign3A_590 = arith.constant 0 : i32
        %sign3A_591 = arith.cmpi slt, %scan3A_570, %sign3A_590 : i32
        %sign3A_592 = arith.extui %sign3A_591 : i1 to i32
        %sign3A_593 = arith.subi %sign3A_589, %sign3A_592 : i32
        %sign3A_594 = arith.constant 0 : i32
        %sign3A_595 = arith.cmpi sgt, %jit3A, %sign3A_594 : i32
        %sign3A_596 = arith.extui %sign3A_595 : i1 to i32
        %sign3A_597 = arith.constant 0 : i32
        %sign3A_598 = arith.cmpi slt, %jit3A, %sign3A_597 : i32
        %sign3A_599 = arith.extui %sign3A_598 : i1 to i32
        %sign3A_600 = arith.subi %sign3A_596, %sign3A_599 : i32
        %ne3A = arith.cmpi ne, %sign3A_593, %sign3A_600 : i32
        %rem3A = arith.remsi %scan3A_570, %jit3A : i32
        %ne3A_601 = arith.constant 0 : i32
        %ne3A_602 = arith.cmpi ne, %rem3A, %ne3A_601 : i32
        %and3A_603 = arith.andi %ne3A, %ne3A_602 : i1
        %sub3A_604 = arith.constant 1 : i32
        %sub3A_605 = arith.subi %div3A, %sub3A_604 : i32
        %select_n3A = arith.select %and3A_603, %sub3A_605, %div3A : i32
        %add3A_606 = vector.broadcast %select_n3A : i32 to vector<16xi32>
        %add3A_607 = arith.addi %broadcast_in_dim3A_587, %add3A_606 : vector<16xi32>
        %jit3A_608 = arith.constant 8 : i32
        %eq3A = arith.constant 0 : i32
        %eq3A_609 = arith.cmpi eq, %jit3A_608, %eq3A : i32
        %jit3A_610 = arith.constant 1 : i32
        %select_n3A_611 = arith.select %eq3A_609, %jit3A_610, %jit3A_608 : i32
        %rem3A_612 = arith.remsi %scan3A_570, %select_n3A_611 : i32
        %ne3A_613 = arith.constant 0 : i32
        %ne3A_614 = arith.cmpi ne, %rem3A_612, %ne3A_613 : i32
        %lt3A_615 = arith.constant 0 : i32
        %lt3A_616 = arith.cmpi slt, %rem3A_612, %lt3A_615 : i32
        %lt3A_617 = arith.constant 0 : i32
        %lt3A_618 = arith.cmpi slt, %select_n3A_611, %lt3A_617 : i32
        %ne3A_619 = arith.xori %lt3A_616, %lt3A_618 : i1
        %and3A_620 = arith.andi %ne3A_619, %ne3A_614 : i1
        %add3A_621 = arith.addi %rem3A_612, %select_n3A_611 : i32
        %select_n3A_622 = arith.select %and3A_620, %add3A_621, %rem3A_612 : i32
        %mul3A_623 = arith.constant 16 : i32
        %mul3A_624 = arith.muli %select_n3A_622, %mul3A_623 : i32
        %add3A_625 = vector.broadcast %mul3A_624 : i32 to vector<16xi32>
        %add3A_626 = arith.addi %add3A_625, %iota3A : vector<16xi32>
        tpu.vector_store_idx %arg7[%min3A_585, %add3A_607, %add3A_626], %broadcast_in_dim3A_7 masked %and3A : memref<25x8x128xf32, #tpu.memory_space<vmem>>[vector<16xi32>, vector<16xi32>, vector<16xi32>], vector<16xf32>, vector<16xi1>
        %scan3A_627 = arith.constant 0 : i32
        scf.yield %scan3A_627 : i32
      }
      %scan3A_369 = arith.constant 64 : i32
      %mul3A_370 = arith.constant 8 : i32
      %mul3A_371 = arith.muli %add3A_265, %mul3A_370 : i32
      %add3A_372 = arith.addi %mul3A_4, %mul3A_371 : i32
      %multiple_of3A_373 = tpu.assume_multiple %add3A_372, 8 : i32
      %dma_start3A_374 = arith.constant 50 : i32
      %dma_start3A_375 = arith.constant 0 : i32
      %dma_start3A_376 = tpu.memref_slice %arg3[%dma_start3A_374, %multiple_of3A_373, %dma_start3A_375] : memref<100x4096x128xf32, #tpu.memory_space<hbm>> -> memref<25x8x128xf32, #tpu.memory_space<hbm>>
      %dma_start3A_377 = arith.constant 50 : i32
      %dma_start3A_378 = arith.constant 0 : i32
      %dma_start3A_379 = tpu.memref_slice %arg3[%dma_start3A_377, %multiple_of3A_373, %dma_start3A_378] : memref<100x4096x128xf32, #tpu.memory_space<hbm>> -> memref<25x8x128xf32, #tpu.memory_space<hbm>>
      tpu.enqueue_dma source(%arg7 : memref<25x8x128xf32, #tpu.memory_space<vmem>>) target(%dma_start3A_379 : memref<25x8x128xf32, #tpu.memory_space<hbm>>) target_semaphore(%arg13 : memref<!tpu.dma_semaphore, #tpu.memory_space<semaphore_mem>>)
      %sub3A_380 = arith.constant 1 : i32
      %sub3A_381 = arith.subi %add3A_265, %sub3A_380 : i32
      %mul3A_382 = arith.constant 8 : i32
      %mul3A_383 = arith.muli %sub3A_381, %mul3A_382 : i32
      %add3A_384 = arith.addi %mul3A_4, %mul3A_383 : i32
      %multiple_of3A_385 = tpu.assume_multiple %add3A_384, 8 : i32
      %dma_wait3A_386 = arith.constant 75 : i32
      %dma_wait3A_387 = arith.constant 0 : i32
      %dma_wait3A_388 = tpu.memref_slice %arg3[%dma_wait3A_386, %multiple_of3A_385, %dma_wait3A_387] : memref<100x4096x128xf32, #tpu.memory_space<hbm>> -> memref<25x8x128xf32, #tpu.memory_space<hbm>>
      %dma_wait3A_389 = arith.constant 75 : i32
      %dma_wait3A_390 = arith.constant 0 : i32
      %dma_wait3A_391 = tpu.memref_slice %arg3[%dma_wait3A_389, %multiple_of3A_385, %dma_wait3A_390] : memref<100x4096x128xf32, #tpu.memory_space<hbm>> -> memref<25x8x128xf32, #tpu.memory_space<hbm>>
      tpu.wait_dma2 semaphore(%arg14 : memref<!tpu.dma_semaphore, #tpu.memory_space<semaphore_mem>>) src(%arg8 : memref<25x8x128xf32, #tpu.memory_space<vmem>>) dst(%dma_wait3A_391 : memref<25x8x128xf32, #tpu.memory_space<hbm>>)
      %scan3A_392 = arith.constant 0 : i32
      %scan3A_393 = arith.constant 0 : i32
      %scan3A_394 = arith.constant 64 : i32
      %scan3A_395 = arith.addi %scan3A_393, %scan3A_394 : i32
      %scan3A_396 = arith.constant 1 : i32
      %scan3A_397 = scf.for %scan3A_570 = %scan3A_393 to %scan3A_395 step %scan3A_396 iter_args(%scan3A_571 = %scan3A_392) -> (i32)  : i32 {
        %mul3A_572 = arith.constant 16 : i32
        %mul3A_573 = arith.muli %scan3A_570, %mul3A_572 : i32
        %get3A = arith.index_cast %mul3A_573 : i32 to index
        %get3A_574 = tpu.vector_load %arg10[%get3A] {strides = array<i32>} : memref<1024xi32, #tpu.memory_space<vmem>>, vector<16xi32>,
        %ge3A = arith.constant 75 : i32
        %ge3A_575 = vector.broadcast %ge3A : i32 to vector<16xi32>
        %ge3A_576 = arith.cmpi sge, %get3A_574, %ge3A_575 : vector<16xi32>
        %lt3A = arith.constant 100 : i32
        %lt3A_577 = vector.broadcast %lt3A : i32 to vector<16xi32>
        %lt3A_578 = arith.cmpi slt, %get3A_574, %lt3A_577 : vector<16xi32>
        %and3A = arith.andi %ge3A_576, %lt3A_578 : vector<16xi1>
        %sub3A_579 = arith.constant 75 : i32
        %sub3A_580 = vector.broadcast %sub3A_579 : i32 to vector<16xi32>
        %sub3A_581 = arith.subi %get3A_574, %sub3A_580 : vector<16xi32>
        %max3A = arith.constant 0 : i32
        %max3A_582 = vector.broadcast %max3A : i32 to vector<16xi32>
        %max3A_583 = arith.maxsi %sub3A_581, %max3A_582 : vector<16xi32>
        %min3A = arith.constant 24 : i32
        %min3A_584 = vector.broadcast %min3A : i32 to vector<16xi32>
        %min3A_585 = arith.minsi %max3A_583, %min3A_584 : vector<16xi32>
        %broadcast_in_dim3A_586 = arith.constant 0 : i32
        %broadcast_in_dim3A_587 = vector.broadcast %broadcast_in_dim3A_586 : i32 to vector<16xi32>
        %jit3A = arith.constant 8 : i32
        %div3A = arith.divsi %scan3A_570, %jit3A : i32
        %sign3A = arith.constant 0 : i32
        %sign3A_588 = arith.cmpi sgt, %scan3A_570, %sign3A : i32
        %sign3A_589 = arith.extui %sign3A_588 : i1 to i32
        %sign3A_590 = arith.constant 0 : i32
        %sign3A_591 = arith.cmpi slt, %scan3A_570, %sign3A_590 : i32
        %sign3A_592 = arith.extui %sign3A_591 : i1 to i32
        %sign3A_593 = arith.subi %sign3A_589, %sign3A_592 : i32
        %sign3A_594 = arith.constant 0 : i32
        %sign3A_595 = arith.cmpi sgt, %jit3A, %sign3A_594 : i32
        %sign3A_596 = arith.extui %sign3A_595 : i1 to i32
        %sign3A_597 = arith.constant 0 : i32
        %sign3A_598 = arith.cmpi slt, %jit3A, %sign3A_597 : i32
        %sign3A_599 = arith.extui %sign3A_598 : i1 to i32
        %sign3A_600 = arith.subi %sign3A_596, %sign3A_599 : i32
        %ne3A = arith.cmpi ne, %sign3A_593, %sign3A_600 : i32
        %rem3A = arith.remsi %scan3A_570, %jit3A : i32
        %ne3A_601 = arith.constant 0 : i32
        %ne3A_602 = arith.cmpi ne, %rem3A, %ne3A_601 : i32
        %and3A_603 = arith.andi %ne3A, %ne3A_602 : i1
        %sub3A_604 = arith.constant 1 : i32
        %sub3A_605 = arith.subi %div3A, %sub3A_604 : i32
        %select_n3A = arith.select %and3A_603, %sub3A_605, %div3A : i32
        %add3A_606 = vector.broadcast %select_n3A : i32 to vector<16xi32>
        %add3A_607 = arith.addi %broadcast_in_dim3A_587, %add3A_606 : vector<16xi32>
        %jit3A_608 = arith.constant 8 : i32
        %eq3A = arith.constant 0 : i32
        %eq3A_609 = arith.cmpi eq, %jit3A_608, %eq3A : i32
        %jit3A_610 = arith.constant 1 : i32
        %select_n3A_611 = arith.select %eq3A_609, %jit3A_610, %jit3A_608 : i32
        %rem3A_612 = arith.remsi %scan3A_570, %select_n3A_611 : i32
        %ne3A_613 = arith.constant 0 : i32
        %ne3A_614 = arith.cmpi ne, %rem3A_612, %ne3A_613 : i32
        %lt3A_615 = arith.constant 0 : i32
        %lt3A_616 = arith.cmpi slt, %rem3A_612, %lt3A_615 : i32
        %lt3A_617 = arith.constant 0 : i32
        %lt3A_618 = arith.cmpi slt, %select_n3A_611, %lt3A_617 : i32
        %ne3A_619 = arith.xori %lt3A_616, %lt3A_618 : i1
        %and3A_620 = arith.andi %ne3A_619, %ne3A_614 : i1
        %add3A_621 = arith.addi %rem3A_612, %select_n3A_611 : i32
        %select_n3A_622 = arith.select %and3A_620, %add3A_621, %rem3A_612 : i32
        %mul3A_623 = arith.constant 16 : i32
        %mul3A_624 = arith.muli %select_n3A_622, %mul3A_623 : i32
        %add3A_625 = vector.broadcast %mul3A_624 : i32 to vector<16xi32>
        %add3A_626 = arith.addi %add3A_625, %iota3A : vector<16xi32>
        tpu.vector_store_idx %arg8[%min3A_585, %add3A_607, %add3A_626], %broadcast_in_dim3A_5 masked %and3A : memref<25x8x128xf32, #tpu.memory_space<vmem>>[vector<16xi32>, vector<16xi32>, vector<16xi32>], vector<16xf32>, vector<16xi1>
        %scan3A_627 = arith.constant 0 : i32
        scf.yield %scan3A_627 : i32
      }
      %scan3A_398 = arith.constant 64 : i32
      %scan3A_399 = arith.constant 0 : i32
      %scan3A_400 = arith.constant 0 : i32
      %scan3A_401 = arith.constant 64 : i32
      %scan3A_402 = arith.addi %scan3A_400, %scan3A_401 : i32
      %scan3A_403 = arith.constant 1 : i32
      %scan3A_404 = scf.for %scan3A_570 = %scan3A_400 to %scan3A_402 step %scan3A_403 iter_args(%scan3A_571 = %scan3A_399) -> (i32)  : i32 {
        %mul3A_572 = arith.constant 16 : i32
        %mul3A_573 = arith.muli %scan3A_570, %mul3A_572 : i32
        %get3A = arith.index_cast %mul3A_573 : i32 to index
        %get3A_574 = tpu.vector_load %arg9[%get3A] {strides = array<i32>} : memref<1024xi32, #tpu.memory_space<vmem>>, vector<16xi32>,
        %ge3A = arith.constant 75 : i32
        %ge3A_575 = vector.broadcast %ge3A : i32 to vector<16xi32>
        %ge3A_576 = arith.cmpi sge, %get3A_574, %ge3A_575 : vector<16xi32>
        %lt3A = arith.constant 100 : i32
        %lt3A_577 = vector.broadcast %lt3A : i32 to vector<16xi32>
        %lt3A_578 = arith.cmpi slt, %get3A_574, %lt3A_577 : vector<16xi32>
        %and3A = arith.andi %ge3A_576, %lt3A_578 : vector<16xi1>
        %sub3A_579 = arith.constant 75 : i32
        %sub3A_580 = vector.broadcast %sub3A_579 : i32 to vector<16xi32>
        %sub3A_581 = arith.subi %get3A_574, %sub3A_580 : vector<16xi32>
        %max3A = arith.constant 0 : i32
        %max3A_582 = vector.broadcast %max3A : i32 to vector<16xi32>
        %max3A_583 = arith.maxsi %sub3A_581, %max3A_582 : vector<16xi32>
        %min3A = arith.constant 24 : i32
        %min3A_584 = vector.broadcast %min3A : i32 to vector<16xi32>
        %min3A_585 = arith.minsi %max3A_583, %min3A_584 : vector<16xi32>
        %broadcast_in_dim3A_586 = arith.constant 0 : i32
        %broadcast_in_dim3A_587 = vector.broadcast %broadcast_in_dim3A_586 : i32 to vector<16xi32>
        %jit3A = arith.constant 8 : i32
        %div3A = arith.divsi %scan3A_570, %jit3A : i32
        %sign3A = arith.constant 0 : i32
        %sign3A_588 = arith.cmpi sgt, %scan3A_570, %sign3A : i32
        %sign3A_589 = arith.extui %sign3A_588 : i1 to i32
        %sign3A_590 = arith.constant 0 : i32
        %sign3A_591 = arith.cmpi slt, %scan3A_570, %sign3A_590 : i32
        %sign3A_592 = arith.extui %sign3A_591 : i1 to i32
        %sign3A_593 = arith.subi %sign3A_589, %sign3A_592 : i32
        %sign3A_594 = arith.constant 0 : i32
        %sign3A_595 = arith.cmpi sgt, %jit3A, %sign3A_594 : i32
        %sign3A_596 = arith.extui %sign3A_595 : i1 to i32
        %sign3A_597 = arith.constant 0 : i32
        %sign3A_598 = arith.cmpi slt, %jit3A, %sign3A_597 : i32
        %sign3A_599 = arith.extui %sign3A_598 : i1 to i32
        %sign3A_600 = arith.subi %sign3A_596, %sign3A_599 : i32
        %ne3A = arith.cmpi ne, %sign3A_593, %sign3A_600 : i32
        %rem3A = arith.remsi %scan3A_570, %jit3A : i32
        %ne3A_601 = arith.constant 0 : i32
        %ne3A_602 = arith.cmpi ne, %rem3A, %ne3A_601 : i32
        %and3A_603 = arith.andi %ne3A, %ne3A_602 : i1
        %sub3A_604 = arith.constant 1 : i32
        %sub3A_605 = arith.subi %div3A, %sub3A_604 : i32
        %select_n3A = arith.select %and3A_603, %sub3A_605, %div3A : i32
        %add3A_606 = vector.broadcast %select_n3A : i32 to vector<16xi32>
        %add3A_607 = arith.addi %broadcast_in_dim3A_587, %add3A_606 : vector<16xi32>
        %jit3A_608 = arith.constant 8 : i32
        %eq3A = arith.constant 0 : i32
        %eq3A_609 = arith.cmpi eq, %jit3A_608, %eq3A : i32
        %jit3A_610 = arith.constant 1 : i32
        %select_n3A_611 = arith.select %eq3A_609, %jit3A_610, %jit3A_608 : i32
        %rem3A_612 = arith.remsi %scan3A_570, %select_n3A_611 : i32
        %ne3A_613 = arith.constant 0 : i32
        %ne3A_614 = arith.cmpi ne, %rem3A_612, %ne3A_613 : i32
        %lt3A_615 = arith.constant 0 : i32
        %lt3A_616 = arith.cmpi slt, %rem3A_612, %lt3A_615 : i32
        %lt3A_617 = arith.constant 0 : i32
        %lt3A_618 = arith.cmpi slt, %select_n3A_611, %lt3A_617 : i32
        %ne3A_619 = arith.xori %lt3A_616, %lt3A_618 : i1
        %and3A_620 = arith.andi %ne3A_619, %ne3A_614 : i1
        %add3A_621 = arith.addi %rem3A_612, %select_n3A_611 : i32
        %select_n3A_622 = arith.select %and3A_620, %add3A_621, %rem3A_612 : i32
        %mul3A_623 = arith.constant 16 : i32
        %mul3A_624 = arith.muli %select_n3A_622, %mul3A_623 : i32
        %add3A_625 = vector.broadcast %mul3A_624 : i32 to vector<16xi32>
        %add3A_626 = arith.addi %add3A_625, %iota3A : vector<16xi32>
        tpu.vector_store_idx %arg8[%min3A_585, %add3A_607, %add3A_626], %broadcast_in_dim3A_7 masked %and3A : memref<25x8x128xf32, #tpu.memory_space<vmem>>[vector<16xi32>, vector<16xi32>, vector<16xi32>], vector<16xf32>, vector<16xi1>
        %scan3A_627 = arith.constant 0 : i32
        scf.yield %scan3A_627 : i32
      }
      %scan3A_405 = arith.constant 64 : i32
      %mul3A_406 = arith.constant 8 : i32
      %mul3A_407 = arith.muli %add3A_265, %mul3A_406 : i32
      %add3A_408 = arith.addi %mul3A_4, %mul3A_407 : i32
      %multiple_of3A_409 = tpu.assume_multiple %add3A_408, 8 : i32
      %dma_start3A_410 = arith.constant 75 : i32
      %dma_start3A_411 = arith.constant 0 : i32
      %dma_start3A_412 = tpu.memref_slice %arg3[%dma_start3A_410, %multiple_of3A_409, %dma_start3A_411] : memref<100x4096x128xf32, #tpu.memory_space<hbm>> -> memref<25x8x128xf32, #tpu.memory_space<hbm>>
      %dma_start3A_413 = arith.constant 75 : i32
      %dma_start3A_414 = arith.constant 0 : i32
      %dma_start3A_415 = tpu.memref_slice %arg3[%dma_start3A_413, %multiple_of3A_409, %dma_start3A_414] : memref<100x4096x128xf32, #tpu.memory_space<hbm>> -> memref<25x8x128xf32, #tpu.memory_space<hbm>>
      tpu.enqueue_dma source(%arg8 : memref<25x8x128xf32, #tpu.memory_space<vmem>>) target(%dma_start3A_415 : memref<25x8x128xf32, #tpu.memory_space<hbm>>) target_semaphore(%arg14 : memref<!tpu.dma_semaphore, #tpu.memory_space<semaphore_mem>>)
      %add3A_416 = arith.constant 1 : i32
      %add3A_417 = arith.addi %mul3A_263, %add3A_416 : i32
      %scan3A_418 = arith.constant 0 : i32
      %scan3A_419 = arith.constant 0 : i32
      %scan3A_420 = arith.constant 64 : i32
      %scan3A_421 = arith.addi %scan3A_419, %scan3A_420 : i32
      %scan3A_422 = arith.constant 1 : i32
      %scan3A_423 = scf.for %scan3A_570 = %scan3A_419 to %scan3A_421 step %scan3A_422 iter_args(%scan3A_571 = %scan3A_418) -> (i32)  : i32 {
        %mul3A_572 = arith.constant 1024 : i32
        %mul3A_573 = arith.muli %add3A_417, %mul3A_572 : i32
        %mul3A_574 = arith.constant 16 : i32
        %mul3A_575 = arith.muli %scan3A_570, %mul3A_574 : i32
        %add3A_576 = arith.addi %mul3A_573, %mul3A_575 : i32
        %get3A = arith.index_cast %add3A_576 : i32 to index
        %get3A_577 = tpu.vector_load %arg4[%get3A] {strides = array<i32>} : memref<16384xf32, #tpu.memory_space<vmem>>, vector<16xf32>,
        %add3A_578 = arith.constant 1.000000e+00 : f32
        %add3A_579 = vector.broadcast %add3A_578 : f32 to vector<16xf32>
        %add3A_580 = arith.addf %get3A_577, %add3A_579 : vector<16xf32>
        %mul3A_581 = arith.constant 5.000000e-01 : f32
        %mul3A_582 = vector.broadcast %mul3A_581 : f32 to vector<16xf32>
        %mul3A_583 = arith.mulf %add3A_580, %mul3A_582 : vector<16xf32>
        %max3A = arith.constant 0.000000e+00 : f32
        %max3A_584 = vector.broadcast %max3A : f32 to vector<16xf32>
        %max3A_585 = arith.maximumf %mul3A_583, %max3A_584 : vector<16xf32>
        %min3A = arith.constant 1.000000e+00 : f32
        %min3A_586 = vector.broadcast %min3A : f32 to vector<16xf32>
        %min3A_587 = arith.minimumf %max3A_585, %min3A_586 : vector<16xf32>
        %sub3A_588 = arith.constant 1.000000e+00 : f32
        %sub3A_589 = vector.broadcast %sub3A_588 : f32 to vector<16xf32>
        %sub3A_590 = arith.subf %sub3A_589, %min3A_587 : vector<16xf32>
        %mul3A_591 = arith.constant 9.900000e+01 : f32
        %mul3A_592 = vector.broadcast %mul3A_591 : f32 to vector<16xf32>
        %mul3A_593 = arith.mulf %sub3A_590, %mul3A_592 : vector<16xf32>
        %add3A_594 = arith.constant 5.000000e-01 : f32
        %add3A_595 = vector.broadcast %add3A_594 : f32 to vector<16xf32>
        %add3A_596 = arith.addf %mul3A_593, %add3A_595 : vector<16xf32>
        %convert_element_type3A = arith.fptosi %add3A_596 : vector<16xf32> to vector<16xi32>
        %convert_element_type3A_597 = arith.sitofp %convert_element_type3A : vector<16xi32> to vector<16xf32>
        %eq3A = arith.cmpf oeq, %convert_element_type3A_597, %add3A_596 : vector<16xf32>
        %and3A = arith.constant 1 : i32
        %and3A_598 = vector.broadcast %and3A : i32 to vector<16xi32>
        %and3A_599 = arith.andi %convert_element_type3A, %and3A_598 : vector<16xi32>
        %eq3A_600 = arith.constant 1 : i32
        %eq3A_601 = vector.broadcast %eq3A_600 : i32 to vector<16xi32>
        %eq3A_602 = arith.cmpi eq, %and3A_599, %eq3A_601 : vector<16xi32>
        %and3A_603 = arith.andi %eq3A, %eq3A_602 : vector<16xi1>
        %jit3A = arith.constant 1 : i32
        %jit3A_604 = arith.constant 0 : i32
        %broadcast_in_dim3A_605 = vector.broadcast %jit3A : i32 to vector<16xi32>
        %broadcast_in_dim3A_606 = vector.broadcast %jit3A_604 : i32 to vector<16xi32>
        %select_n3A = arith.select %and3A_603, %broadcast_in_dim3A_605, %broadcast_in_dim3A_606 : vector<16xi1>, vector<16xi32>
        %sub3A_607 = arith.subi %convert_element_type3A, %select_n3A : vector<16xi32>
        %max3A_608 = arith.constant 0 : i32
        %max3A_609 = vector.broadcast %max3A_608 : i32 to vector<16xi32>
        %max3A_610 = arith.maxsi %sub3A_607, %max3A_609 : vector<16xi32>
        %min3A_611 = arith.constant 99 : i32
        %min3A_612 = vector.broadcast %min3A_611 : i32 to vector<16xi32>
        %min3A_613 = arith.minsi %max3A_610, %min3A_612 : vector<16xi32>
        %mul3A_614 = arith.constant 16 : i32
        %mul3A_615 = arith.muli %scan3A_570, %mul3A_614 : i32
        %swap3A = arith.index_cast %mul3A_615 : i32 to index
        %swap3A_616 = tpu.vector_load %arg10[%swap3A] {strides = array<i32>} : memref<1024xi32, #tpu.memory_space<vmem>>, vector<16xi32>,
        tpu.vector_store %arg10[%swap3A], %min3A_613 {strides = array<i32>} : memref<1024xi32, #tpu.memory_space<vmem>>, vector<16xi32>,
        %scan3A_617 = arith.constant 0 : i32
        scf.yield %scan3A_617 : i32
      }
      %scan3A_424 = arith.constant 64 : i32
      %sub3A_425 = arith.constant 1 : i32
      %sub3A_426 = arith.subi %add3A_417, %sub3A_425 : i32
      %mul3A_427 = arith.constant 8 : i32
      %mul3A_428 = arith.muli %sub3A_426, %mul3A_427 : i32
      %add3A_429 = arith.addi %mul3A_4, %mul3A_428 : i32
      %multiple_of3A_430 = tpu.assume_multiple %add3A_429, 8 : i32
      %dma_wait3A_431 = arith.constant 0 : i32
      %dma_wait3A_432 = arith.constant 0 : i32
      %dma_wait3A_433 = tpu.memref_slice %arg3[%dma_wait3A_431, %multiple_of3A_430, %dma_wait3A_432] : memref<100x4096x128xf32, #tpu.memory_space<hbm>> -> memref<25x8x128xf32, #tpu.memory_space<hbm>>
      %dma_wait3A_434 = arith.constant 0 : i32
      %dma_wait3A_435 = arith.constant 0 : i32
      %dma_wait3A_436 = tpu.memref_slice %arg3[%dma_wait3A_434, %multiple_of3A_430, %dma_wait3A_435] : memref<100x4096x128xf32, #tpu.memory_space<hbm>> -> memref<25x8x128xf32, #tpu.memory_space<hbm>>
      tpu.wait_dma2 semaphore(%arg11 : memref<!tpu.dma_semaphore, #tpu.memory_space<semaphore_mem>>) src(%arg5 : memref<25x8x128xf32, #tpu.memory_space<vmem>>) dst(%dma_wait3A_436 : memref<25x8x128xf32, #tpu.memory_space<hbm>>)
      %scan3A_437 = arith.constant 0 : i32
      %scan3A_438 = arith.constant 0 : i32
      %scan3A_439 = arith.constant 64 : i32
      %scan3A_440 = arith.addi %scan3A_438, %scan3A_439 : i32
      %scan3A_441 = arith.constant 1 : i32
      %scan3A_442 = scf.for %scan3A_570 = %scan3A_438 to %scan3A_440 step %scan3A_441 iter_args(%scan3A_571 = %scan3A_437) -> (i32)  : i32 {
        %mul3A_572 = arith.constant 16 : i32
        %mul3A_573 = arith.muli %scan3A_570, %mul3A_572 : i32
        %get3A = arith.index_cast %mul3A_573 : i32 to index
        %get3A_574 = tpu.vector_load %arg9[%get3A] {strides = array<i32>} : memref<1024xi32, #tpu.memory_space<vmem>>, vector<16xi32>,
        %ge3A = arith.constant 0 : i32
        %ge3A_575 = vector.broadcast %ge3A : i32 to vector<16xi32>
        %ge3A_576 = arith.cmpi sge, %get3A_574, %ge3A_575 : vector<16xi32>
        %lt3A = arith.constant 25 : i32
        %lt3A_577 = vector.broadcast %lt3A : i32 to vector<16xi32>
        %lt3A_578 = arith.cmpi slt, %get3A_574, %lt3A_577 : vector<16xi32>
        %and3A = arith.andi %ge3A_576, %lt3A_578 : vector<16xi1>
        %sub3A_579 = arith.constant 0 : i32
        %sub3A_580 = vector.broadcast %sub3A_579 : i32 to vector<16xi32>
        %sub3A_581 = arith.subi %get3A_574, %sub3A_580 : vector<16xi32>
        %max3A = arith.constant 0 : i32
        %max3A_582 = vector.broadcast %max3A : i32 to vector<16xi32>
        %max3A_583 = arith.maxsi %sub3A_581, %max3A_582 : vector<16xi32>
        %min3A = arith.constant 24 : i32
        %min3A_584 = vector.broadcast %min3A : i32 to vector<16xi32>
        %min3A_585 = arith.minsi %max3A_583, %min3A_584 : vector<16xi32>
        %broadcast_in_dim3A_586 = arith.constant 0 : i32
        %broadcast_in_dim3A_587 = vector.broadcast %broadcast_in_dim3A_586 : i32 to vector<16xi32>
        %jit3A = arith.constant 8 : i32
        %div3A = arith.divsi %scan3A_570, %jit3A : i32
        %sign3A = arith.constant 0 : i32
        %sign3A_588 = arith.cmpi sgt, %scan3A_570, %sign3A : i32
        %sign3A_589 = arith.extui %sign3A_588 : i1 to i32
        %sign3A_590 = arith.constant 0 : i32
        %sign3A_591 = arith.cmpi slt, %scan3A_570, %sign3A_590 : i32
        %sign3A_592 = arith.extui %sign3A_591 : i1 to i32
        %sign3A_593 = arith.subi %sign3A_589, %sign3A_592 : i32
        %sign3A_594 = arith.constant 0 : i32
        %sign3A_595 = arith.cmpi sgt, %jit3A, %sign3A_594 : i32
        %sign3A_596 = arith.extui %sign3A_595 : i1 to i32
        %sign3A_597 = arith.constant 0 : i32
        %sign3A_598 = arith.cmpi slt, %jit3A, %sign3A_597 : i32
        %sign3A_599 = arith.extui %sign3A_598 : i1 to i32
        %sign3A_600 = arith.subi %sign3A_596, %sign3A_599 : i32
        %ne3A = arith.cmpi ne, %sign3A_593, %sign3A_600 : i32
        %rem3A = arith.remsi %scan3A_570, %jit3A : i32
        %ne3A_601 = arith.constant 0 : i32
        %ne3A_602 = arith.cmpi ne, %rem3A, %ne3A_601 : i32
        %and3A_603 = arith.andi %ne3A, %ne3A_602 : i1
        %sub3A_604 = arith.constant 1 : i32
        %sub3A_605 = arith.subi %div3A, %sub3A_604 : i32
        %select_n3A = arith.select %and3A_603, %sub3A_605, %div3A : i32
        %add3A_606 = vector.broadcast %select_n3A : i32 to vector<16xi32>
        %add3A_607 = arith.addi %broadcast_in_dim3A_587, %add3A_606 : vector<16xi32>
        %jit3A_608 = arith.constant 8 : i32
        %eq3A = arith.constant 0 : i32
        %eq3A_609 = arith.cmpi eq, %jit3A_608, %eq3A : i32
        %jit3A_610 = arith.constant 1 : i32
        %select_n3A_611 = arith.select %eq3A_609, %jit3A_610, %jit3A_608 : i32
        %rem3A_612 = arith.remsi %scan3A_570, %select_n3A_611 : i32
        %ne3A_613 = arith.constant 0 : i32
        %ne3A_614 = arith.cmpi ne, %rem3A_612, %ne3A_613 : i32
        %lt3A_615 = arith.constant 0 : i32
        %lt3A_616 = arith.cmpi slt, %rem3A_612, %lt3A_615 : i32
        %lt3A_617 = arith.constant 0 : i32
        %lt3A_618 = arith.cmpi slt, %select_n3A_611, %lt3A_617 : i32
        %ne3A_619 = arith.xori %lt3A_616, %lt3A_618 : i1
        %and3A_620 = arith.andi %ne3A_619, %ne3A_614 : i1
        %add3A_621 = arith.addi %rem3A_612, %select_n3A_611 : i32
        %select_n3A_622 = arith.select %and3A_620, %add3A_621, %rem3A_612 : i32
        %mul3A_623 = arith.constant 16 : i32
        %mul3A_624 = arith.muli %select_n3A_622, %mul3A_623 : i32
        %add3A_625 = vector.broadcast %mul3A_624 : i32 to vector<16xi32>
        %add3A_626 = arith.addi %add3A_625, %iota3A : vector<16xi32>
        tpu.vector_store_idx %arg5[%min3A_585, %add3A_607, %add3A_626], %broadcast_in_dim3A_5 masked %and3A : memref<25x8x128xf32, #tpu.memory_space<vmem>>[vector<16xi32>, vector<16xi32>, vector<16xi32>], vector<16xf32>, vector<16xi1>
        %scan3A_627 = arith.constant 0 : i32
        scf.yield %scan3A_627 : i32
      }
      %scan3A_443 = arith.constant 64 : i32
      %scan3A_444 = arith.constant 0 : i32
      %scan3A_445 = arith.constant 0 : i32
      %scan3A_446 = arith.constant 64 : i32
      %scan3A_447 = arith.addi %scan3A_445, %scan3A_446 : i32
      %scan3A_448 = arith.constant 1 : i32
      %scan3A_449 = scf.for %scan3A_570 = %scan3A_445 to %scan3A_447 step %scan3A_448 iter_args(%scan3A_571 = %scan3A_444) -> (i32)  : i32 {
        %mul3A_572 = arith.constant 16 : i32
        %mul3A_573 = arith.muli %scan3A_570, %mul3A_572 : i32
        %get3A = arith.index_cast %mul3A_573 : i32 to index
        %get3A_574 = tpu.vector_load %arg10[%get3A] {strides = array<i32>} : memref<1024xi32, #tpu.memory_space<vmem>>, vector<16xi32>,
        %ge3A = arith.constant 0 : i32
        %ge3A_575 = vector.broadcast %ge3A : i32 to vector<16xi32>
        %ge3A_576 = arith.cmpi sge, %get3A_574, %ge3A_575 : vector<16xi32>
        %lt3A = arith.constant 25 : i32
        %lt3A_577 = vector.broadcast %lt3A : i32 to vector<16xi32>
        %lt3A_578 = arith.cmpi slt, %get3A_574, %lt3A_577 : vector<16xi32>
        %and3A = arith.andi %ge3A_576, %lt3A_578 : vector<16xi1>
        %sub3A_579 = arith.constant 0 : i32
        %sub3A_580 = vector.broadcast %sub3A_579 : i32 to vector<16xi32>
        %sub3A_581 = arith.subi %get3A_574, %sub3A_580 : vector<16xi32>
        %max3A = arith.constant 0 : i32
        %max3A_582 = vector.broadcast %max3A : i32 to vector<16xi32>
        %max3A_583 = arith.maxsi %sub3A_581, %max3A_582 : vector<16xi32>
        %min3A = arith.constant 24 : i32
        %min3A_584 = vector.broadcast %min3A : i32 to vector<16xi32>
        %min3A_585 = arith.minsi %max3A_583, %min3A_584 : vector<16xi32>
        %broadcast_in_dim3A_586 = arith.constant 0 : i32
        %broadcast_in_dim3A_587 = vector.broadcast %broadcast_in_dim3A_586 : i32 to vector<16xi32>
        %jit3A = arith.constant 8 : i32
        %div3A = arith.divsi %scan3A_570, %jit3A : i32
        %sign3A = arith.constant 0 : i32
        %sign3A_588 = arith.cmpi sgt, %scan3A_570, %sign3A : i32
        %sign3A_589 = arith.extui %sign3A_588 : i1 to i32
        %sign3A_590 = arith.constant 0 : i32
        %sign3A_591 = arith.cmpi slt, %scan3A_570, %sign3A_590 : i32
        %sign3A_592 = arith.extui %sign3A_591 : i1 to i32
        %sign3A_593 = arith.subi %sign3A_589, %sign3A_592 : i32
        %sign3A_594 = arith.constant 0 : i32
        %sign3A_595 = arith.cmpi sgt, %jit3A, %sign3A_594 : i32
        %sign3A_596 = arith.extui %sign3A_595 : i1 to i32
        %sign3A_597 = arith.constant 0 : i32
        %sign3A_598 = arith.cmpi slt, %jit3A, %sign3A_597 : i32
        %sign3A_599 = arith.extui %sign3A_598 : i1 to i32
        %sign3A_600 = arith.subi %sign3A_596, %sign3A_599 : i32
        %ne3A = arith.cmpi ne, %sign3A_593, %sign3A_600 : i32
        %rem3A = arith.remsi %scan3A_570, %jit3A : i32
        %ne3A_601 = arith.constant 0 : i32
        %ne3A_602 = arith.cmpi ne, %rem3A, %ne3A_601 : i32
        %and3A_603 = arith.andi %ne3A, %ne3A_602 : i1
        %sub3A_604 = arith.constant 1 : i32
        %sub3A_605 = arith.subi %div3A, %sub3A_604 : i32
        %select_n3A = arith.select %and3A_603, %sub3A_605, %div3A : i32
        %add3A_606 = vector.broadcast %select_n3A : i32 to vector<16xi32>
        %add3A_607 = arith.addi %broadcast_in_dim3A_587, %add3A_606 : vector<16xi32>
        %jit3A_608 = arith.constant 8 : i32
        %eq3A = arith.constant 0 : i32
        %eq3A_609 = arith.cmpi eq, %jit3A_608, %eq3A : i32
        %jit3A_610 = arith.constant 1 : i32
        %select_n3A_611 = arith.select %eq3A_609, %jit3A_610, %jit3A_608 : i32
        %rem3A_612 = arith.remsi %scan3A_570, %select_n3A_611 : i32
        %ne3A_613 = arith.constant 0 : i32
        %ne3A_614 = arith.cmpi ne, %rem3A_612, %ne3A_613 : i32
        %lt3A_615 = arith.constant 0 : i32
        %lt3A_616 = arith.cmpi slt, %rem3A_612, %lt3A_615 : i32
        %lt3A_617 = arith.constant 0 : i32
        %lt3A_618 = arith.cmpi slt, %select_n3A_611, %lt3A_617 : i32
        %ne3A_619 = arith.xori %lt3A_616, %lt3A_618 : i1
        %and3A_620 = arith.andi %ne3A_619, %ne3A_614 : i1
        %add3A_621 = arith.addi %rem3A_612, %select_n3A_611 : i32
        %select_n3A_622 = arith.select %and3A_620, %add3A_621, %rem3A_612 : i32
        %mul3A_623 = arith.constant 16 : i32
        %mul3A_624 = arith.muli %select_n3A_622, %mul3A_623 : i32
        %add3A_625 = vector.broadcast %mul3A_624 : i32 to vector<16xi32>
        %add3A_626 = arith.addi %add3A_625, %iota3A : vector<16xi32>
        tpu.vector_store_idx %arg5[%min3A_585, %add3A_607, %add3A_626], %broadcast_in_dim3A_7 masked %and3A : memref<25x8x128xf32, #tpu.memory_space<vmem>>[vector<16xi32>, vector<16xi32>, vector<16xi32>], vector<16xf32>, vector<16xi1>
        %scan3A_627 = arith.constant 0 : i32
        scf.yield %scan3A_627 : i32
      }
      %scan3A_450 = arith.constant 64 : i32
      %mul3A_451 = arith.constant 8 : i32
      %mul3A_452 = arith.muli %add3A_417, %mul3A_451 : i32
      %add3A_453 = arith.addi %mul3A_4, %mul3A_452 : i32
      %multiple_of3A_454 = tpu.assume_multiple %add3A_453, 8 : i32
      %dma_start3A_455 = arith.constant 0 : i32
      %dma_start3A_456 = arith.constant 0 : i32
      %dma_start3A_457 = tpu.memref_slice %arg3[%dma_start3A_455, %multiple_of3A_454, %dma_start3A_456] : memref<100x4096x128xf32, #tpu.memory_space<hbm>> -> memref<25x8x128xf32, #tpu.memory_space<hbm>>
      %dma_start3A_458 = arith.constant 0 : i32
      %dma_start3A_459 = arith.constant 0 : i32
      %dma_start3A_460 = tpu.memref_slice %arg3[%dma_start3A_458, %multiple_of3A_454, %dma_start3A_459] : memref<100x4096x128xf32, #tpu.memory_space<hbm>> -> memref<25x8x128xf32, #tpu.memory_space<hbm>>
      tpu.enqueue_dma source(%arg5 : memref<25x8x128xf32, #tpu.memory_space<vmem>>) target(%dma_start3A_460 : memref<25x8x128xf32, #tpu.memory_space<hbm>>) target_semaphore(%arg11 : memref<!tpu.dma_semaphore, #tpu.memory_space<semaphore_mem>>)
      %sub3A_461 = arith.constant 1 : i32
      %sub3A_462 = arith.subi %add3A_417, %sub3A_461 : i32
      %mul3A_463 = arith.constant 8 : i32
      %mul3A_464 = arith.muli %sub3A_462, %mul3A_463 : i32
      %add3A_465 = arith.addi %mul3A_4, %mul3A_464 : i32
      %multiple_of3A_466 = tpu.assume_multiple %add3A_465, 8 : i32
      %dma_wait3A_467 = arith.constant 25 : i32
      %dma_wait3A_468 = arith.constant 0 : i32
      %dma_wait3A_469 = tpu.memref_slice %arg3[%dma_wait3A_467, %multiple_of3A_466, %dma_wait3A_468] : memref<100x4096x128xf32, #tpu.memory_space<hbm>> -> memref<25x8x128xf32, #tpu.memory_space<hbm>>
      %dma_wait3A_470 = arith.constant 25 : i32
      %dma_wait3A_471 = arith.constant 0 : i32
      %dma_wait3A_472 = tpu.memref_slice %arg3[%dma_wait3A_470, %multiple_of3A_466, %dma_wait3A_471] : memref<100x4096x128xf32, #tpu.memory_space<hbm>> -> memref<25x8x128xf32, #tpu.memory_space<hbm>>
      tpu.wait_dma2 semaphore(%arg12 : memref<!tpu.dma_semaphore, #tpu.memory_space<semaphore_mem>>) src(%arg6 : memref<25x8x128xf32, #tpu.memory_space<vmem>>) dst(%dma_wait3A_472 : memref<25x8x128xf32, #tpu.memory_space<hbm>>)
      %scan3A_473 = arith.constant 0 : i32
      %scan3A_474 = arith.constant 0 : i32
      %scan3A_475 = arith.constant 64 : i32
      %scan3A_476 = arith.addi %scan3A_474, %scan3A_475 : i32
      %scan3A_477 = arith.constant 1 : i32
      %scan3A_478 = scf.for %scan3A_570 = %scan3A_474 to %scan3A_476 step %scan3A_477 iter_args(%scan3A_571 = %scan3A_473) -> (i32)  : i32 {
        %mul3A_572 = arith.constant 16 : i32
        %mul3A_573 = arith.muli %scan3A_570, %mul3A_572 : i32
        %get3A = arith.index_cast %mul3A_573 : i32 to index
        %get3A_574 = tpu.vector_load %arg9[%get3A] {strides = array<i32>} : memref<1024xi32, #tpu.memory_space<vmem>>, vector<16xi32>,
        %ge3A = arith.constant 25 : i32
        %ge3A_575 = vector.broadcast %ge3A : i32 to vector<16xi32>
        %ge3A_576 = arith.cmpi sge, %get3A_574, %ge3A_575 : vector<16xi32>
        %lt3A = arith.constant 50 : i32
        %lt3A_577 = vector.broadcast %lt3A : i32 to vector<16xi32>
        %lt3A_578 = arith.cmpi slt, %get3A_574, %lt3A_577 : vector<16xi32>
        %and3A = arith.andi %ge3A_576, %lt3A_578 : vector<16xi1>
        %sub3A_579 = arith.constant 25 : i32
        %sub3A_580 = vector.broadcast %sub3A_579 : i32 to vector<16xi32>
        %sub3A_581 = arith.subi %get3A_574, %sub3A_580 : vector<16xi32>
        %max3A = arith.constant 0 : i32
        %max3A_582 = vector.broadcast %max3A : i32 to vector<16xi32>
        %max3A_583 = arith.maxsi %sub3A_581, %max3A_582 : vector<16xi32>
        %min3A = arith.constant 24 : i32
        %min3A_584 = vector.broadcast %min3A : i32 to vector<16xi32>
        %min3A_585 = arith.minsi %max3A_583, %min3A_584 : vector<16xi32>
        %broadcast_in_dim3A_586 = arith.constant 0 : i32
        %broadcast_in_dim3A_587 = vector.broadcast %broadcast_in_dim3A_586 : i32 to vector<16xi32>
        %jit3A = arith.constant 8 : i32
        %div3A = arith.divsi %scan3A_570, %jit3A : i32
        %sign3A = arith.constant 0 : i32
        %sign3A_588 = arith.cmpi sgt, %scan3A_570, %sign3A : i32
        %sign3A_589 = arith.extui %sign3A_588 : i1 to i32
        %sign3A_590 = arith.constant 0 : i32
        %sign3A_591 = arith.cmpi slt, %scan3A_570, %sign3A_590 : i32
        %sign3A_592 = arith.extui %sign3A_591 : i1 to i32
        %sign3A_593 = arith.subi %sign3A_589, %sign3A_592 : i32
        %sign3A_594 = arith.constant 0 : i32
        %sign3A_595 = arith.cmpi sgt, %jit3A, %sign3A_594 : i32
        %sign3A_596 = arith.extui %sign3A_595 : i1 to i32
        %sign3A_597 = arith.constant 0 : i32
        %sign3A_598 = arith.cmpi slt, %jit3A, %sign3A_597 : i32
        %sign3A_599 = arith.extui %sign3A_598 : i1 to i32
        %sign3A_600 = arith.subi %sign3A_596, %sign3A_599 : i32
        %ne3A = arith.cmpi ne, %sign3A_593, %sign3A_600 : i32
        %rem3A = arith.remsi %scan3A_570, %jit3A : i32
        %ne3A_601 = arith.constant 0 : i32
        %ne3A_602 = arith.cmpi ne, %rem3A, %ne3A_601 : i32
        %and3A_603 = arith.andi %ne3A, %ne3A_602 : i1
        %sub3A_604 = arith.constant 1 : i32
        %sub3A_605 = arith.subi %div3A, %sub3A_604 : i32
        %select_n3A = arith.select %and3A_603, %sub3A_605, %div3A : i32
        %add3A_606 = vector.broadcast %select_n3A : i32 to vector<16xi32>
        %add3A_607 = arith.addi %broadcast_in_dim3A_587, %add3A_606 : vector<16xi32>
        %jit3A_608 = arith.constant 8 : i32
        %eq3A = arith.constant 0 : i32
        %eq3A_609 = arith.cmpi eq, %jit3A_608, %eq3A : i32
        %jit3A_610 = arith.constant 1 : i32
        %select_n3A_611 = arith.select %eq3A_609, %jit3A_610, %jit3A_608 : i32
        %rem3A_612 = arith.remsi %scan3A_570, %select_n3A_611 : i32
        %ne3A_613 = arith.constant 0 : i32
        %ne3A_614 = arith.cmpi ne, %rem3A_612, %ne3A_613 : i32
        %lt3A_615 = arith.constant 0 : i32
        %lt3A_616 = arith.cmpi slt, %rem3A_612, %lt3A_615 : i32
        %lt3A_617 = arith.constant 0 : i32
        %lt3A_618 = arith.cmpi slt, %select_n3A_611, %lt3A_617 : i32
        %ne3A_619 = arith.xori %lt3A_616, %lt3A_618 : i1
        %and3A_620 = arith.andi %ne3A_619, %ne3A_614 : i1
        %add3A_621 = arith.addi %rem3A_612, %select_n3A_611 : i32
        %select_n3A_622 = arith.select %and3A_620, %add3A_621, %rem3A_612 : i32
        %mul3A_623 = arith.constant 16 : i32
        %mul3A_624 = arith.muli %select_n3A_622, %mul3A_623 : i32
        %add3A_625 = vector.broadcast %mul3A_624 : i32 to vector<16xi32>
        %add3A_626 = arith.addi %add3A_625, %iota3A : vector<16xi32>
        tpu.vector_store_idx %arg6[%min3A_585, %add3A_607, %add3A_626], %broadcast_in_dim3A_5 masked %and3A : memref<25x8x128xf32, #tpu.memory_space<vmem>>[vector<16xi32>, vector<16xi32>, vector<16xi32>], vector<16xf32>, vector<16xi1>
        %scan3A_627 = arith.constant 0 : i32
        scf.yield %scan3A_627 : i32
      }
      %scan3A_479 = arith.constant 64 : i32
      %scan3A_480 = arith.constant 0 : i32
      %scan3A_481 = arith.constant 0 : i32
      %scan3A_482 = arith.constant 64 : i32
      %scan3A_483 = arith.addi %scan3A_481, %scan3A_482 : i32
      %scan3A_484 = arith.constant 1 : i32
      %scan3A_485 = scf.for %scan3A_570 = %scan3A_481 to %scan3A_483 step %scan3A_484 iter_args(%scan3A_571 = %scan3A_480) -> (i32)  : i32 {
        %mul3A_572 = arith.constant 16 : i32
        %mul3A_573 = arith.muli %scan3A_570, %mul3A_572 : i32
        %get3A = arith.index_cast %mul3A_573 : i32 to index
        %get3A_574 = tpu.vector_load %arg10[%get3A] {strides = array<i32>} : memref<1024xi32, #tpu.memory_space<vmem>>, vector<16xi32>,
        %ge3A = arith.constant 25 : i32
        %ge3A_575 = vector.broadcast %ge3A : i32 to vector<16xi32>
        %ge3A_576 = arith.cmpi sge, %get3A_574, %ge3A_575 : vector<16xi32>
        %lt3A = arith.constant 50 : i32
        %lt3A_577 = vector.broadcast %lt3A : i32 to vector<16xi32>
        %lt3A_578 = arith.cmpi slt, %get3A_574, %lt3A_577 : vector<16xi32>
        %and3A = arith.andi %ge3A_576, %lt3A_578 : vector<16xi1>
        %sub3A_579 = arith.constant 25 : i32
        %sub3A_580 = vector.broadcast %sub3A_579 : i32 to vector<16xi32>
        %sub3A_581 = arith.subi %get3A_574, %sub3A_580 : vector<16xi32>
        %max3A = arith.constant 0 : i32
        %max3A_582 = vector.broadcast %max3A : i32 to vector<16xi32>
        %max3A_583 = arith.maxsi %sub3A_581, %max3A_582 : vector<16xi32>
        %min3A = arith.constant 24 : i32
        %min3A_584 = vector.broadcast %min3A : i32 to vector<16xi32>
        %min3A_585 = arith.minsi %max3A_583, %min3A_584 : vector<16xi32>
        %broadcast_in_dim3A_586 = arith.constant 0 : i32
        %broadcast_in_dim3A_587 = vector.broadcast %broadcast_in_dim3A_586 : i32 to vector<16xi32>
        %jit3A = arith.constant 8 : i32
        %div3A = arith.divsi %scan3A_570, %jit3A : i32
        %sign3A = arith.constant 0 : i32
        %sign3A_588 = arith.cmpi sgt, %scan3A_570, %sign3A : i32
        %sign3A_589 = arith.extui %sign3A_588 : i1 to i32
        %sign3A_590 = arith.constant 0 : i32
        %sign3A_591 = arith.cmpi slt, %scan3A_570, %sign3A_590 : i32
        %sign3A_592 = arith.extui %sign3A_591 : i1 to i32
        %sign3A_593 = arith.subi %sign3A_589, %sign3A_592 : i32
        %sign3A_594 = arith.constant 0 : i32
        %sign3A_595 = arith.cmpi sgt, %jit3A, %sign3A_594 : i32
        %sign3A_596 = arith.extui %sign3A_595 : i1 to i32
        %sign3A_597 = arith.constant 0 : i32
        %sign3A_598 = arith.cmpi slt, %jit3A, %sign3A_597 : i32
        %sign3A_599 = arith.extui %sign3A_598 : i1 to i32
        %sign3A_600 = arith.subi %sign3A_596, %sign3A_599 : i32
        %ne3A = arith.cmpi ne, %sign3A_593, %sign3A_600 : i32
        %rem3A = arith.remsi %scan3A_570, %jit3A : i32
        %ne3A_601 = arith.constant 0 : i32
        %ne3A_602 = arith.cmpi ne, %rem3A, %ne3A_601 : i32
        %and3A_603 = arith.andi %ne3A, %ne3A_602 : i1
        %sub3A_604 = arith.constant 1 : i32
        %sub3A_605 = arith.subi %div3A, %sub3A_604 : i32
        %select_n3A = arith.select %and3A_603, %sub3A_605, %div3A : i32
        %add3A_606 = vector.broadcast %select_n3A : i32 to vector<16xi32>
        %add3A_607 = arith.addi %broadcast_in_dim3A_587, %add3A_606 : vector<16xi32>
        %jit3A_608 = arith.constant 8 : i32
        %eq3A = arith.constant 0 : i32
        %eq3A_609 = arith.cmpi eq, %jit3A_608, %eq3A : i32
        %jit3A_610 = arith.constant 1 : i32
        %select_n3A_611 = arith.select %eq3A_609, %jit3A_610, %jit3A_608 : i32
        %rem3A_612 = arith.remsi %scan3A_570, %select_n3A_611 : i32
        %ne3A_613 = arith.constant 0 : i32
        %ne3A_614 = arith.cmpi ne, %rem3A_612, %ne3A_613 : i32
        %lt3A_615 = arith.constant 0 : i32
        %lt3A_616 = arith.cmpi slt, %rem3A_612, %lt3A_615 : i32
        %lt3A_617 = arith.constant 0 : i32
        %lt3A_618 = arith.cmpi slt, %select_n3A_611, %lt3A_617 : i32
        %ne3A_619 = arith.xori %lt3A_616, %lt3A_618 : i1
        %and3A_620 = arith.andi %ne3A_619, %ne3A_614 : i1
        %add3A_621 = arith.addi %rem3A_612, %select_n3A_611 : i32
        %select_n3A_622 = arith.select %and3A_620, %add3A_621, %rem3A_612 : i32
        %mul3A_623 = arith.constant 16 : i32
        %mul3A_624 = arith.muli %select_n3A_622, %mul3A_623 : i32
        %add3A_625 = vector.broadcast %mul3A_624 : i32 to vector<16xi32>
        %add3A_626 = arith.addi %add3A_625, %iota3A : vector<16xi32>
        tpu.vector_store_idx %arg6[%min3A_585, %add3A_607, %add3A_626], %broadcast_in_dim3A_7 masked %and3A : memref<25x8x128xf32, #tpu.memory_space<vmem>>[vector<16xi32>, vector<16xi32>, vector<16xi32>], vector<16xf32>, vector<16xi1>
        %scan3A_627 = arith.constant 0 : i32
        scf.yield %scan3A_627 : i32
      }
      %scan3A_486 = arith.constant 64 : i32
      %mul3A_487 = arith.constant 8 : i32
      %mul3A_488 = arith.muli %add3A_417, %mul3A_487 : i32
      %add3A_489 = arith.addi %mul3A_4, %mul3A_488 : i32
      %multiple_of3A_490 = tpu.assume_multiple %add3A_489, 8 : i32
      %dma_start3A_491 = arith.constant 25 : i32
      %dma_start3A_492 = arith.constant 0 : i32
      %dma_start3A_493 = tpu.memref_slice %arg3[%dma_start3A_491, %multiple_of3A_490, %dma_start3A_492] : memref<100x4096x128xf32, #tpu.memory_space<hbm>> -> memref<25x8x128xf32, #tpu.memory_space<hbm>>
      %dma_start3A_494 = arith.constant 25 : i32
      %dma_start3A_495 = arith.constant 0 : i32
      %dma_start3A_496 = tpu.memref_slice %arg3[%dma_start3A_494, %multiple_of3A_490, %dma_start3A_495] : memref<100x4096x128xf32, #tpu.memory_space<hbm>> -> memref<25x8x128xf32, #tpu.memory_space<hbm>>
      tpu.enqueue_dma source(%arg6 : memref<25x8x128xf32, #tpu.memory_space<vmem>>) target(%dma_start3A_496 : memref<25x8x128xf32, #tpu.memory_space<hbm>>) target_semaphore(%arg12 : memref<!tpu.dma_semaphore, #tpu.memory_space<semaphore_mem>>)
      %sub3A_497 = arith.constant 1 : i32
      %sub3A_498 = arith.subi %add3A_417, %sub3A_497 : i32
      %mul3A_499 = arith.constant 8 : i32
      %mul3A_500 = arith.muli %sub3A_498, %mul3A_499 : i32
      %add3A_501 = arith.addi %mul3A_4, %mul3A_500 : i32
      %multiple_of3A_502 = tpu.assume_multiple %add3A_501, 8 : i32
      %dma_wait3A_503 = arith.constant 50 : i32
      %dma_wait3A_504 = arith.constant 0 : i32
      %dma_wait3A_505 = tpu.memref_slice %arg3[%dma_wait3A_503, %multiple_of3A_502, %dma_wait3A_504] : memref<100x4096x128xf32, #tpu.memory_space<hbm>> -> memref<25x8x128xf32, #tpu.memory_space<hbm>>
      %dma_wait3A_506 = arith.constant 50 : i32
      %dma_wait3A_507 = arith.constant 0 : i32
      %dma_wait3A_508 = tpu.memref_slice %arg3[%dma_wait3A_506, %multiple_of3A_502, %dma_wait3A_507] : memref<100x4096x128xf32, #tpu.memory_space<hbm>> -> memref<25x8x128xf32, #tpu.memory_space<hbm>>
      tpu.wait_dma2 semaphore(%arg13 : memref<!tpu.dma_semaphore, #tpu.memory_space<semaphore_mem>>) src(%arg7 : memref<25x8x128xf32, #tpu.memory_space<vmem>>) dst(%dma_wait3A_508 : memref<25x8x128xf32, #tpu.memory_space<hbm>>)
      %scan3A_509 = arith.constant 0 : i32
      %scan3A_510 = arith.constant 0 : i32
      %scan3A_511 = arith.constant 64 : i32
      %scan3A_512 = arith.addi %scan3A_510, %scan3A_511 : i32
      %scan3A_513 = arith.constant 1 : i32
      %scan3A_514 = scf.for %scan3A_570 = %scan3A_510 to %scan3A_512 step %scan3A_513 iter_args(%scan3A_571 = %scan3A_509) -> (i32)  : i32 {
        %mul3A_572 = arith.constant 16 : i32
        %mul3A_573 = arith.muli %scan3A_570, %mul3A_572 : i32
        %get3A = arith.index_cast %mul3A_573 : i32 to index
        %get3A_574 = tpu.vector_load %arg9[%get3A] {strides = array<i32>} : memref<1024xi32, #tpu.memory_space<vmem>>, vector<16xi32>,
        %ge3A = arith.constant 50 : i32
        %ge3A_575 = vector.broadcast %ge3A : i32 to vector<16xi32>
        %ge3A_576 = arith.cmpi sge, %get3A_574, %ge3A_575 : vector<16xi32>
        %lt3A = arith.constant 75 : i32
        %lt3A_577 = vector.broadcast %lt3A : i32 to vector<16xi32>
        %lt3A_578 = arith.cmpi slt, %get3A_574, %lt3A_577 : vector<16xi32>
        %and3A = arith.andi %ge3A_576, %lt3A_578 : vector<16xi1>
        %sub3A_579 = arith.constant 50 : i32
        %sub3A_580 = vector.broadcast %sub3A_579 : i32 to vector<16xi32>
        %sub3A_581 = arith.subi %get3A_574, %sub3A_580 : vector<16xi32>
        %max3A = arith.constant 0 : i32
        %max3A_582 = vector.broadcast %max3A : i32 to vector<16xi32>
        %max3A_583 = arith.maxsi %sub3A_581, %max3A_582 : vector<16xi32>
        %min3A = arith.constant 24 : i32
        %min3A_584 = vector.broadcast %min3A : i32 to vector<16xi32>
        %min3A_585 = arith.minsi %max3A_583, %min3A_584 : vector<16xi32>
        %broadcast_in_dim3A_586 = arith.constant 0 : i32
        %broadcast_in_dim3A_587 = vector.broadcast %broadcast_in_dim3A_586 : i32 to vector<16xi32>
        %jit3A = arith.constant 8 : i32
        %div3A = arith.divsi %scan3A_570, %jit3A : i32
        %sign3A = arith.constant 0 : i32
        %sign3A_588 = arith.cmpi sgt, %scan3A_570, %sign3A : i32
        %sign3A_589 = arith.extui %sign3A_588 : i1 to i32
        %sign3A_590 = arith.constant 0 : i32
        %sign3A_591 = arith.cmpi slt, %scan3A_570, %sign3A_590 : i32
        %sign3A_592 = arith.extui %sign3A_591 : i1 to i32
        %sign3A_593 = arith.subi %sign3A_589, %sign3A_592 : i32
        %sign3A_594 = arith.constant 0 : i32
        %sign3A_595 = arith.cmpi sgt, %jit3A, %sign3A_594 : i32
        %sign3A_596 = arith.extui %sign3A_595 : i1 to i32
        %sign3A_597 = arith.constant 0 : i32
        %sign3A_598 = arith.cmpi slt, %jit3A, %sign3A_597 : i32
        %sign3A_599 = arith.extui %sign3A_598 : i1 to i32
        %sign3A_600 = arith.subi %sign3A_596, %sign3A_599 : i32
        %ne3A = arith.cmpi ne, %sign3A_593, %sign3A_600 : i32
        %rem3A = arith.remsi %scan3A_570, %jit3A : i32
        %ne3A_601 = arith.constant 0 : i32
        %ne3A_602 = arith.cmpi ne, %rem3A, %ne3A_601 : i32
        %and3A_603 = arith.andi %ne3A, %ne3A_602 : i1
        %sub3A_604 = arith.constant 1 : i32
        %sub3A_605 = arith.subi %div3A, %sub3A_604 : i32
        %select_n3A = arith.select %and3A_603, %sub3A_605, %div3A : i32
        %add3A_606 = vector.broadcast %select_n3A : i32 to vector<16xi32>
        %add3A_607 = arith.addi %broadcast_in_dim3A_587, %add3A_606 : vector<16xi32>
        %jit3A_608 = arith.constant 8 : i32
        %eq3A = arith.constant 0 : i32
        %eq3A_609 = arith.cmpi eq, %jit3A_608, %eq3A : i32
        %jit3A_610 = arith.constant 1 : i32
        %select_n3A_611 = arith.select %eq3A_609, %jit3A_610, %jit3A_608 : i32
        %rem3A_612 = arith.remsi %scan3A_570, %select_n3A_611 : i32
        %ne3A_613 = arith.constant 0 : i32
        %ne3A_614 = arith.cmpi ne, %rem3A_612, %ne3A_613 : i32
        %lt3A_615 = arith.constant 0 : i32
        %lt3A_616 = arith.cmpi slt, %rem3A_612, %lt3A_615 : i32
        %lt3A_617 = arith.constant 0 : i32
        %lt3A_618 = arith.cmpi slt, %select_n3A_611, %lt3A_617 : i32
        %ne3A_619 = arith.xori %lt3A_616, %lt3A_618 : i1
        %and3A_620 = arith.andi %ne3A_619, %ne3A_614 : i1
        %add3A_621 = arith.addi %rem3A_612, %select_n3A_611 : i32
        %select_n3A_622 = arith.select %and3A_620, %add3A_621, %rem3A_612 : i32
        %mul3A_623 = arith.constant 16 : i32
        %mul3A_624 = arith.muli %select_n3A_622, %mul3A_623 : i32
        %add3A_625 = vector.broadcast %mul3A_624 : i32 to vector<16xi32>
        %add3A_626 = arith.addi %add3A_625, %iota3A : vector<16xi32>
        tpu.vector_store_idx %arg7[%min3A_585, %add3A_607, %add3A_626], %broadcast_in_dim3A_5 masked %and3A : memref<25x8x128xf32, #tpu.memory_space<vmem>>[vector<16xi32>, vector<16xi32>, vector<16xi32>], vector<16xf32>, vector<16xi1>
        %scan3A_627 = arith.constant 0 : i32
        scf.yield %scan3A_627 : i32
      }
      %scan3A_515 = arith.constant 64 : i32
      %scan3A_516 = arith.constant 0 : i32
      %scan3A_517 = arith.constant 0 : i32
      %scan3A_518 = arith.constant 64 : i32
      %scan3A_519 = arith.addi %scan3A_517, %scan3A_518 : i32
      %scan3A_520 = arith.constant 1 : i32
      %scan3A_521 = scf.for %scan3A_570 = %scan3A_517 to %scan3A_519 step %scan3A_520 iter_args(%scan3A_571 = %scan3A_516) -> (i32)  : i32 {
        %mul3A_572 = arith.constant 16 : i32
        %mul3A_573 = arith.muli %scan3A_570, %mul3A_572 : i32
        %get3A = arith.index_cast %mul3A_573 : i32 to index
        %get3A_574 = tpu.vector_load %arg10[%get3A] {strides = array<i32>} : memref<1024xi32, #tpu.memory_space<vmem>>, vector<16xi32>,
        %ge3A = arith.constant 50 : i32
        %ge3A_575 = vector.broadcast %ge3A : i32 to vector<16xi32>
        %ge3A_576 = arith.cmpi sge, %get3A_574, %ge3A_575 : vector<16xi32>
        %lt3A = arith.constant 75 : i32
        %lt3A_577 = vector.broadcast %lt3A : i32 to vector<16xi32>
        %lt3A_578 = arith.cmpi slt, %get3A_574, %lt3A_577 : vector<16xi32>
        %and3A = arith.andi %ge3A_576, %lt3A_578 : vector<16xi1>
        %sub3A_579 = arith.constant 50 : i32
        %sub3A_580 = vector.broadcast %sub3A_579 : i32 to vector<16xi32>
        %sub3A_581 = arith.subi %get3A_574, %sub3A_580 : vector<16xi32>
        %max3A = arith.constant 0 : i32
        %max3A_582 = vector.broadcast %max3A : i32 to vector<16xi32>
        %max3A_583 = arith.maxsi %sub3A_581, %max3A_582 : vector<16xi32>
        %min3A = arith.constant 24 : i32
        %min3A_584 = vector.broadcast %min3A : i32 to vector<16xi32>
        %min3A_585 = arith.minsi %max3A_583, %min3A_584 : vector<16xi32>
        %broadcast_in_dim3A_586 = arith.constant 0 : i32
        %broadcast_in_dim3A_587 = vector.broadcast %broadcast_in_dim3A_586 : i32 to vector<16xi32>
        %jit3A = arith.constant 8 : i32
        %div3A = arith.divsi %scan3A_570, %jit3A : i32
        %sign3A = arith.constant 0 : i32
        %sign3A_588 = arith.cmpi sgt, %scan3A_570, %sign3A : i32
        %sign3A_589 = arith.extui %sign3A_588 : i1 to i32
        %sign3A_590 = arith.constant 0 : i32
        %sign3A_591 = arith.cmpi slt, %scan3A_570, %sign3A_590 : i32
        %sign3A_592 = arith.extui %sign3A_591 : i1 to i32
        %sign3A_593 = arith.subi %sign3A_589, %sign3A_592 : i32
        %sign3A_594 = arith.constant 0 : i32
        %sign3A_595 = arith.cmpi sgt, %jit3A, %sign3A_594 : i32
        %sign3A_596 = arith.extui %sign3A_595 : i1 to i32
        %sign3A_597 = arith.constant 0 : i32
        %sign3A_598 = arith.cmpi slt, %jit3A, %sign3A_597 : i32
        %sign3A_599 = arith.extui %sign3A_598 : i1 to i32
        %sign3A_600 = arith.subi %sign3A_596, %sign3A_599 : i32
        %ne3A = arith.cmpi ne, %sign3A_593, %sign3A_600 : i32
        %rem3A = arith.remsi %scan3A_570, %jit3A : i32
        %ne3A_601 = arith.constant 0 : i32
        %ne3A_602 = arith.cmpi ne, %rem3A, %ne3A_601 : i32
        %and3A_603 = arith.andi %ne3A, %ne3A_602 : i1
        %sub3A_604 = arith.constant 1 : i32
        %sub3A_605 = arith.subi %div3A, %sub3A_604 : i32
        %select_n3A = arith.select %and3A_603, %sub3A_605, %div3A : i32
        %add3A_606 = vector.broadcast %select_n3A : i32 to vector<16xi32>
        %add3A_607 = arith.addi %broadcast_in_dim3A_587, %add3A_606 : vector<16xi32>
        %jit3A_608 = arith.constant 8 : i32
        %eq3A = arith.constant 0 : i32
        %eq3A_609 = arith.cmpi eq, %jit3A_608, %eq3A : i32
        %jit3A_610 = arith.constant 1 : i32
        %select_n3A_611 = arith.select %eq3A_609, %jit3A_610, %jit3A_608 : i32
        %rem3A_612 = arith.remsi %scan3A_570, %select_n3A_611 : i32
        %ne3A_613 = arith.constant 0 : i32
        %ne3A_614 = arith.cmpi ne, %rem3A_612, %ne3A_613 : i32
        %lt3A_615 = arith.constant 0 : i32
        %lt3A_616 = arith.cmpi slt, %rem3A_612, %lt3A_615 : i32
        %lt3A_617 = arith.constant 0 : i32
        %lt3A_618 = arith.cmpi slt, %select_n3A_611, %lt3A_617 : i32
        %ne3A_619 = arith.xori %lt3A_616, %lt3A_618 : i1
        %and3A_620 = arith.andi %ne3A_619, %ne3A_614 : i1
        %add3A_621 = arith.addi %rem3A_612, %select_n3A_611 : i32
        %select_n3A_622 = arith.select %and3A_620, %add3A_621, %rem3A_612 : i32
        %mul3A_623 = arith.constant 16 : i32
        %mul3A_624 = arith.muli %select_n3A_622, %mul3A_623 : i32
        %add3A_625 = vector.broadcast %mul3A_624 : i32 to vector<16xi32>
        %add3A_626 = arith.addi %add3A_625, %iota3A : vector<16xi32>
        tpu.vector_store_idx %arg7[%min3A_585, %add3A_607, %add3A_626], %broadcast_in_dim3A_7 masked %and3A : memref<25x8x128xf32, #tpu.memory_space<vmem>>[vector<16xi32>, vector<16xi32>, vector<16xi32>], vector<16xf32>, vector<16xi1>
        %scan3A_627 = arith.constant 0 : i32
        scf.yield %scan3A_627 : i32
      }
      %scan3A_522 = arith.constant 64 : i32
      %mul3A_523 = arith.constant 8 : i32
      %mul3A_524 = arith.muli %add3A_417, %mul3A_523 : i32
      %add3A_525 = arith.addi %mul3A_4, %mul3A_524 : i32
      %multiple_of3A_526 = tpu.assume_multiple %add3A_525, 8 : i32
      %dma_start3A_527 = arith.constant 50 : i32
      %dma_start3A_528 = arith.constant 0 : i32
      %dma_start3A_529 = tpu.memref_slice %arg3[%dma_start3A_527, %multiple_of3A_526, %dma_start3A_528] : memref<100x4096x128xf32, #tpu.memory_space<hbm>> -> memref<25x8x128xf32, #tpu.memory_space<hbm>>
      %dma_start3A_530 = arith.constant 50 : i32
      %dma_start3A_531 = arith.constant 0 : i32
      %dma_start3A_532 = tpu.memref_slice %arg3[%dma_start3A_530, %multiple_of3A_526, %dma_start3A_531] : memref<100x4096x128xf32, #tpu.memory_space<hbm>> -> memref<25x8x128xf32, #tpu.memory_space<hbm>>
      tpu.enqueue_dma source(%arg7 : memref<25x8x128xf32, #tpu.memory_space<vmem>>) target(%dma_start3A_532 : memref<25x8x128xf32, #tpu.memory_space<hbm>>) target_semaphore(%arg13 : memref<!tpu.dma_semaphore, #tpu.memory_space<semaphore_mem>>)
      %sub3A_533 = arith.constant 1 : i32
      %sub3A_534 = arith.subi %add3A_417, %sub3A_533 : i32
      %mul3A_535 = arith.constant 8 : i32
      %mul3A_536 = arith.muli %sub3A_534, %mul3A_535 : i32
      %add3A_537 = arith.addi %mul3A_4, %mul3A_536 : i32
      %multiple_of3A_538 = tpu.assume_multiple %add3A_537, 8 : i32
      %dma_wait3A_539 = arith.constant 75 : i32
      %dma_wait3A_540 = arith.constant 0 : i32
      %dma_wait3A_541 = tpu.memref_slice %arg3[%dma_wait3A_539, %multiple_of3A_538, %dma_wait3A_540] : memref<100x4096x128xf32, #tpu.memory_space<hbm>> -> memref<25x8x128xf32, #tpu.memory_space<hbm>>
      %dma_wait3A_542 = arith.constant 75 : i32
      %dma_wait3A_543 = arith.constant 0 : i32
      %dma_wait3A_544 = tpu.memref_slice %arg3[%dma_wait3A_542, %multiple_of3A_538, %dma_wait3A_543] : memref<100x4096x128xf32, #tpu.memory_space<hbm>> -> memref<25x8x128xf32, #tpu.memory_space<hbm>>
      tpu.wait_dma2 semaphore(%arg14 : memref<!tpu.dma_semaphore, #tpu.memory_space<semaphore_mem>>) src(%arg8 : memref<25x8x128xf32, #tpu.memory_space<vmem>>) dst(%dma_wait3A_544 : memref<25x8x128xf32, #tpu.memory_space<hbm>>)
      %scan3A_545 = arith.constant 0 : i32
      %scan3A_546 = arith.constant 0 : i32
      %scan3A_547 = arith.constant 64 : i32
      %scan3A_548 = arith.addi %scan3A_546, %scan3A_547 : i32
      %scan3A_549 = arith.constant 1 : i32
      %scan3A_550 = scf.for %scan3A_570 = %scan3A_546 to %scan3A_548 step %scan3A_549 iter_args(%scan3A_571 = %scan3A_545) -> (i32)  : i32 {
        %mul3A_572 = arith.constant 16 : i32
        %mul3A_573 = arith.muli %scan3A_570, %mul3A_572 : i32
        %get3A = arith.index_cast %mul3A_573 : i32 to index
        %get3A_574 = tpu.vector_load %arg9[%get3A] {strides = array<i32>} : memref<1024xi32, #tpu.memory_space<vmem>>, vector<16xi32>,
        %ge3A = arith.constant 75 : i32
        %ge3A_575 = vector.broadcast %ge3A : i32 to vector<16xi32>
        %ge3A_576 = arith.cmpi sge, %get3A_574, %ge3A_575 : vector<16xi32>
        %lt3A = arith.constant 100 : i32
        %lt3A_577 = vector.broadcast %lt3A : i32 to vector<16xi32>
        %lt3A_578 = arith.cmpi slt, %get3A_574, %lt3A_577 : vector<16xi32>
        %and3A = arith.andi %ge3A_576, %lt3A_578 : vector<16xi1>
        %sub3A_579 = arith.constant 75 : i32
        %sub3A_580 = vector.broadcast %sub3A_579 : i32 to vector<16xi32>
        %sub3A_581 = arith.subi %get3A_574, %sub3A_580 : vector<16xi32>
        %max3A = arith.constant 0 : i32
        %max3A_582 = vector.broadcast %max3A : i32 to vector<16xi32>
        %max3A_583 = arith.maxsi %sub3A_581, %max3A_582 : vector<16xi32>
        %min3A = arith.constant 24 : i32
        %min3A_584 = vector.broadcast %min3A : i32 to vector<16xi32>
        %min3A_585 = arith.minsi %max3A_583, %min3A_584 : vector<16xi32>
        %broadcast_in_dim3A_586 = arith.constant 0 : i32
        %broadcast_in_dim3A_587 = vector.broadcast %broadcast_in_dim3A_586 : i32 to vector<16xi32>
        %jit3A = arith.constant 8 : i32
        %div3A = arith.divsi %scan3A_570, %jit3A : i32
        %sign3A = arith.constant 0 : i32
        %sign3A_588 = arith.cmpi sgt, %scan3A_570, %sign3A : i32
        %sign3A_589 = arith.extui %sign3A_588 : i1 to i32
        %sign3A_590 = arith.constant 0 : i32
        %sign3A_591 = arith.cmpi slt, %scan3A_570, %sign3A_590 : i32
        %sign3A_592 = arith.extui %sign3A_591 : i1 to i32
        %sign3A_593 = arith.subi %sign3A_589, %sign3A_592 : i32
        %sign3A_594 = arith.constant 0 : i32
        %sign3A_595 = arith.cmpi sgt, %jit3A, %sign3A_594 : i32
        %sign3A_596 = arith.extui %sign3A_595 : i1 to i32
        %sign3A_597 = arith.constant 0 : i32
        %sign3A_598 = arith.cmpi slt, %jit3A, %sign3A_597 : i32
        %sign3A_599 = arith.extui %sign3A_598 : i1 to i32
        %sign3A_600 = arith.subi %sign3A_596, %sign3A_599 : i32
        %ne3A = arith.cmpi ne, %sign3A_593, %sign3A_600 : i32
        %rem3A = arith.remsi %scan3A_570, %jit3A : i32
        %ne3A_601 = arith.constant 0 : i32
        %ne3A_602 = arith.cmpi ne, %rem3A, %ne3A_601 : i32
        %and3A_603 = arith.andi %ne3A, %ne3A_602 : i1
        %sub3A_604 = arith.constant 1 : i32
        %sub3A_605 = arith.subi %div3A, %sub3A_604 : i32
        %select_n3A = arith.select %and3A_603, %sub3A_605, %div3A : i32
        %add3A_606 = vector.broadcast %select_n3A : i32 to vector<16xi32>
        %add3A_607 = arith.addi %broadcast_in_dim3A_587, %add3A_606 : vector<16xi32>
        %jit3A_608 = arith.constant 8 : i32
        %eq3A = arith.constant 0 : i32
        %eq3A_609 = arith.cmpi eq, %jit3A_608, %eq3A : i32
        %jit3A_610 = arith.constant 1 : i32
        %select_n3A_611 = arith.select %eq3A_609, %jit3A_610, %jit3A_608 : i32
        %rem3A_612 = arith.remsi %scan3A_570, %select_n3A_611 : i32
        %ne3A_613 = arith.constant 0 : i32
        %ne3A_614 = arith.cmpi ne, %rem3A_612, %ne3A_613 : i32
        %lt3A_615 = arith.constant 0 : i32
        %lt3A_616 = arith.cmpi slt, %rem3A_612, %lt3A_615 : i32
        %lt3A_617 = arith.constant 0 : i32
        %lt3A_618 = arith.cmpi slt, %select_n3A_611, %lt3A_617 : i32
        %ne3A_619 = arith.xori %lt3A_616, %lt3A_618 : i1
        %and3A_620 = arith.andi %ne3A_619, %ne3A_614 : i1
        %add3A_621 = arith.addi %rem3A_612, %select_n3A_611 : i32
        %select_n3A_622 = arith.select %and3A_620, %add3A_621, %rem3A_612 : i32
        %mul3A_623 = arith.constant 16 : i32
        %mul3A_624 = arith.muli %select_n3A_622, %mul3A_623 : i32
        %add3A_625 = vector.broadcast %mul3A_624 : i32 to vector<16xi32>
        %add3A_626 = arith.addi %add3A_625, %iota3A : vector<16xi32>
        tpu.vector_store_idx %arg8[%min3A_585, %add3A_607, %add3A_626], %broadcast_in_dim3A_5 masked %and3A : memref<25x8x128xf32, #tpu.memory_space<vmem>>[vector<16xi32>, vector<16xi32>, vector<16xi32>], vector<16xf32>, vector<16xi1>
        %scan3A_627 = arith.constant 0 : i32
        scf.yield %scan3A_627 : i32
      }
      %scan3A_551 = arith.constant 64 : i32
      %scan3A_552 = arith.constant 0 : i32
      %scan3A_553 = arith.constant 0 : i32
      %scan3A_554 = arith.constant 64 : i32
      %scan3A_555 = arith.addi %scan3A_553, %scan3A_554 : i32
      %scan3A_556 = arith.constant 1 : i32
      %scan3A_557 = scf.for %scan3A_570 = %scan3A_553 to %scan3A_555 step %scan3A_556 iter_args(%scan3A_571 = %scan3A_552) -> (i32)  : i32 {
        %mul3A_572 = arith.constant 16 : i32
        %mul3A_573 = arith.muli %scan3A_570, %mul3A_572 : i32
        %get3A = arith.index_cast %mul3A_573 : i32 to index
        %get3A_574 = tpu.vector_load %arg10[%get3A] {strides = array<i32>} : memref<1024xi32, #tpu.memory_space<vmem>>, vector<16xi32>,
        %ge3A = arith.constant 75 : i32
        %ge3A_575 = vector.broadcast %ge3A : i32 to vector<16xi32>
        %ge3A_576 = arith.cmpi sge, %get3A_574, %ge3A_575 : vector<16xi32>
        %lt3A = arith.constant 100 : i32
        %lt3A_577 = vector.broadcast %lt3A : i32 to vector<16xi32>
        %lt3A_578 = arith.cmpi slt, %get3A_574, %lt3A_577 : vector<16xi32>
        %and3A = arith.andi %ge3A_576, %lt3A_578 : vector<16xi1>
        %sub3A_579 = arith.constant 75 : i32
        %sub3A_580 = vector.broadcast %sub3A_579 : i32 to vector<16xi32>
        %sub3A_581 = arith.subi %get3A_574, %sub3A_580 : vector<16xi32>
        %max3A = arith.constant 0 : i32
        %max3A_582 = vector.broadcast %max3A : i32 to vector<16xi32>
        %max3A_583 = arith.maxsi %sub3A_581, %max3A_582 : vector<16xi32>
        %min3A = arith.constant 24 : i32
        %min3A_584 = vector.broadcast %min3A : i32 to vector<16xi32>
        %min3A_585 = arith.minsi %max3A_583, %min3A_584 : vector<16xi32>
        %broadcast_in_dim3A_586 = arith.constant 0 : i32
        %broadcast_in_dim3A_587 = vector.broadcast %broadcast_in_dim3A_586 : i32 to vector<16xi32>
        %jit3A = arith.constant 8 : i32
        %div3A = arith.divsi %scan3A_570, %jit3A : i32
        %sign3A = arith.constant 0 : i32
        %sign3A_588 = arith.cmpi sgt, %scan3A_570, %sign3A : i32
        %sign3A_589 = arith.extui %sign3A_588 : i1 to i32
        %sign3A_590 = arith.constant 0 : i32
        %sign3A_591 = arith.cmpi slt, %scan3A_570, %sign3A_590 : i32
        %sign3A_592 = arith.extui %sign3A_591 : i1 to i32
        %sign3A_593 = arith.subi %sign3A_589, %sign3A_592 : i32
        %sign3A_594 = arith.constant 0 : i32
        %sign3A_595 = arith.cmpi sgt, %jit3A, %sign3A_594 : i32
        %sign3A_596 = arith.extui %sign3A_595 : i1 to i32
        %sign3A_597 = arith.constant 0 : i32
        %sign3A_598 = arith.cmpi slt, %jit3A, %sign3A_597 : i32
        %sign3A_599 = arith.extui %sign3A_598 : i1 to i32
        %sign3A_600 = arith.subi %sign3A_596, %sign3A_599 : i32
        %ne3A = arith.cmpi ne, %sign3A_593, %sign3A_600 : i32
        %rem3A = arith.remsi %scan3A_570, %jit3A : i32
        %ne3A_601 = arith.constant 0 : i32
        %ne3A_602 = arith.cmpi ne, %rem3A, %ne3A_601 : i32
        %and3A_603 = arith.andi %ne3A, %ne3A_602 : i1
        %sub3A_604 = arith.constant 1 : i32
        %sub3A_605 = arith.subi %div3A, %sub3A_604 : i32
        %select_n3A = arith.select %and3A_603, %sub3A_605, %div3A : i32
        %add3A_606 = vector.broadcast %select_n3A : i32 to vector<16xi32>
        %add3A_607 = arith.addi %broadcast_in_dim3A_587, %add3A_606 : vector<16xi32>
        %jit3A_608 = arith.constant 8 : i32
        %eq3A = arith.constant 0 : i32
        %eq3A_609 = arith.cmpi eq, %jit3A_608, %eq3A : i32
        %jit3A_610 = arith.constant 1 : i32
        %select_n3A_611 = arith.select %eq3A_609, %jit3A_610, %jit3A_608 : i32
        %rem3A_612 = arith.remsi %scan3A_570, %select_n3A_611 : i32
        %ne3A_613 = arith.constant 0 : i32
        %ne3A_614 = arith.cmpi ne, %rem3A_612, %ne3A_613 : i32
        %lt3A_615 = arith.constant 0 : i32
        %lt3A_616 = arith.cmpi slt, %rem3A_612, %lt3A_615 : i32
        %lt3A_617 = arith.constant 0 : i32
        %lt3A_618 = arith.cmpi slt, %select_n3A_611, %lt3A_617 : i32
        %ne3A_619 = arith.xori %lt3A_616, %lt3A_618 : i1
        %and3A_620 = arith.andi %ne3A_619, %ne3A_614 : i1
        %add3A_621 = arith.addi %rem3A_612, %select_n3A_611 : i32
        %select_n3A_622 = arith.select %and3A_620, %add3A_621, %rem3A_612 : i32
        %mul3A_623 = arith.constant 16 : i32
        %mul3A_624 = arith.muli %select_n3A_622, %mul3A_623 : i32
        %add3A_625 = vector.broadcast %mul3A_624 : i32 to vector<16xi32>
        %add3A_626 = arith.addi %add3A_625, %iota3A : vector<16xi32>
        tpu.vector_store_idx %arg8[%min3A_585, %add3A_607, %add3A_626], %broadcast_in_dim3A_7 masked %and3A : memref<25x8x128xf32, #tpu.memory_space<vmem>>[vector<16xi32>, vector<16xi32>, vector<16xi32>], vector<16xf32>, vector<16xi1>
        %scan3A_627 = arith.constant 0 : i32
        scf.yield %scan3A_627 : i32
      }
      %scan3A_558 = arith.constant 64 : i32
      %mul3A_559 = arith.constant 8 : i32
      %mul3A_560 = arith.muli %add3A_417, %mul3A_559 : i32
      %add3A_561 = arith.addi %mul3A_4, %mul3A_560 : i32
      %multiple_of3A_562 = tpu.assume_multiple %add3A_561, 8 : i32
      %dma_start3A_563 = arith.constant 75 : i32
      %dma_start3A_564 = arith.constant 0 : i32
      %dma_start3A_565 = tpu.memref_slice %arg3[%dma_start3A_563, %multiple_of3A_562, %dma_start3A_564] : memref<100x4096x128xf32, #tpu.memory_space<hbm>> -> memref<25x8x128xf32, #tpu.memory_space<hbm>>
      %dma_start3A_566 = arith.constant 75 : i32
      %dma_start3A_567 = arith.constant 0 : i32
      %dma_start3A_568 = tpu.memref_slice %arg3[%dma_start3A_566, %multiple_of3A_562, %dma_start3A_567] : memref<100x4096x128xf32, #tpu.memory_space<hbm>> -> memref<25x8x128xf32, #tpu.memory_space<hbm>>
      tpu.enqueue_dma source(%arg8 : memref<25x8x128xf32, #tpu.memory_space<vmem>>) target(%dma_start3A_568 : memref<25x8x128xf32, #tpu.memory_space<hbm>>) target_semaphore(%arg14 : memref<!tpu.dma_semaphore, #tpu.memory_space<semaphore_mem>>)
      %scan3A_569 = arith.constant 0 : i32
      scf.yield %scan3A_569 : i32
    }
    %scan3A_223 = arith.constant 7 : i32
    %add3A_224 = arith.constant 120 : i32
    %add3A_225 = arith.addi %mul3A_4, %add3A_224 : i32
    %multiple_of3A_226 = tpu.assume_multiple %add3A_225, 8 : i32
    %dma_wait3A_227 = arith.constant 0 : i32
    %dma_wait3A_228 = arith.constant 0 : i32
    %dma_wait3A_229 = tpu.memref_slice %arg3[%dma_wait3A_227, %multiple_of3A_226, %dma_wait3A_228] : memref<100x4096x128xf32, #tpu.memory_space<hbm>> -> memref<25x8x128xf32, #tpu.memory_space<hbm>>
    %dma_wait3A_230 = arith.constant 0 : i32
    %dma_wait3A_231 = arith.constant 0 : i32
    %dma_wait3A_232 = tpu.memref_slice %arg3[%dma_wait3A_230, %multiple_of3A_226, %dma_wait3A_231] : memref<100x4096x128xf32, #tpu.memory_space<hbm>> -> memref<25x8x128xf32, #tpu.memory_space<hbm>>
    tpu.wait_dma2 semaphore(%arg11 : memref<!tpu.dma_semaphore, #tpu.memory_space<semaphore_mem>>) src(%arg5 : memref<25x8x128xf32, #tpu.memory_space<vmem>>) dst(%dma_wait3A_232 : memref<25x8x128xf32, #tpu.memory_space<hbm>>)
    %add3A_233 = arith.constant 120 : i32
    %add3A_234 = arith.addi %mul3A_4, %add3A_233 : i32
    %multiple_of3A_235 = tpu.assume_multiple %add3A_234, 8 : i32
    %dma_wait3A_236 = arith.constant 25 : i32
    %dma_wait3A_237 = arith.constant 0 : i32
    %dma_wait3A_238 = tpu.memref_slice %arg3[%dma_wait3A_236, %multiple_of3A_235, %dma_wait3A_237] : memref<100x4096x128xf32, #tpu.memory_space<hbm>> -> memref<25x8x128xf32, #tpu.memory_space<hbm>>
    %dma_wait3A_239 = arith.constant 25 : i32
    %dma_wait3A_240 = arith.constant 0 : i32
    %dma_wait3A_241 = tpu.memref_slice %arg3[%dma_wait3A_239, %multiple_of3A_235, %dma_wait3A_240] : memref<100x4096x128xf32, #tpu.memory_space<hbm>> -> memref<25x8x128xf32, #tpu.memory_space<hbm>>
    tpu.wait_dma2 semaphore(%arg12 : memref<!tpu.dma_semaphore, #tpu.memory_space<semaphore_mem>>) src(%arg6 : memref<25x8x128xf32, #tpu.memory_space<vmem>>) dst(%dma_wait3A_241 : memref<25x8x128xf32, #tpu.memory_space<hbm>>)
    %add3A_242 = arith.constant 120 : i32
    %add3A_243 = arith.addi %mul3A_4, %add3A_242 : i32
    %multiple_of3A_244 = tpu.assume_multiple %add3A_243, 8 : i32
    %dma_wait3A_245 = arith.constant 50 : i32
    %dma_wait3A_246 = arith.constant 0 : i32
    %dma_wait3A_247 = tpu.memref_slice %arg3[%dma_wait3A_245, %multiple_of3A_244, %dma_wait3A_246] : memref<100x4096x128xf32, #tpu.memory_space<hbm>> -> memref<25x8x128xf32, #tpu.memory_space<hbm>>
    %dma_wait3A_248 = arith.constant 50 : i32
    %dma_wait3A_249 = arith.constant 0 : i32
    %dma_wait3A_250 = tpu.memref_slice %arg3[%dma_wait3A_248, %multiple_of3A_244, %dma_wait3A_249] : memref<100x4096x128xf32, #tpu.memory_space<hbm>> -> memref<25x8x128xf32, #tpu.memory_space<hbm>>
    tpu.wait_dma2 semaphore(%arg13 : memref<!tpu.dma_semaphore, #tpu.memory_space<semaphore_mem>>) src(%arg7 : memref<25x8x128xf32, #tpu.memory_space<vmem>>) dst(%dma_wait3A_250 : memref<25x8x128xf32, #tpu.memory_space<hbm>>)
    %add3A_251 = arith.constant 120 : i32
    %add3A_252 = arith.addi %mul3A_4, %add3A_251 : i32
    %multiple_of3A_253 = tpu.assume_multiple %add3A_252, 8 : i32
    %dma_wait3A_254 = arith.constant 75 : i32
    %dma_wait3A_255 = arith.constant 0 : i32
    %dma_wait3A_256 = tpu.memref_slice %arg3[%dma_wait3A_254, %multiple_of3A_253, %dma_wait3A_255] : memref<100x4096x128xf32, #tpu.memory_space<hbm>> -> memref<25x8x128xf32, #tpu.memory_space<hbm>>
    %dma_wait3A_257 = arith.constant 75 : i32
    %dma_wait3A_258 = arith.constant 0 : i32
    %dma_wait3A_259 = tpu.memref_slice %arg3[%dma_wait3A_257, %multiple_of3A_253, %dma_wait3A_258] : memref<100x4096x128xf32, #tpu.memory_space<hbm>> -> memref<25x8x128xf32, #tpu.memory_space<hbm>>
    tpu.wait_dma2 semaphore(%arg14 : memref<!tpu.dma_semaphore, #tpu.memory_space<semaphore_mem>>) src(%arg8 : memref<25x8x128xf32, #tpu.memory_space<vmem>>) dst(%dma_wait3A_259 : memref<25x8x128xf32, #tpu.memory_space<hbm>>)
    return
  }
}

</mosaic_0001>

<sc_bundles>
// kernel: kernel.3.cloned.1.call-start
scs
__scs_entry_jumppad:
0x0: {  	(pc) =	sbr.rel $0x88, $3  }
0x1: {  	(tag) =	ssettag $0x0;
	lr =	simm.s32 $0x1  }
0x2: {  	[smem:$0x3FA0] =	sst lr;
	_ =	strace $0xD0000000  }
0x3: {  	_ = 	snop  }
0x4: {  	_ = 	snop  }
0x5: {  	_ = 	snop  }
0x6: {  	_ = 	snop  }
0x7: {  	_ = 	snop  }
__scs_overlays_trampoline_lowered:
0x8: {  	[smem:$0x3FAF] =	sst s0  }
0x9: {  	[smem:$0x3FB0] =	sst s1  }
0xa: {  	[smem:$0x3FB1] =	sst s2  }
0xb: {  	[smem:$0x3FB2] =	sst s3  }
0xc: {  	[smem:$0x3FB3] =	sst s4  }
0xd: {  	[smem:$0x3FB4] =	sst s5  }
0xe: {  	[smem:$0x3FB5] =	sst s6  }
0xf: {  	[smem:$0x3FB6] =	sst s7  }
0x10: {  	[smem:$0x3FB7] =	sst s8  }
0x11: {  	[smem:$0x3FB8] =	sst s9;
	s0 =	simm.s32 @!p0 $0x0  }
0x12: {  	s1 =	sld [smem:$0x3F9E];
	s0 =	simm.s32 @p0 $0x1  }
0x13: {  	[smem:$0x3FB9] =	sst s0;
	s0 =	simm.s32 @!p1 $0x0  }
0x14: {  	s2 =	sld [smem:$0x3F9D];
	s0 =	simm.s32 @p1 $0x1  }
0x15: {  	[smem:$0x3FBA] =	sst s0;
	s0 =	simm.s32 @!p2 $0x0  }
0x16: {  	s3 =	sld [smem:$0x3FDB];
	s0 =	simm.s32 @p2 $0x1  }
0x17: {  	s4 =	simm.s32 $0x1BF5;
	[smem:$0x3FBC] =	sst s0  }
0x18: {  	s0 =	sld [smem:$0x3F9F];
	_ =	swait.ge [sflag:s4], $0x0  }
0x19: {  	s7 =	sld [smem:$0x3FA0]  }
0x1a: {  	s8 =	sadd.s32 $0xFFFFE003, lr  }
0x1b: {  	s9 =	sadd.s32 $0xFFFFFEF7, lr;
	s5 =	simm.s32 $0xFFFFFFFF;
	p2 =	slt.u32 s8, $0xFFFFF086  }
0x1c: {  	p1 =	slt.u32 s9, $0xF7A;
	s5 =	simm.s32 @!p2 $0x0  }
0x1d: {  	s5 =	simm.s32 @p1 $0x1;
	p0 =	seq.s32 s7, s2  }
0x1e: {  	s7 =	smul.u32 @!p0 $0xF7A, s2;
	p2 =	seq.s32 @!p0 s5, $0x0  }
0x1f: {  	s9 =	smul.u32 $0xF7A, s1;
	s8 =	simm.s32 @!p0 $0x1BF5;
	p2 =	por !p2, p0  }
0x20: {  	[sflag:s8] =	ssyncset.s32 @!p0 $0xFFFFF086;
	s6 =	sadd.s32 @!p0 s3, s7;
	s7 =	simm.s32 @!p0 $0x108  }
0x21: {  	s3 =	sadd.s32 s3, s9;
	s6 =	sadd.s32 @!p0 $0x88, s6;
	s7 =	simm.s32 @p2 $0x1082  }
0x22: {  	[simem:s7], [sflag:s8] =	dma.local @!p0 [hbm:s6], $0xF7A  }
0x23: {  	s9 =	sor.u32 $0xD0000000, s2;
	s6 =	simm.s32 $0x108;
	_ =	swait.ge @!p0 [sflag:s8], $0x0  }
0x24: {  	s3 =	sadd.s32 $0x88, s3;
	s6 =	simm.s32 @!p1 $0x1082;
	[sflag:s4] =	ssyncset.s32 $0xFFFFF086  }
0x25: {  	[simem:s6], [sflag:s4] =	dma.local [hbm:s3], $0xF7A  }
0x26: {  	[smem:$0x3FA0] =	sst s1;
	(tag) =	ssettag s2;
	_ =	strace s9  }
0x27: {  	s1 =	sld [smem:$0x3FB0]  }
0x28: {  	s2 =	sld [smem:$0x3FB1]  }
0x29: {  	s4 =	sld [smem:$0x3FB3]  }
0x2a: {  	p0 =	seq.s32 s5, $0x0;
	s5 =	sld [smem:$0x3FB4]  }
0x2b: {  	s6 =	sld [smem:$0x3FB5]  }
0x2c: {  	s7 =	sld [smem:$0x3FB6]  }
0x2d: {  	s3 =	simm.s32 $0x108;
	s8 =	sld [smem:$0x3FB7]  }
0x2e: {  	s3 =	simm.s32 @!p0 $0x1082;
	s9 =	sld [smem:$0x3FB8]  }
0x2f: {  	lr =	sadd.s32 s0, s3;
	s0 =	sld [smem:$0x3FAF]  }
0x30: {  	s3 =	sld [smem:$0x3FB2]  }
0x31: {  	[smem:$0x3FBB] =	sst s10  }
0x32: {  	s10 =	sld [smem:$0x3FB9];
	_ =	sdelay $0x3  }
0x33: {  	p0 =	seq.s32 s10, $0x1;
	s10 =	sld [smem:$0x3FBB];
	_ =	sdelay $0x3  }
0x34: {  	[smem:$0x3FBB] =	sst s10  }
0x35: {  	s10 =	sld [smem:$0x3FBA];
	_ =	sdelay $0x3  }
0x36: {  	p1 =	seq.s32 s10, $0x1;
	s10 =	sld [smem:$0x3FBB];
	_ =	sdelay $0x3  }
0x37: {  	[smem:$0x3FBB] =	sst s10  }
0x38: {  	s10 =	sld [smem:$0x3FBC]  }
0x39: {  	_ = 	snop;
	(pc) =	sbr.ind lr, $3  }
0x3a: {  	_ = 	snop  }
0x3b: {  	_ = 	snop  }
0x3c: {  	p2 =	seq.s32 s10, $0x1;
	s10 =	sld [smem:$0x3FBB]  }
0x3d: {  	_ =	shalt  }
0x3e: {  	_ =	shalt  }
0x3f: {  	_ =	shalt  }
0x40: {  	_ =	shalt  }
0x41: {  	_ =	shalt  }
0x42: {  	_ =	shalt  }
0x43: {  	_ =	shalt  }
0x44: {  	_ =	shalt  }
0x45: {  	_ =	shalt  }
0x46: {  	_ =	shalt  }
0x47: {  	_ =	shalt  }
0x48: {  	_ =	shalt  }
0x49: {  	_ =	shalt  }
0x4a: {  	_ =	shalt  }
0x4b: {  	_ =	shalt  }
0x4c: {  	_ =	shalt  }
0x4d: {  	_ =	shalt  }
0x4e: {  	_ =	shalt  }
0x4f: {  	_ =	shalt  }
0x50: {  	_ =	shalt  }
0x51: {  	_ =	shalt  }
0x52: {  	_ =	shalt  }
0x53: {  	_ =	shalt  }
0x54: {  	_ =	shalt  }
0x55: {  	_ =	shalt  }
0x56: {  	_ =	shalt  }
0x57: {  	_ =	shalt  }
0x58: {  	_ =	shalt  }
0x59: {  	_ =	shalt  }
0x5a: {  	_ =	shalt  }
0x5b: {  	_ =	shalt  }
0x5c: {  	_ =	shalt  }
0x5d: {  	_ =	shalt  }
0x5e: {  	_ =	shalt  }
0x5f: {  	_ =	shalt  }
0x60: {  	_ =	shalt  }
0x61: {  	_ =	shalt  }
0x62: {  	_ =	shalt  }
0x63: {  	_ =	shalt  }
0x64: {  	_ =	shalt  }
0x65: {  	_ =	shalt  }
0x66: {  	_ =	shalt  }
0x67: {  	_ =	shalt  }
0x68: {  	_ =	shalt  }
0x69: {  	_ =	shalt  }
0x6a: {  	_ =	shalt  }
0x6b: {  	_ =	shalt  }
0x6c: {  	_ =	shalt  }
0x6d: {  	_ =	shalt  }
0x6e: {  	_ =	shalt  }
0x6f: {  	_ =	shalt  }
0x70: {  	_ =	shalt  }
0x71: {  	_ =	shalt  }
0x72: {  	_ =	shalt  }
0x73: {  	_ =	shalt  }
0x74: {  	_ =	shalt  }
0x75: {  	_ =	shalt  }
0x76: {  	_ =	shalt  }
0x77: {  	_ =	shalt  }
0x78: {  	_ =	shalt  }
0x79: {  	_ =	shalt  }
0x7a: {  	_ =	shalt  }
0x7b: {  	_ =	shalt  }
0x7c: {  	_ =	shalt  }
0x7d: {  	_ =	shalt  }
0x7e: {  	_ =	shalt  }
0x7f: {  	_ =	shalt  }
0x80: {  	_ =	shalt  }
0x81: {  	_ =	shalt  }
0x82: {  	_ =	shalt  }
0x83: {  	_ =	shalt  }
0x84: {  	_ =	shalt  }
0x85: {  	_ =	shalt  }
0x86: {  	_ =	shalt  }
0x87: {  	_ =	shalt  }
.Lfunc_end0:
.L_simem_size_0:
called_computation_lowered:
.L_overlay_start_0:
0x88: {  	s2 =	sld [smem:$0x3FD9]  }
0x89: {  	s3 =	sld [smem:$0x3FFE];
	_ =	sdelay $0x1  }
0x8a: {  	s1 =	srdreg.scid  }
0x8b: {  	s0 =	sand.u32 $0x1, s1  }
0x8c: {  	s18 =	sshll.u32 s0, $0xA;
	s2 =	sadd.s32 s3, s2  }
0x8d: {  	s2 =	sadd.s32 s2, s18  }
0x8e: {  	[smem:$0x3FC7] =	sst s2  }
0x8f: {  	_ = 	snop  }
0x90: {  	s2 =	sld [smem:$0x3FC9]  }
0x91: {  	s19 =	sld [smem:$0x3FD0];
	(tm) =	ssettm $0x1  }
0x92: {  	s4 =	sld [smem:$0x3FFB];
	_ =	sdelay $0x3  }
0x93: {  	_ =	strace s4  }
0x94: {  	s4 =	sld [smem:$0x3FFC];
	_ =	sdelay $0x3  }
0x95: {  	_ =	strace s4  }
0x96: {  	s4 =	sld [smem:$0x3FFD];
	_ =	sdelay $0x3  }
0x97: {  	_ =	strace s4  }
0x98: {  	_ =	strace $0x8FFFFFFF  }
0x99: {  	s20 =	sld [smem:$0x3FDB];
	_ =	sdelay $0x1  }
0x9a: {  	s5 =	simm.s32 $_scs_section_size  }
0x9b: {  	s6 =	simm.s32 $_size__tile_overlayer_lowered;
	s7 =	simm.s32 $_tile_overlayer_lowered  }
0x9c: {  	s23 =	simm.s32 $0x1BFF;
	s22 =	sshll.u32 s7, $0x1;
	s4 =	sadd.s32 s5, s20  }
0x9d: {  	s8 =	simm.s32 $0x0;
	s21 =	sshll.u32 s6, $0x1;
	s6 =	sadd.s32 s22, s4  }
0x9e: {  	[timem:s8], [sflag:s23] =	dma.local [hbm:s6], s21  }
0x9f: {  	_ =	swait.ge [sflag:s23], s21  }
0xa0: {  	s5 =	ssub.s32 $0x0, s21;
	[sflag:s23] =	ssyncset.done $0x0  }
0xa1: {  	[sflag:s23] =	ssyncadd.s32 s5;
	_ =	sdelay $0x1  }
0xa2: {  	s24 =	simm.s32 $0x1B8B  }
0xa3: {  	_ =	swait.ge [sflag:s24], $0x1  }
0xa4: {  	[sflag:s24] =	ssyncset.done $0x0  }
0xa5: {  	s25 =	simm.s32 $0x1B8E;
	[sflag:s24] =	ssyncadd.s32 $0xFFFFFFFF  }
0xa6: {  	s26 =	simm.s32 $execute0_lowered;
	[smem:$0x3FD2] =	sst s25  }
0xa7: {  	s5 =	sshll.u32 s26, $0x1;
	_ =	strace $0x80000046;
	[dreg:$0x1] =	wrdreg $0xFFFFFFFF  }
0xa8: {  	s28 =	simm.s32 $_size_execute0_lowered;
	s4 =	sadd.s32 s4, s5;
	[dreg:$0x0] =	wrdreg $0x0  }
0xa9: {  	s5 =	sshll.u32 s28, $0x1;
	[dreg:$0x2] =	wrdreg s4  }
0xaa: {  	[dreg:$0x3] =	wrdreg s5  }
0xab: {  	[dreg:$0x4] =	wrdreg $0xC0  }
0xac: {  	_ =	task [dreg:s8], $0x5FFFF  }
0xad: {  	[dreg:$0x1] =	wrdreg $0xFFFFFFFF  }
0xae: {  	[dreg:$0x0] =	wrdreg $0x60  }
0xaf: {  	[dreg:$0x2] =	wrdreg s2  }
0xb0: {  	[dreg:$0x3] =	wrdreg s19  }
0xb1: {  	[dreg:$0x4] =	wrdreg $0x9  }
0xb2: {  	_ =	task.clear_ibuf [dreg:s8], $0x5FFFF;
	_ =	strace $0x90000046  }
0xb3: {  	s29 =	simm.s32 $0x9;
	_ =	strace $0x80000048  }
0xb4: {  	_ =	swait.ge [sflag:s29], $0x1  }
0xb5: {  	[sflag:s29] =	ssyncadd.s32 $0xFFFFFFFF  }
0xb6: {  	_ =	strace $0x90000048  }
0xb7: {  	_ =	sfence  }
0xb8: {  	s30 =	sld [smem:$0x0];
	_ =	sdelay $0x2  }
0xb9: {  	s31 =	sshll.u32 s1, $0xD;
	s1 =	sshrl.u32 s1, $0x2  }
0xba: {  	s3 =	sand.u32 $0x4000, s31;
	s1 =	sadd.s32 s1, s30  }
0xbb: {  	s0 =	sor.u32 s3, s0;
	s1 =	sshll.u32 s1, $0x11  }
0xbc: {  	s0 =	sor.u32 s1, s0  }
0xbd: {  	s0 =	sadd.s32 $0x8F2B, s0  }
0xbe: {  	[sflag:s0] =	ssyncadd.remote.s32 $0x1  }
0xbf: {  	_ =	sfence.sel $0xFFFF  }
0xc0: {  	[dreg:$0x0] =	wrdreg $0xFFFFFFFF;
	(pc) =	sbr.abs _section_cstart, $3  }
0xc1: {  	[dreg:$0x1] =	wrdreg $0xFFFFFFFF  }
0xc2: {  	_ =	task.clear_ibuf [dreg:s8], $0x2FFFF;
	_ =	strace $0x9FFFFFFF  }
0xc3: {  	(tm) =	ssettm $0x7FFFFFFF  }
tec
execute0_lowered:
.L_overlay_start_1:
0x0: {  	(tag) =	ssettag $0x1  }
0x1: {  	s0 =	rddreg [dreg:$0x0]  }
0x2: {  	s2 =	rddreg [dreg:$0x1];
	s1 =	srdreg.scid  }
0x3: {  	s4 =	stileid.u32;
	s3 =	simm.s32 $0x0;
	s15 =	simm.s32 $0x5  }
0x4: {  	s16 =	simm.s32 $0x4000;
	s17 =	simm.s32 $0xA400;
	s18 =	simm.s32 $0x10800  }
0x5: {  	s19 =	simm.s32 $0x16C00;
	s20 =	simm.s32 $0x400;
	s21 =	simm.s32 $0x80000  }
0x6: {  	s22 =	simm.s32 $0x1;
	s23 =	simm.s32 $0x2;
	s24 =	simm.s32 $0x3  }
0x7: {  	s25 =	simm.s32 $0x4;
	s1 =	sand.u32 $0x1, s1;
	s4 =	sshll.u32 s4, $0x1  }
0x8: {  	s26 =	simm.s32 $0x0;
	s5 =	ssub.s32 $0x2, s1;
	s1 =	sor.u32 s1, s4  }
0x9: {  	[smem:$0x7FF] =	sst s3;
	s30 =	sshrl.u32 s5, $0x1;
	s6 =	sshll.u32 s1, $0xB  }
0xa: {  	_ =	strace $0x80000047;
	s4 =	ssub.s32 s5, s30;
	s0 =	sadd.s32 s0, s6  }
0xb: {  	s5 =	sadd.s32 s2, s6;
	s6 =	sshll.u32 s1, $0xE;
	[dreg:$0x3] =	wrdreg s0  }
0xc: {  	s31 =	sadd.s32 $0x190000, s5;
	s8 =	sadd.s32 $0x320000, s5;
	s9 =	sadd.s32 $0x4B0000, s5  }
0xd: {  	v0 =	vlaneseq.u32;
	s10 =	sadd.s32 $0x80, s5;
	s11 =	sadd.s32 $0x190080, s5;
	s12 =	sadd.s32 $0x320080, s5  }
0xe: {  	v1 =	vimm.s32 $0x0;
	v2 =	vimm.f32 $0.0e+00;
	v3 =	vimm.f32 $1.000000000e+00;
	s13 =	sadd.s32 $0x4B0080, s5;
	s14 =	smax.u32 s4, $0x1;
	[dreg:$0x4] =	wrdreg s31  }
.LBB2_1:
0xf: {  	v4 =	vor.u32 s3, v0  }
0x10: {  	v5 =	vmov s3;
	v4 =	vand.u32 $0x3FF, v4  }
0x11: {  	vm0 =	veq.s32 v5, v0;
	vm1 =	vne.s32 v4, $0x0  }
0x12: {  	s1 =	simm.s32 $0x10;
	vm0 =	vmand vm0, vm1  }
0x13: {  	v6 =	vor.u32 s1, v0;
	v5 =	vsel vm0, $0xFFFFFFFF, v1  }
0x14: {  	s0 =	rddreg [dreg:$0x3];
	v7 =	vmov s1;
	v6 =	vand.u32 $0x3FF, v6;
	v5 =	vshll.u32 v5, $0xA  }
0x15: {  	[tilespmem:s3], [sflag:$0x5] =	stream.linear.gather [hbm4b:s0+s3], $0x4000, $0x38;
	vm12 =	veq.s32 v7, v0;
	vm13 =	vne.s32 v6, $0x0;
	v5 =	vadd.s32 s3, v5;
	[tilespmem:$0x1D800] =	vst v63  }
0x16: {  	s0 =	simm.s32 $0x20;
	vm0 =	vmand vm12, vm13;
	v5 =	vand.u32 $0xFFFFFC00, v5  }
0x17: {  	v7 =	vor.u32 s0, v0;
	v4 =	vor.u32 v4, v5;
	v5 =	vsel vm0, $0xFFFFFFFF, v1  }
0x18: {  	v9 =	vmov s0;
	v8 =	vshll.u32 v5, $0xA;
	v5 =	vand.u32 $0x3FF, v7  }
0x19: {  	_ =	swait.ge [sflag:s15], $0x4000;
	vm14 =	veq.s32 v9, v0;
	v7 =	vadd.s32 s1, v8;
	vm15 =	vne.s32 v5, $0x0  }
0x1a: {  	[sflag:s15] =	ssyncset.done $0x0;
	v7 =	vand.u32 $0xFFFFFC00, v7;
	vm0 =	vmand vm14, vm15  }
0x1b: {  	[sflag:s15] =	ssyncadd.s32 $0xFFFFC000;
	v6 =	vor.u32 v6, v7;
	v7 =	vsel vm0, $0xFFFFFFFF, v1  }
0x1c: {  	[tilespmem:v4+s16+$0x0] =	vst.idx.msk $0xffff, v2  }
0x1d: {  	[tilespmem:v4+s17+$0x0] =	vst.idx.msk $0xffff, v2  }
0x1e: {  	s1 =	simm.s32 $0x30;
	v8 =	vshll.u32 v7, $0xA;
	[tilespmem:v4+s18+$0x0] =	vst.idx.msk $0xffff, v2;
	v7 =	vmov v6  }
.LBB2_2:
0x1f: {  	v9 =	vor.u32 s1, v0;
	v8 =	vadd.s32 s0, v8;
	[tilespmem:v4+s19+$0x0] =	vst.idx.msk $0xffff, v2;
	v4 =	vmov v6;
	s0 =	smov.u32 s1;
	p0 =	sne.s32 s1, $0x63F0  }
.Ltmp0:
0x20: {  	v10 =	vmov s1;
	v9 =	vand.u32 $0x3FF, v9;
	v8 =	vand.u32 $0xFFFFFC00, v8;
	[tilespmem:v6+s16+$0x0] =	vst.idx.msk $0xffff, v2;
	(pc) =	sbr.rel @p0 .LBB2_2-.Ltmp0, $4  }
0x21: {  	vm0 =	veq.s32 v10, v0;
	vm1 =	vne.s32 v9, $0x0;
	v6 =	vor.u32 v5, v8;
	v5 =	vmovc v9  }
0x22: {  	vm0 =	vmand vm0, vm1  }
0x23: {  	v8 =	vsel vm0, $0xFFFFFFFF, v1;
	[tilespmem:v7+s17+$0x0] =	vst.idx.msk $0xffff, v2;
	v7 =	vmov v6  }
0x24: {  	s1 =	sadd.s32 $0x10, s1;
	v8 =	vshll.u32 v8, $0xA;
	[tilespmem:v4+s18+$0x0] =	vst.idx.msk $0xffff, v2  }
0x25: {  	_ =	sdelay $0x1  }
0x26: {  	v8 =	vadd.s32 s0, v8  }
0x27: {  	v8 =	vand.u32 $0xFFFFFC00, v8  }
0x28: {  	[tilespmem:v4+s19+$0x0] =	vst.idx.msk $0xffff, v2;
	v4 =	vor.u32 v5, v8  }
0x29: {  	[tilespmem:v6+s16+$0x0] =	vst.idx.msk $0xffff, v2  }
0x2a: {  	[tilespmem:v7+s17+$0x0] =	vst.idx.msk $0xffff, v2  }
0x2b: {  	[tilespmem:v6+s18+$0x0] =	vst.idx.msk $0xffff, v2  }
0x2c: {  	[tilespmem:v6+s19+$0x0] =	vst.idx.msk $0xffff, v2  }
0x2d: {  	[tilespmem:v4+s16+$0x0] =	vst.idx.msk $0xffff, v2  }
0x2e: {  	[tilespmem:v4+s17+$0x0] =	vst.idx.msk $0xffff, v2  }
0x2f: {  	[tilespmem:v4+s18+$0x0] =	vst.idx.msk $0xffff, v2  }
0x30: {  	s31 =	simm.s32 $0x0;
	[tilespmem:v4+s19+$0x0] =	vst.idx.msk $0xffff, v2  }
0x31: {  	v4 =	vld [tilespmem:s31+$0x0];
	_ =	sdelay $0x4  }
0x32: {  	s29 =	simm.s32 $0x10;
	v4 =	vadd.f32 $1.000000000e+00, v4  }
0x33: {  	v5 =	vld [tilespmem:s29+$0x0]  }
0x34: {  	v4 =	vmul.f32 $5.000000000e-01, v4;
	_ =	sdelay $0x1  }
0x35: {  	s30 =	simm.s32 $0x20;
	v4 =	vmax.f32 v4, $0.0e+00  }
0x36: {  	v6 =	vld [tilespmem:s30+$0x0];
	v4 =	vmin.f32 v4, $1.000000000e+00  }
0x37: {  	v5 =	vadd.f32 $1.000000000e+00, v5;
	v4 =	vsub.f32 $1.000000000e+00, v4;
	_ =	sdelay $0x1  }
0x38: {  	v5 =	vmul.f32 $5.000000000e-01, v5;
	v4 =	vmul.f32 $9.900000000e+01, v4  }
0x39: {  	s0 =	simm.s32 $0x30  }
0x3a: {  	v7 =	vld [tilespmem:s0+$0x0];
	v6 =	vadd.f32 $1.000000000e+00, v6;
	v5 =	vmax.f32 v5, $0.0e+00;
	v4 =	vadd.f32 $5.000000000e-01, v4  }
0x3b: {  	v5 =	vmin.f32 v5, $1.000000000e+00  }
0x3c: {  	v6 =	vmul.f32 $5.000000000e-01, v6;
	v5 =	vsub.f32 $1.000000000e+00, v5;
	v8 =	vtrunc.f32 v4  }
0x3d: {  	v9 =	vcvt.f32.s32 v8  }
0x3e: {  	v5 =	vmul.f32 $9.900000000e+01, v5;
	vm0 =	veq.f32 v4, v8;
	v4 =	vmax.f32 v6, $0.0e+00  }
0x3f: {  	v7 =	vadd.f32 $1.000000000e+00, v7;
	v4 =	vmin.f32 v4, $1.000000000e+00;
	v6 =	vand.u32 $0x1, v9  }
0x40: {  	v5 =	vadd.f32 $5.000000000e-01, v5;
	v4 =	vsub.f32 $1.000000000e+00, v4;
	vm1 =	veq.s32 v6, $0x1  }
0x41: {  	v8 =	vmul.f32 $5.000000000e-01, v7;
	vm0 =	vmand vm0, vm1  }
0x42: {  	s1 =	simm.s32 $0x40;
	v6 =	vtrunc.f32 v5;
	v10 =	vmul.f32 $9.900000000e+01, v4;
	v7 =	vsel vm0, $0xFFFFFFFF, v1  }
0x43: {  	v4 =	vcvt.f32.s32 v6;
	vm0 =	veq.f32 v5, v6;
	v6 =	vadd.s32 v9, v7;
	v7 =	vld [tilespmem:s1+$0x0];
	_ =	sdelay $0x2  }
0x44: {  	s28 =	simm.s32 $0x0;
	s4 =	simm.s32 $0x140;
	v8 =	vmax.f32 v8, $0.0e+00;
	v5 =	vadd.f32 $5.000000000e-01, v10;
	vm1 =	vgt.s32 v6, $0x0  }
.LBB2_4:
0x45: {  	p0 =	sne.s32 s4, $0xFC0;
	v8 =	vmin.f32 v8, $1.000000000e+00;
	v9 =	vand.u32 $0x1, v4;
	v6 =	vnsel vm1, $0x0, v6;
	s7 =	smov.u32 s4;
	s4 =	sadd.s32 $0x40, s4  }
.Ltmp1:
0x46: {  	s7 =	sshra.s32 s7, $0x2;
	v10 =	vadd.f32 $1.000000000e+00, v7;
	v8 =	vsub.f32 $1.000000000e+00, v8;
	vm1 =	veq.s32 v9, $0x1;
	(pc) =	sbr.rel @p0 .LBB2_4-.Ltmp1, $4  }
0x47: {  	v9 =	vtrunc.f32 v5;
	v6 =	vmin.u32 v6, $0x63;
	v7 =	vld [tilespmem:s7+$0x0];
	vm0 =	vmand vm0, vm1  }
0x48: {  	v10 =	vmul.f32 $5.000000000e-01, v10;
	v11 =	vmul.f32 $9.900000000e+01, v8;
	v8 =	vsel vm0, $0xFFFFFFFF, v1;
	[tilespmem:s31+$0x1D000] =	vst v6;
	s31 =	smov.u32 s29;
	s29 =	smov.u32 s30;
	s30 =	smov.u32 s0  }
0x49: {  	vm0 =	veq.f32 v5, v9;
	s0 =	smov.u32 s1;
	s1 =	smov.u32 s7;
	v6 =	vadd.s32 v4, v8;
	v4 =	vcvt.f32.s32 v9  }
0x4a: {  	v8 =	vmax.f32 v10, $0.0e+00;
	v5 =	vadd.f32 $5.000000000e-01, v11;
	vm1 =	vgt.s32 v6, $0x0  }
0x4b: {  	_ = 	snop  }
0x4c: {  	v7 =	vadd.f32 $1.000000000e+00, v7;
	_ =	sdelay $0x1  }
0x4d: {  	v8 =	vmin.f32 v8, $1.000000000e+00;
	v7 =	vmul.f32 $5.000000000e-01, v7  }
0x4e: {  	v8 =	vsub.f32 $1.000000000e+00, v8  }
0x4f: {  	v7 =	vmax.f32 v7, $0.0e+00  }
0x50: {  	v8 =	vmul.f32 $9.900000000e+01, v8;
	v7 =	vmin.f32 v7, $1.000000000e+00  }
0x51: {  	v9 =	vand.u32 $0x1, v4;
	v7 =	vsub.f32 $1.000000000e+00, v7  }
0x52: {  	vm2 =	veq.s32 v9, $0x1;
	v56 =	vtrunc.f32 v5;
	v8 =	vadd.f32 $5.000000000e-01, v8  }
0x53: {  	vm0 =	vmand vm0, vm2;
	v11 =	vcvt.f32.s32 v56;
	v7 =	vmul.f32 $9.900000000e+01, v7  }
0x54: {  	vm13 =	veq.f32 v5, v56;
	v10 =	vsel vm0, $0xFFFFFFFF, v1;
	v5 =	vtrunc.f32 v8  }
0x55: {  	v4 =	vadd.s32 v4, v10;
	v57 =	vcvt.f32.s32 v5;
	v7 =	vadd.f32 $5.000000000e-01, v7  }
0x56: {  	v6 =	vnsel vm1, $0x0, v6;
	v58 =	vand.u32 $0x1, v11;
	vm14 =	vgt.s32 v4, $0x0  }
0x57: {  	vm15 =	veq.f32 v8, v5;
	v5 =	vand.u32 $0x1, v57;
	v59 =	vtrunc.f32 v7  }
0x58: {  	vm3 =	veq.s32 v58, $0x1;
	vm4 =	veq.s32 v5, $0x1;
	v5 =	vcvt.f32.s32 v59  }
0x59: {  	v6 =	vmin.u32 v6, $0x63;
	v4 =	vnsel vm14, $0x0, v4;
	vm0 =	vmand vm13, vm3  }
0x5a: {  	v60 =	vsel vm0, $0xFFFFFFFF, v1;
	vm9 =	veq.f32 v7, v59;
	v7 =	vand.u32 $0x1, v5  }
0x5b: {  	v4 =	vmin.u32 v4, $0x63;
	vm8 =	vmand vm15, vm4;
	vm10 =	veq.s32 v7, $0x1  }
0x5c: {  	v61 =	vadd.s32 v11, v60;
	v62 =	vsel vm8, $0xFFFFFFFF, v1;
	vm0 =	vmand vm9, vm10  }
0x5d: {  	vm11 =	vgt.s32 v61, $0x0;
	v7 =	vadd.s32 v57, v62;
	v63 =	vsel vm0, $0xFFFFFFFF, v1  }
0x5e: {  	[tilespmem:s31+$0x1D000] =	vst v6;
	v6 =	vnsel vm11, $0x0, v61;
	vm12 =	vgt.s32 v7, $0x0;
	v5 =	vadd.s32 v5, v63  }
0x5f: {  	[tilespmem:s29+$0x1D000] =	vst v4;
	v4 =	vmin.u32 v6, $0x63;
	v6 =	vnsel vm12, $0x0, v7;
	vm13 =	vgt.s32 v5, $0x0  }
0x60: {  	[tilespmem:s30+$0x1D000] =	vst v4;
	v4 =	vmin.u32 v6, $0x63;
	v5 =	vnsel vm13, $0x0, v5  }
0x61: {  	[tilespmem:s0+$0x1D000] =	vst v4;
	v4 =	vmin.u32 v5, $0x63  }
0x62: {  	s29 =	simm.s32 $0x1D000;
	[tilespmem:s1+$0x1D000] =	vst v4  }
0x63: {  	v4 =	vld [tilespmem:s29+$0x0];
	_ =	sdelay $0x4  }
0x64: {  	vm14 =	vgt.s32 v4, $0x0  }
0x65: {  	v5 =	vnsel vm14, $0x0, v4  }
0x66: {  	s30 =	simm.s32 $0x0;
	v5 =	vmin.u32 v5, $0x18  }
0x67: {  	s0 =	sand.u32 $0xFFFFFF80, s30;
	v5 =	vshll.u32 v5, $0xA  }
0x68: {  	s31 =	sand.u32 $0x70, s28;
	v5 =	vadd.s32 s0, v5  }
0x69: {  	vm15 =	vlt.u32 v4, $0x19;
	v4 =	vor.u32 s31, v5  }
0x6a: {  	v4 =	vor.u32 v0, v4;
	_ =	sdelay $0x4  }
0x6b: {  	s1 =	simm.s32 $0x1D010;
	[tilespmem:v4+s16+$0x0] =	vst.idx.msk vm15, v3  }
0x6c: {  	s4 =	simm.s32 $0x2;
	s0 =	simm.s32 $0x1;
	v4 =	vld [tilespmem:s1+$0x0]  }
.LBB2_6:
0x6d: {  	p0 =	sne.s32 s4, $0x3F;
	_ =	sdelay $0x3  }
0x6e: {  	vm0 =	vgt.s32 v4, $0x0  }
0x6f: {  	v5 =	vnsel vm0, $0x0, v4  }
0x70: {  	s7 =	sshll.u32 s0, $0x4;
	s0 =	smov.u32 s4;
	v5 =	vmin.u32 v5, $0x18  }
0x71: {  	s28 =	sadd.s32 $0x10, s28;
	s7 =	sand.u32 $0xFFFFFF80, s7;
	v5 =	vshll.u32 v5, $0xA  }
0x72: {  	s29 =	sand.u32 $0x70, s28;
	v5 =	vadd.s32 s7, v5  }
0x73: {  	vm0 =	vlt.u32 v4, $0x19;
	v4 =	vor.u32 s29, v5  }
0x74: {  	v4 =	vor.u32 v0, v4;
	_ =	sdelay $0x1  }
.Ltmp2:
0x75: {  	(pc) =	sbr.rel @p0 .LBB2_6-.Ltmp2, $3  }
0x76: {  	_ =	sdelay $0x1  }
0x77: {  	s1 =	sadd.s32 $0x10, s1;
	[tilespmem:v4+s16+$0x0] =	vst.idx.msk vm0, v3  }
0x78: {  	s4 =	sadd.s32 $0x1, s4;
	v4 =	vld [tilespmem:s1+$0x0]  }
0x79: {  	_ =	sdelay $0x3  }
0x7a: {  	vm0 =	vgt.s32 v4, $0x0  }
0x7b: {  	v5 =	vnsel vm0, $0x0, v4  }
0x7c: {  	s0 =	sshll.u32 s0, $0x4;
	v5 =	vmin.u32 v5, $0x18  }
0x7d: {  	s1 =	sadd.s32 $0x10, s28;
	s0 =	sand.u32 $0xFFFFFF80, s0;
	v5 =	vshll.u32 v5, $0xA  }
0x7e: {  	s1 =	sand.u32 $0x70, s1;
	v5 =	vadd.s32 s0, v5  }
0x7f: {  	vm13 =	vlt.u32 v4, $0x19;
	v4 =	vor.u32 s1, v5  }
0x80: {  	v4 =	vor.u32 v0, v4;
	_ =	sdelay $0x4  }
0x81: {  	s30 =	simm.s32 $0x1D000;
	[tilespmem:v4+s16+$0x0] =	vst.idx.msk vm13, v3  }
0x82: {  	[hbm4b:s5+s20] =	stream.strided.scatter [tilespmem:s16], [sflag:$0x1], $0x6400, s21, s20, $0x38;
	[tilespmem:$0x1D800] =	vst v63  }
0x83: {  	v4 =	vld [tilespmem:s30+$0x0];
	_ =	sdelay $0x4  }
0x84: {  	v4 =	vadd.s32 $0xFFFFFFE7, v4  }
0x85: {  	vm14 =	vgt.s32 v4, $0x0  }
0x86: {  	v5 =	vnsel vm14, $0x0, v4  }
0x87: {  	s31 =	simm.s32 $0x0;
	v5 =	vmin.u32 v5, $0x18  }
0x88: {  	s0 =	simm.s32 $0x0;
	s1 =	sand.u32 $0xFFFFFF80, s31;
	v5 =	vshll.u32 v5, $0xA  }
0x89: {  	s4 =	sand.u32 $0x70, s0;
	v5 =	vadd.s32 s1, v5  }
0x8a: {  	vm15 =	vlt.u32 v4, $0x19;
	v4 =	vor.u32 s4, v5  }
0x8b: {  	v4 =	vor.u32 v0, v4;
	_ =	sdelay $0x4  }
0x8c: {  	s28 =	simm.s32 $0x1D010;
	[tilespmem:v4+s17+$0x0] =	vst.idx.msk vm15, v3  }
0x8d: {  	s1 =	simm.s32 $0x1;
	s4 =	simm.s32 $0x2;
	v4 =	vld [tilespmem:s28+$0x0]  }
.LBB2_8:
0x8e: {  	p0 =	sne.s32 s4, $0x3F;
	_ =	sdelay $0x3  }
0x8f: {  	v4 =	vadd.s32 $0xFFFFFFE7, v4  }
0x90: {  	vm0 =	vgt.s32 v4, $0x0  }
0x91: {  	v5 =	vnsel vm0, $0x0, v4  }
0x92: {  	s7 =	sshll.u32 s1, $0x4;
	s1 =	smov.u32 s4;
	v5 =	vmin.u32 v5, $0x18  }
0x93: {  	s0 =	sadd.s32 $0x10, s0;
	s7 =	sand.u32 $0xFFFFFF80, s7;
	v5 =	vshll.u32 v5, $0xA  }
0x94: {  	s29 =	sand.u32 $0x70, s0;
	v5 =	vadd.s32 s7, v5  }
0x95: {  	vm0 =	vlt.u32 v4, $0x19;
	v4 =	vor.u32 s29, v5  }
0x96: {  	v4 =	vor.u32 v0, v4;
	_ =	sdelay $0x1  }
.Ltmp3:
0x97: {  	(pc) =	sbr.rel @p0 .LBB2_8-.Ltmp3, $3  }
0x98: {  	_ =	sdelay $0x1  }
0x99: {  	s28 =	sadd.s32 $0x10, s28;
	[tilespmem:v4+s17+$0x0] =	vst.idx.msk vm0, v3  }
0x9a: {  	s4 =	sadd.s32 $0x1, s4;
	v4 =	vld [tilespmem:s28+$0x0]  }
0x9b: {  	_ =	sdelay $0x3  }
0x9c: {  	v4 =	vadd.s32 $0xFFFFFFE7, v4  }
0x9d: {  	vm0 =	vgt.s32 v4, $0x0  }
0x9e: {  	v5 =	vnsel vm0, $0x0, v4  }
0x9f: {  	s1 =	sshll.u32 s1, $0x4;
	v5 =	vmin.u32 v5, $0x18  }
0xa0: {  	s0 =	sadd.s32 $0x10, s0;
	s1 =	sand.u32 $0xFFFFFF80, s1;
	v5 =	vshll.u32 v5, $0xA  }
0xa1: {  	s0 =	sand.u32 $0x70, s0;
	v5 =	vadd.s32 s1, v5  }
0xa2: {  	vm13 =	vlt.u32 v4, $0x19;
	v4 =	vor.u32 s0, v5  }
0xa3: {  	v4 =	vor.u32 v0, v4;
	_ =	sdelay $0x4  }
0xa4: {  	s29 =	rddreg [dreg:$0x4];
	s30 =	simm.s32 $0x1D000;
	[tilespmem:v4+s17+$0x0] =	vst.idx.msk vm13, v3  }
0xa5: {  	[hbm4b:s29+s20] =	stream.strided.scatter [tilespmem:s17], [sflag:$0x2], $0x6400, s21, s20, $0x38;
	[tilespmem:$0x1D800] =	vst v63  }
0xa6: {  	v4 =	vld [tilespmem:s30+$0x0];
	_ =	sdelay $0x4  }
0xa7: {  	v4 =	vadd.s32 $0xFFFFFFCE, v4  }
0xa8: {  	vm14 =	vgt.s32 v4, $0x0  }
0xa9: {  	v5 =	vnsel vm14, $0x0, v4  }
0xaa: {  	s31 =	simm.s32 $0x0;
	v5 =	vmin.u32 v5, $0x18  }
0xab: {  	s1 =	sand.u32 $0xFFFFFF80, s31;
	s0 =	simm.s32 $0x0;
	v5 =	vshll.u32 v5, $0xA  }
0xac: {  	s4 =	sand.u32 $0x70, s0;
	v5 =	vadd.s32 s1, v5  }
0xad: {  	vm15 =	vlt.u32 v4, $0x19;
	v4 =	vor.u32 s4, v5  }
0xae: {  	v4 =	vor.u32 v0, v4;
	_ =	sdelay $0x4  }
0xaf: {  	s28 =	simm.s32 $0x1D010;
	[tilespmem:v4+s18+$0x0] =	vst.idx.msk vm15, v3  }
0xb0: {  	s1 =	simm.s32 $0x1;
	s4 =	simm.s32 $0x2;
	v4 =	vld [tilespmem:s28+$0x0]  }
.LBB2_10:
0xb1: {  	p0 =	sne.s32 s4, $0x3F;
	_ =	sdelay $0x3  }
0xb2: {  	v4 =	vadd.s32 $0xFFFFFFCE, v4  }
0xb3: {  	vm0 =	vgt.s32 v4, $0x0  }
0xb4: {  	v5 =	vnsel vm0, $0x0, v4  }
0xb5: {  	s7 =	sshll.u32 s1, $0x4;
	s1 =	smov.u32 s4;
	v5 =	vmin.u32 v5, $0x18  }
0xb6: {  	s0 =	sadd.s32 $0x10, s0;
	s7 =	sand.u32 $0xFFFFFF80, s7;
	v5 =	vshll.u32 v5, $0xA  }
0xb7: {  	s29 =	sand.u32 $0x70, s0;
	v5 =	vadd.s32 s7, v5  }
0xb8: {  	vm0 =	vlt.u32 v4, $0x19;
	v4 =	vor.u32 s29, v5  }
0xb9: {  	v4 =	vor.u32 v0, v4;
	_ =	sdelay $0x1  }
.Ltmp4:
0xba: {  	(pc) =	sbr.rel @p0 .LBB2_10-.Ltmp4, $3  }
0xbb: {  	_ =	sdelay $0x1  }
0xbc: {  	s28 =	sadd.s32 $0x10, s28;
	[tilespmem:v4+s18+$0x0] =	vst.idx.msk vm0, v3  }
0xbd: {  	s4 =	sadd.s32 $0x1, s4;
	v4 =	vld [tilespmem:s28+$0x0]  }
0xbe: {  	_ =	sdelay $0x3  }
0xbf: {  	v4 =	vadd.s32 $0xFFFFFFCE, v4  }
0xc0: {  	vm0 =	vgt.s32 v4, $0x0  }
0xc1: {  	v5 =	vnsel vm0, $0x0, v4  }
0xc2: {  	s1 =	sshll.u32 s1, $0x4;
	v5 =	vmin.u32 v5, $0x18  }
0xc3: {  	s0 =	sadd.s32 $0x10, s0;
	s1 =	sand.u32 $0xFFFFFF80, s1;
	v5 =	vshll.u32 v5, $0xA  }
0xc4: {  	s0 =	sand.u32 $0x70, s0;
	v5 =	vadd.s32 s1, v5  }
0xc5: {  	vm13 =	vlt.u32 v4, $0x19;
	v4 =	vor.u32 s0, v5  }
0xc6: {  	v4 =	vor.u32 v0, v4;
	_ =	sdelay $0x4  }
0xc7: {  	s30 =	simm.s32 $0x1D000;
	[tilespmem:v4+s18+$0x0] =	vst.idx.msk vm13, v3  }
0xc8: {  	[hbm4b:s8+s20] =	stream.strided.scatter [tilespmem:s18], [sflag:$0x3], $0x6400, s21, s20, $0x38;
	[tilespmem:$0x1D800] =	vst v63  }
0xc9: {  	v4 =	vld [tilespmem:s30+$0x0];
	_ =	sdelay $0x4  }
0xca: {  	v4 =	vadd.s32 $0xFFFFFFB5, v4  }
0xcb: {  	vm14 =	vgt.s32 v4, $0x0  }
0xcc: {  	v5 =	vnsel vm14, $0x0, v4  }
0xcd: {  	s31 =	simm.s32 $0x0;
	v5 =	vmin.u32 v5, $0x18  }
0xce: {  	s1 =	sand.u32 $0xFFFFFF80, s31;
	s0 =	simm.s32 $0x0;
	v5 =	vshll.u32 v5, $0xA  }
0xcf: {  	s4 =	sand.u32 $0x70, s0;
	v5 =	vadd.s32 s1, v5  }
0xd0: {  	vm15 =	vlt.u32 v4, $0x19;
	v4 =	vor.u32 s4, v5  }
0xd1: {  	v4 =	vor.u32 v0, v4;
	_ =	sdelay $0x4  }
0xd2: {  	s28 =	simm.s32 $0x1D010;
	[tilespmem:v4+s19+$0x0] =	vst.idx.msk vm15, v3  }
0xd3: {  	s1 =	simm.s32 $0x1;
	s4 =	simm.s32 $0x2;
	v4 =	vld [tilespmem:s28+$0x0]  }
.LBB2_12:
0xd4: {  	p0 =	sne.s32 s4, $0x3F;
	_ =	sdelay $0x3  }
0xd5: {  	v4 =	vadd.s32 $0xFFFFFFB5, v4  }
0xd6: {  	vm0 =	vgt.s32 v4, $0x0  }
0xd7: {  	v5 =	vnsel vm0, $0x0, v4  }
0xd8: {  	s7 =	sshll.u32 s1, $0x4;
	s1 =	smov.u32 s4;
	v5 =	vmin.u32 v5, $0x18  }
0xd9: {  	s0 =	sadd.s32 $0x10, s0;
	s7 =	sand.u32 $0xFFFFFF80, s7;
	v5 =	vshll.u32 v5, $0xA  }
0xda: {  	s29 =	sand.u32 $0x70, s0;
	v5 =	vadd.s32 s7, v5  }
0xdb: {  	vm0 =	vlt.u32 v4, $0x19;
	v4 =	vor.u32 s29, v5  }
0xdc: {  	v4 =	vor.u32 v0, v4;
	_ =	sdelay $0x1  }
.Ltmp5:
0xdd: {  	(pc) =	sbr.rel @p0 .LBB2_12-.Ltmp5, $3  }
0xde: {  	_ =	sdelay $0x1  }
0xdf: {  	s28 =	sadd.s32 $0x10, s28;
	[tilespmem:v4+s19+$0x0] =	vst.idx.msk vm0, v3  }
0xe0: {  	s4 =	sadd.s32 $0x1, s4;
	v4 =	vld [tilespmem:s28+$0x0]  }
0xe1: {  	_ =	sdelay $0x3  }
0xe2: {  	v4 =	vadd.s32 $0xFFFFFFB5, v4  }
0xe3: {  	vm0 =	vgt.s32 v4, $0x0  }
0xe4: {  	v5 =	vnsel vm0, $0x0, v4  }
0xe5: {  	s1 =	sshll.u32 s1, $0x4;
	v5 =	vmin.u32 v5, $0x18  }
0xe6: {  	s0 =	sadd.s32 $0x10, s0;
	s1 =	sand.u32 $0xFFFFFF80, s1;
	v5 =	vshll.u32 v5, $0xA  }
0xe7: {  	s0 =	sand.u32 $0x70, s0;
	v5 =	vadd.s32 s1, v5  }
0xe8: {  	vm13 =	vlt.u32 v4, $0x19;
	v4 =	vor.u32 s0, v5  }
0xe9: {  	v4 =	vor.u32 v0, v4;
	_ =	sdelay $0x3  }
0xea: {  	s30 =	simm.s32 $0x0  }
0xeb: {  	s0 =	sand.u32 $0x3F0, s30;
	[tilespmem:v4+s19+$0x0] =	vst.idx.msk vm13, v3  }
0xec: {  	[hbm4b:s9+s20] =	stream.strided.scatter [tilespmem:s19], [sflag:$0x4], $0x6400, s21, s20, $0x38;
	[tilespmem:$0x1D800] =	vst v63  }
0xed: {  	v4 =	vld [tilespmem:s0+$0x400];
	_ =	sdelay $0x4  }
0xee: {  	v4 =	vadd.f32 $1.000000000e+00, v4;
	_ =	sdelay $0x1  }
0xef: {  	v4 =	vmul.f32 $5.000000000e-01, v4;
	_ =	sdelay $0x1  }
0xf0: {  	v4 =	vmax.f32 v4, $0.0e+00  }
0xf1: {  	v4 =	vmin.f32 v4, $1.000000000e+00  }
0xf2: {  	v4 =	vsub.f32 $1.000000000e+00, v4;
	_ =	sdelay $0x1  }
0xf3: {  	v4 =	vmul.f32 $9.900000000e+01, v4;
	_ =	sdelay $0x1  }
0xf4: {  	v4 =	vadd.f32 $5.000000000e-01, v4;
	_ =	sdelay $0x1  }
0xf5: {  	v5 =	vtrunc.f32 v4  }
0xf6: {  	v6 =	vcvt.f32.s32 v5;
	_ =	sdelay $0x1  }
0xf7: {  	v7 =	vand.u32 $0x1, v6  }
0xf8: {  	vm14 =	veq.f32 v4, v5;
	vm1 =	veq.s32 v7, $0x1  }
0xf9: {  	vm0 =	vmand vm14, vm1  }
0xfa: {  	v4 =	vsel vm0, $0xFFFFFFFF, v1  }
0xfb: {  	v4 =	vadd.s32 v6, v4  }
0xfc: {  	vm15 =	vgt.s32 v4, $0x0  }
0xfd: {  	v4 =	vnsel vm15, $0x0, v4  }
0xfe: {  	s31 =	simm.s32 $0x10;
	s0 =	simm.s32 $0x1D400;
	v4 =	vmin.u32 v4, $0x63  }
0xff: {  	s4 =	sand.u32 $0x3F0, s31;
	s1 =	simm.s32 $0x20;
	[tilespmem:s0+$0x0] =	vst v4  }
.LBB2_14:
0x100: {  	p0 =	sne.s32 s1, $0x3F0;
	v4 =	vld [tilespmem:s4+$0x400];
	_ =	sdelay $0x4  }
0x101: {  	v4 =	vadd.f32 $1.000000000e+00, v4;
	_ =	sdelay $0x1  }
0x102: {  	v4 =	vmul.f32 $5.000000000e-01, v4;
	_ =	sdelay $0x1  }
0x103: {  	v4 =	vmax.f32 v4, $0.0e+00  }
0x104: {  	v4 =	vmin.f32 v4, $1.000000000e+00  }
0x105: {  	v4 =	vsub.f32 $1.000000000e+00, v4;
	_ =	sdelay $0x1  }
0x106: {  	v4 =	vmul.f32 $9.900000000e+01, v4;
	_ =	sdelay $0x1  }
0x107: {  	v4 =	vadd.f32 $5.000000000e-01, v4;
	_ =	sdelay $0x1  }
0x108: {  	v5 =	vtrunc.f32 v4  }
0x109: {  	v6 =	vcvt.f32.s32 v5;
	_ =	sdelay $0x1  }
0x10a: {  	v7 =	vand.u32 $0x1, v6  }
0x10b: {  	vm0 =	veq.f32 v4, v5;
	vm1 =	veq.s32 v7, $0x1  }
0x10c: {  	vm0 =	vmand vm0, vm1  }
0x10d: {  	v4 =	vsel vm0, $0xFFFFFFFF, v1  }
.Ltmp6:
0x10e: {  	v4 =	vadd.s32 v6, v4;
	(pc) =	sbr.rel @p0 .LBB2_14-.Ltmp6, $4  }
0x10f: {  	vm0 =	vgt.s32 v4, $0x0  }
0x110: {  	v4 =	vnsel vm0, $0x0, v4  }
0x111: {  	s0 =	sadd.s32 $0x10, s0;
	v4 =	vmin.u32 v4, $0x63  }
0x112: {  	s4 =	sand.u32 $0x3F0, s1;
	s1 =	sadd.s32 $0x10, s1;
	[tilespmem:s0+$0x0] =	vst v4  }
0x113: {  	v4 =	vld [tilespmem:s4+$0x400];
	_ =	sdelay $0x4  }
0x114: {  	v4 =	vadd.f32 $1.000000000e+00, v4;
	_ =	sdelay $0x1  }
0x115: {  	v4 =	vmul.f32 $5.000000000e-01, v4;
	_ =	sdelay $0x1  }
0x116: {  	v4 =	vmax.f32 v4, $0.0e+00  }
0x117: {  	v4 =	vmin.f32 v4, $1.000000000e+00  }
0x118: {  	v4 =	vsub.f32 $1.000000000e+00, v4;
	_ =	sdelay $0x1  }
0x119: {  	v4 =	vmul.f32 $9.900000000e+01, v4;
	_ =	sdelay $0x1  }
0x11a: {  	v4 =	vadd.f32 $5.000000000e-01, v4;
	_ =	sdelay $0x1  }
0x11b: {  	v5 =	vtrunc.f32 v4  }
0x11c: {  	v6 =	vcvt.f32.s32 v5;
	_ =	sdelay $0x1  }
0x11d: {  	v7 =	vand.u32 $0x1, v6  }
0x11e: {  	vm0 =	veq.f32 v4, v5;
	vm1 =	veq.s32 v7, $0x1  }
0x11f: {  	vm0 =	vmand vm0, vm1  }
0x120: {  	v4 =	vsel vm0, $0xFFFFFFFF, v1  }
0x121: {  	v4 =	vadd.s32 v6, v4  }
0x122: {  	vm15 =	vgt.s32 v4, $0x0  }
0x123: {  	v4 =	vnsel vm15, $0x0, v4  }
0x124: {  	s0 =	sadd.s32 $0x10, s0;
	v4 =	vmin.u32 v4, $0x63  }
0x125: {  	[tilespmem:s0+$0x0] =	vst v4  }
0x126: {  	_ =	swait.ge [sflag:s22], $0x6400  }
0x127: {  	s1 =	simm.s32 $0x1D000;
	s4 =	simm.s32 $0x0;
	[sflag:s22] =	ssyncset.done $0x0  }
0x128: {  	s28 =	simm.s32 $0x0;
	s0 =	simm.s32 $0x0;
	[sflag:s22] =	ssyncadd.s32 $0xFFFF9C00  }
.LBB2_16:
0x129: {  	v4 =	vld [tilespmem:s1+$0x0];
	_ =	sdelay $0x4  }
0x12a: {  	vm0 =	vgt.s32 v4, $0x0  }
0x12b: {  	v5 =	vnsel vm0, $0x0, v4  }
0x12c: {  	s7 =	sshll.u32 s28, $0x4;
	v5 =	vmin.u32 v5, $0x18  }
0x12d: {  	s7 =	sand.u32 $0xFFFFFF80, s7;
	v5 =	vshll.u32 v5, $0xA  }
0x12e: {  	s29 =	sand.u32 $0x70, s4;
	v5 =	vadd.s32 s7, v5  }
0x12f: {  	vm15 =	vlt.u32 v4, $0x19;
	v4 =	vor.u32 s29, v5  }
0x130: {  	p0 =	sne.s32 s28, $0x3F;
	v4 =	vor.u32 v0, v4  }
.Ltmp7:
0x131: {  	_ = 	snop;
	(pc) =	sbr.rel @p0 .LBB2_16-.Ltmp7, $2  }
0x132: {  	_ =	sdelay $0x2  }
0x133: {  	s1 =	sadd.s32 $0x10, s1;
	s4 =	sadd.s32 $0x10, s4;
	s28 =	sadd.s32 $0x1, s28;
	[tilespmem:v4+s16+$0x0] =	vst.idx.msk vm15, v2  }
0x134: {  	s1 =	simm.s32 $0x1D400  }
0x135: {  	v4 =	vld [tilespmem:s1+$0x0];
	_ =	sdelay $0x4  }
0x136: {  	vm0 =	vgt.s32 v4, $0x0  }
0x137: {  	v5 =	vnsel vm0, $0x0, v4  }
0x138: {  	s31 =	simm.s32 $0x0;
	v5 =	vmin.u32 v5, $0x18  }
0x139: {  	s1 =	sand.u32 $0xFFFFFF80, s31;
	v5 =	vshll.u32 v5, $0xA  }
0x13a: {  	s4 =	sand.u32 $0x70, s0;
	v5 =	vadd.s32 s1, v5  }
0x13b: {  	vm15 =	vlt.u32 v4, $0x19;
	v4 =	vor.u32 s4, v5  }
0x13c: {  	v4 =	vor.u32 v0, v4;
	_ =	sdelay $0x4  }
0x13d: {  	s4 =	simm.s32 $0x1D410;
	[tilespmem:v4+s16+$0x0] =	vst.idx.msk vm15, v3  }
0x13e: {  	s28 =	simm.s32 $0x2;
	s1 =	simm.s32 $0x1;
	v4 =	vld [tilespmem:s4+$0x0]  }
.LBB2_18:
0x13f: {  	p0 =	sne.s32 s28, $0x3F;
	_ =	sdelay $0x3  }
0x140: {  	vm0 =	vgt.s32 v4, $0x0  }
0x141: {  	v5 =	vnsel vm0, $0x0, v4  }
0x142: {  	s7 =	sshll.u32 s1, $0x4;
	s1 =	smov.u32 s28;
	v5 =	vmin.u32 v5, $0x18  }
0x143: {  	s0 =	sadd.s32 $0x10, s0;
	s7 =	sand.u32 $0xFFFFFF80, s7;
	v5 =	vshll.u32 v5, $0xA  }
0x144: {  	s29 =	sand.u32 $0x70, s0;
	v5 =	vadd.s32 s7, v5  }
0x145: {  	vm0 =	vlt.u32 v4, $0x19;
	v4 =	vor.u32 s29, v5  }
0x146: {  	v4 =	vor.u32 v0, v4;
	_ =	sdelay $0x1  }
.Ltmp8:
0x147: {  	(pc) =	sbr.rel @p0 .LBB2_18-.Ltmp8, $3  }
0x148: {  	_ =	sdelay $0x1  }
0x149: {  	s4 =	sadd.s32 $0x10, s4;
	[tilespmem:v4+s16+$0x0] =	vst.idx.msk vm0, v3  }
0x14a: {  	s28 =	sadd.s32 $0x1, s28;
	v4 =	vld [tilespmem:s4+$0x0]  }
0x14b: {  	_ =	sdelay $0x3  }
0x14c: {  	vm0 =	vgt.s32 v4, $0x0  }
0x14d: {  	v5 =	vnsel vm0, $0x0, v4  }
0x14e: {  	s1 =	sshll.u32 s1, $0x4;
	v5 =	vmin.u32 v5, $0x18  }
0x14f: {  	s0 =	sadd.s32 $0x10, s0;
	s1 =	sand.u32 $0xFFFFFF80, s1;
	v5 =	vshll.u32 v5, $0xA  }
0x150: {  	s0 =	sand.u32 $0x70, s0;
	v5 =	vadd.s32 s1, v5  }
0x151: {  	vm15 =	vlt.u32 v4, $0x19;
	v4 =	vor.u32 s0, v5  }
0x152: {  	v4 =	vor.u32 v0, v4;
	_ =	sdelay $0x4  }
0x153: {  	[tilespmem:v4+s16+$0x0] =	vst.idx.msk vm15, v3  }
0x154: {  	[hbm4b:s10+s20] =	stream.strided.scatter [tilespmem:s16], [sflag:$0x1], $0x6400, s21, s20, $0x38;
	[tilespmem:$0x1D800] =	vst v63  }
0x155: {  	_ =	swait.ge [sflag:s23], $0x6400  }
0x156: {  	s4 =	simm.s32 $0x0;
	s28 =	simm.s32 $0x0;
	[sflag:s23] =	ssyncset.done $0x0  }
0x157: {  	s1 =	simm.s32 $0x1D000;
	s0 =	simm.s32 $0x0;
	[sflag:s23] =	ssyncadd.s32 $0xFFFF9C00  }
.LBB2_20:
0x158: {  	v4 =	vld [tilespmem:s1+$0x0];
	_ =	sdelay $0x4  }
0x159: {  	v4 =	vadd.s32 $0xFFFFFFE7, v4  }
0x15a: {  	vm0 =	vgt.s32 v4, $0x0  }
0x15b: {  	v5 =	vnsel vm0, $0x0, v4  }
0x15c: {  	s7 =	sshll.u32 s28, $0x4;
	v5 =	vmin.u32 v5, $0x18  }
0x15d: {  	s7 =	sand.u32 $0xFFFFFF80, s7;
	v5 =	vshll.u32 v5, $0xA  }
0x15e: {  	s29 =	sand.u32 $0x70, s4;
	v5 =	vadd.s32 s7, v5  }
0x15f: {  	vm15 =	vlt.u32 v4, $0x19;
	v4 =	vor.u32 s29, v5  }
0x160: {  	p0 =	sne.s32 s28, $0x3F;
	v4 =	vor.u32 v0, v4  }
.Ltmp9:
0x161: {  	_ = 	snop;
	(pc) =	sbr.rel @p0 .LBB2_20-.Ltmp9, $2  }
0x162: {  	_ =	sdelay $0x2  }
0x163: {  	s1 =	sadd.s32 $0x10, s1;
	s4 =	sadd.s32 $0x10, s4;
	s28 =	sadd.s32 $0x1, s28;
	[tilespmem:v4+s17+$0x0] =	vst.idx.msk vm15, v2  }
0x164: {  	s1 =	simm.s32 $0x1D400  }
0x165: {  	v4 =	vld [tilespmem:s1+$0x0];
	_ =	sdelay $0x4  }
0x166: {  	v4 =	vadd.s32 $0xFFFFFFE7, v4  }
0x167: {  	vm0 =	vgt.s32 v4, $0x0  }
0x168: {  	v5 =	vnsel vm0, $0x0, v4  }
0x169: {  	s31 =	simm.s32 $0x0;
	v5 =	vmin.u32 v5, $0x18  }
0x16a: {  	s1 =	sand.u32 $0xFFFFFF80, s31;
	v5 =	vshll.u32 v5, $0xA  }
0x16b: {  	s4 =	sand.u32 $0x70, s0;
	v5 =	vadd.s32 s1, v5  }
0x16c: {  	vm15 =	vlt.u32 v4, $0x19;
	v4 =	vor.u32 s4, v5  }
0x16d: {  	v4 =	vor.u32 v0, v4;
	_ =	sdelay $0x4  }
0x16e: {  	s28 =	simm.s32 $0x1D410;
	[tilespmem:v4+s17+$0x0] =	vst.idx.msk vm15, v3  }
0x16f: {  	s1 =	simm.s32 $0x1;
	s4 =	simm.s32 $0x2;
	v4 =	vld [tilespmem:s28+$0x0]  }
.LBB2_22:
0x170: {  	p0 =	sne.s32 s4, $0x3F;
	_ =	sdelay $0x3  }
0x171: {  	v4 =	vadd.s32 $0xFFFFFFE7, v4  }
0x172: {  	vm0 =	vgt.s32 v4, $0x0  }
0x173: {  	v5 =	vnsel vm0, $0x0, v4  }
0x174: {  	s7 =	sshll.u32 s1, $0x4;
	s1 =	smov.u32 s4;
	v5 =	vmin.u32 v5, $0x18  }
0x175: {  	s0 =	sadd.s32 $0x10, s0;
	s7 =	sand.u32 $0xFFFFFF80, s7;
	v5 =	vshll.u32 v5, $0xA  }
0x176: {  	s29 =	sand.u32 $0x70, s0;
	v5 =	vadd.s32 s7, v5  }
0x177: {  	vm0 =	vlt.u32 v4, $0x19;
	v4 =	vor.u32 s29, v5  }
0x178: {  	v4 =	vor.u32 v0, v4;
	_ =	sdelay $0x1  }
.Ltmp10:
0x179: {  	(pc) =	sbr.rel @p0 .LBB2_22-.Ltmp10, $3  }
0x17a: {  	_ =	sdelay $0x1  }
0x17b: {  	s28 =	sadd.s32 $0x10, s28;
	[tilespmem:v4+s17+$0x0] =	vst.idx.msk vm0, v3  }
0x17c: {  	s4 =	sadd.s32 $0x1, s4;
	v4 =	vld [tilespmem:s28+$0x0]  }
0x17d: {  	_ =	sdelay $0x3  }
0x17e: {  	v4 =	vadd.s32 $0xFFFFFFE7, v4  }
0x17f: {  	vm0 =	vgt.s32 v4, $0x0  }
0x180: {  	v5 =	vnsel vm0, $0x0, v4  }
0x181: {  	s1 =	sshll.u32 s1, $0x4;
	v5 =	vmin.u32 v5, $0x18  }
0x182: {  	s0 =	sadd.s32 $0x10, s0;
	s1 =	sand.u32 $0xFFFFFF80, s1;
	v5 =	vshll.u32 v5, $0xA  }
0x183: {  	s0 =	sand.u32 $0x70, s0;
	v5 =	vadd.s32 s1, v5  }
0x184: {  	vm15 =	vlt.u32 v4, $0x19;
	v4 =	vor.u32 s0, v5  }
0x185: {  	v4 =	vor.u32 v0, v4;
	_ =	sdelay $0x4  }
0x186: {  	[tilespmem:v4+s17+$0x0] =	vst.idx.msk vm15, v3  }
0x187: {  	[hbm4b:s11+s20] =	stream.strided.scatter [tilespmem:s17], [sflag:$0x2], $0x6400, s21, s20, $0x38;
	[tilespmem:$0x1D800] =	vst v63  }
0x188: {  	_ =	swait.ge [sflag:s24], $0x6400  }
0x189: {  	s4 =	simm.s32 $0x0;
	s28 =	simm.s32 $0x0;
	[sflag:s24] =	ssyncset.done $0x0  }
0x18a: {  	s1 =	simm.s32 $0x1D000;
	s0 =	simm.s32 $0x0;
	[sflag:s24] =	ssyncadd.s32 $0xFFFF9C00  }
.LBB2_24:
0x18b: {  	v4 =	vld [tilespmem:s1+$0x0];
	_ =	sdelay $0x4  }
0x18c: {  	v4 =	vadd.s32 $0xFFFFFFCE, v4  }
0x18d: {  	vm0 =	vgt.s32 v4, $0x0  }
0x18e: {  	v5 =	vnsel vm0, $0x0, v4  }
0x18f: {  	s7 =	sshll.u32 s28, $0x4;
	v5 =	vmin.u32 v5, $0x18  }
0x190: {  	s7 =	sand.u32 $0xFFFFFF80, s7;
	v5 =	vshll.u32 v5, $0xA  }
0x191: {  	s29 =	sand.u32 $0x70, s4;
	v5 =	vadd.s32 s7, v5  }
0x192: {  	vm15 =	vlt.u32 v4, $0x19;
	v4 =	vor.u32 s29, v5  }
0x193: {  	p0 =	sne.s32 s28, $0x3F;
	v4 =	vor.u32 v0, v4  }
.Ltmp11:
0x194: {  	_ = 	snop;
	(pc) =	sbr.rel @p0 .LBB2_24-.Ltmp11, $2  }
0x195: {  	_ =	sdelay $0x2  }
0x196: {  	s1 =	sadd.s32 $0x10, s1;
	s4 =	sadd.s32 $0x10, s4;
	s28 =	sadd.s32 $0x1, s28;
	[tilespmem:v4+s18+$0x0] =	vst.idx.msk vm15, v2  }
0x197: {  	s1 =	simm.s32 $0x1D400  }
0x198: {  	v4 =	vld [tilespmem:s1+$0x0];
	_ =	sdelay $0x4  }
0x199: {  	v4 =	vadd.s32 $0xFFFFFFCE, v4  }
0x19a: {  	vm0 =	vgt.s32 v4, $0x0  }
0x19b: {  	v5 =	vnsel vm0, $0x0, v4  }
0x19c: {  	s31 =	simm.s32 $0x0;
	v5 =	vmin.u32 v5, $0x18  }
0x19d: {  	s1 =	sand.u32 $0xFFFFFF80, s31;
	v5 =	vshll.u32 v5, $0xA  }
0x19e: {  	s4 =	sand.u32 $0x70, s0;
	v5 =	vadd.s32 s1, v5  }
0x19f: {  	vm15 =	vlt.u32 v4, $0x19;
	v4 =	vor.u32 s4, v5  }
0x1a0: {  	v4 =	vor.u32 v0, v4;
	_ =	sdelay $0x4  }
0x1a1: {  	s28 =	simm.s32 $0x1D410;
	[tilespmem:v4+s18+$0x0] =	vst.idx.msk vm15, v3  }
0x1a2: {  	s1 =	simm.s32 $0x1;
	s4 =	simm.s32 $0x2;
	v4 =	vld [tilespmem:s28+$0x0]  }
.LBB2_26:
0x1a3: {  	p0 =	sne.s32 s4, $0x3F;
	_ =	sdelay $0x3  }
0x1a4: {  	v4 =	vadd.s32 $0xFFFFFFCE, v4  }
0x1a5: {  	vm0 =	vgt.s32 v4, $0x0  }
0x1a6: {  	v5 =	vnsel vm0, $0x0, v4  }
0x1a7: {  	s7 =	sshll.u32 s1, $0x4;
	s1 =	smov.u32 s4;
	v5 =	vmin.u32 v5, $0x18  }
0x1a8: {  	s0 =	sadd.s32 $0x10, s0;
	s7 =	sand.u32 $0xFFFFFF80, s7;
	v5 =	vshll.u32 v5, $0xA  }
0x1a9: {  	s29 =	sand.u32 $0x70, s0;
	v5 =	vadd.s32 s7, v5  }
0x1aa: {  	vm0 =	vlt.u32 v4, $0x19;
	v4 =	vor.u32 s29, v5  }
0x1ab: {  	v4 =	vor.u32 v0, v4;
	_ =	sdelay $0x1  }
.Ltmp12:
0x1ac: {  	(pc) =	sbr.rel @p0 .LBB2_26-.Ltmp12, $3  }
0x1ad: {  	_ =	sdelay $0x1  }
0x1ae: {  	s28 =	sadd.s32 $0x10, s28;
	[tilespmem:v4+s18+$0x0] =	vst.idx.msk vm0, v3  }
0x1af: {  	s4 =	sadd.s32 $0x1, s4;
	v4 =	vld [tilespmem:s28+$0x0]  }
0x1b0: {  	_ =	sdelay $0x3  }
0x1b1: {  	v4 =	vadd.s32 $0xFFFFFFCE, v4  }
0x1b2: {  	vm0 =	vgt.s32 v4, $0x0  }
0x1b3: {  	v5 =	vnsel vm0, $0x0, v4  }
0x1b4: {  	s1 =	sshll.u32 s1, $0x4;
	v5 =	vmin.u32 v5, $0x18  }
0x1b5: {  	s0 =	sadd.s32 $0x10, s0;
	s1 =	sand.u32 $0xFFFFFF80, s1;
	v5 =	vshll.u32 v5, $0xA  }
0x1b6: {  	s0 =	sand.u32 $0x70, s0;
	v5 =	vadd.s32 s1, v5  }
0x1b7: {  	vm15 =	vlt.u32 v4, $0x19;
	v4 =	vor.u32 s0, v5  }
0x1b8: {  	v4 =	vor.u32 v0, v4;
	_ =	sdelay $0x4  }
0x1b9: {  	[tilespmem:v4+s18+$0x0] =	vst.idx.msk vm15, v3  }
0x1ba: {  	[hbm4b:s12+s20] =	stream.strided.scatter [tilespmem:s18], [sflag:$0x3], $0x6400, s21, s20, $0x38;
	[tilespmem:$0x1D800] =	vst v63  }
0x1bb: {  	_ =	swait.ge [sflag:s25], $0x6400  }
0x1bc: {  	s4 =	simm.s32 $0x0;
	s28 =	simm.s32 $0x0;
	[sflag:s25] =	ssyncset.done $0x0  }
0x1bd: {  	s1 =	simm.s32 $0x1D000;
	s0 =	simm.s32 $0x0;
	[sflag:s25] =	ssyncadd.s32 $0xFFFF9C00  }
.LBB2_28:
0x1be: {  	v4 =	vld [tilespmem:s1+$0x0];
	_ =	sdelay $0x4  }
0x1bf: {  	v4 =	vadd.s32 $0xFFFFFFB5, v4  }
0x1c0: {  	vm0 =	vgt.s32 v4, $0x0  }
0x1c1: {  	v5 =	vnsel vm0, $0x0, v4  }
0x1c2: {  	s7 =	sshll.u32 s28, $0x4;
	v5 =	vmin.u32 v5, $0x18  }
0x1c3: {  	s7 =	sand.u32 $0xFFFFFF80, s7;
	v5 =	vshll.u32 v5, $0xA  }
0x1c4: {  	s29 =	sand.u32 $0x70, s4;
	v5 =	vadd.s32 s7, v5  }
0x1c5: {  	vm15 =	vlt.u32 v4, $0x19;
	v4 =	vor.u32 s29, v5  }
0x1c6: {  	p0 =	sne.s32 s28, $0x3F;
	v4 =	vor.u32 v0, v4  }
.Ltmp13:
0x1c7: {  	_ = 	snop;
	(pc) =	sbr.rel @p0 .LBB2_28-.Ltmp13, $2  }
0x1c8: {  	_ =	sdelay $0x2  }
0x1c9: {  	s1 =	sadd.s32 $0x10, s1;
	s4 =	sadd.s32 $0x10, s4;
	s28 =	sadd.s32 $0x1, s28;
	[tilespmem:v4+s19+$0x0] =	vst.idx.msk vm15, v2  }
0x1ca: {  	s1 =	simm.s32 $0x1D400  }
0x1cb: {  	v4 =	vld [tilespmem:s1+$0x0];
	_ =	sdelay $0x4  }
0x1cc: {  	v4 =	vadd.s32 $0xFFFFFFB5, v4  }
0x1cd: {  	vm0 =	vgt.s32 v4, $0x0  }
0x1ce: {  	v5 =	vnsel vm0, $0x0, v4  }
0x1cf: {  	s31 =	simm.s32 $0x0;
	v5 =	vmin.u32 v5, $0x18  }
0x1d0: {  	s1 =	sand.u32 $0xFFFFFF80, s31;
	v5 =	vshll.u32 v5, $0xA  }
0x1d1: {  	s4 =	sand.u32 $0x70, s0;
	v5 =	vadd.s32 s1, v5  }
0x1d2: {  	vm15 =	vlt.u32 v4, $0x19;
	v4 =	vor.u32 s4, v5  }
0x1d3: {  	v4 =	vor.u32 v0, v4;
	_ =	sdelay $0x4  }
0x1d4: {  	s28 =	simm.s32 $0x1D410;
	[tilespmem:v4+s19+$0x0] =	vst.idx.msk vm15, v3  }
0x1d5: {  	s1 =	simm.s32 $0x1;
	s4 =	simm.s32 $0x2;
	v4 =	vld [tilespmem:s28+$0x0]  }
.LBB2_30:
0x1d6: {  	p0 =	sne.s32 s4, $0x3F;
	_ =	sdelay $0x3  }
0x1d7: {  	v4 =	vadd.s32 $0xFFFFFFB5, v4  }
0x1d8: {  	vm0 =	vgt.s32 v4, $0x0  }
0x1d9: {  	v5 =	vnsel vm0, $0x0, v4  }
0x1da: {  	s7 =	sshll.u32 s1, $0x4;
	s1 =	smov.u32 s4;
	v5 =	vmin.u32 v5, $0x18  }
0x1db: {  	s0 =	sadd.s32 $0x10, s0;
	s7 =	sand.u32 $0xFFFFFF80, s7;
	v5 =	vshll.u32 v5, $0xA  }
0x1dc: {  	s29 =	sand.u32 $0x70, s0;
	v5 =	vadd.s32 s7, v5  }
0x1dd: {  	vm0 =	vlt.u32 v4, $0x19;
	v4 =	vor.u32 s29, v5  }
0x1de: {  	v4 =	vor.u32 v0, v4;
	_ =	sdelay $0x1  }
.Ltmp14:
0x1df: {  	(pc) =	sbr.rel @p0 .LBB2_30-.Ltmp14, $3  }
0x1e0: {  	_ =	sdelay $0x1  }
0x1e1: {  	s28 =	sadd.s32 $0x10, s28;
	[tilespmem:v4+s19+$0x0] =	vst.idx.msk vm0, v3  }
0x1e2: {  	s4 =	sadd.s32 $0x1, s4;
	v4 =	vld [tilespmem:s28+$0x0]  }
0x1e3: {  	_ =	sdelay $0x3  }
0x1e4: {  	v4 =	vadd.s32 $0xFFFFFFB5, v4  }
0x1e5: {  	vm0 =	vgt.s32 v4, $0x0  }
0x1e6: {  	v5 =	vnsel vm0, $0x0, v4  }
0x1e7: {  	s1 =	sshll.u32 s1, $0x4;
	v5 =	vmin.u32 v5, $0x18  }
0x1e8: {  	s0 =	sadd.s32 $0x10, s0;
	s1 =	sand.u32 $0xFFFFFF80, s1;
	v5 =	vshll.u32 v5, $0xA  }
0x1e9: {  	s0 =	sand.u32 $0x70, s0;
	v5 =	vadd.s32 s1, v5  }
0x1ea: {  	vm15 =	vlt.u32 v4, $0x19;
	v4 =	vor.u32 s0, v5  }
0x1eb: {  	v4 =	vor.u32 v0, v4;
	_ =	sdelay $0x4  }
0x1ec: {  	s28 =	simm.s32 $0x1;
	[tilespmem:v4+s19+$0x0] =	vst.idx.msk vm15, v3  }
0x1ed: {  	[hbm4b:s13+s20] =	stream.strided.scatter [tilespmem:s19], [sflag:$0x4], $0x6400, s21, s20, $0x38;
	[tilespmem:$0x1D800] =	vst v63  }
.LBB2_32:
0x1ee: {  	s29 =	sshll.u32 s28, $0xB;
	s1 =	simm.s32 $0x0  }
0x1ef: {  	s0 =	sand.u32 $0x3FFFF800, s29;
	s4 =	sand.u32 $0x380, s1  }
0x1f0: {  	s1 =	sand.u32 $0x70, s1;
	s4 =	sadd.s32 s4, s0  }
0x1f1: {  	s1 =	sadd.s32 s1, s4  }
0x1f2: {  	v4 =	vld [tilespmem:s1+$0x0];
	_ =	sdelay $0x4  }
0x1f3: {  	v4 =	vadd.f32 $1.000000000e+00, v4;
	_ =	sdelay $0x1  }
0x1f4: {  	v4 =	vmul.f32 $5.000000000e-01, v4;
	_ =	sdelay $0x1  }
0x1f5: {  	v4 =	vmax.f32 v4, $0.0e+00  }
0x1f6: {  	v4 =	vmin.f32 v4, $1.000000000e+00  }
0x1f7: {  	v4 =	vsub.f32 $1.000000000e+00, v4;
	_ =	sdelay $0x1  }
0x1f8: {  	v4 =	vmul.f32 $9.900000000e+01, v4;
	_ =	sdelay $0x1  }
0x1f9: {  	v4 =	vadd.f32 $5.000000000e-01, v4;
	_ =	sdelay $0x1  }
0x1fa: {  	v5 =	vtrunc.f32 v4  }
0x1fb: {  	v6 =	vcvt.f32.s32 v5;
	_ =	sdelay $0x1  }
0x1fc: {  	v7 =	vand.u32 $0x1, v6  }
0x1fd: {  	vm0 =	veq.f32 v4, v5;
	vm1 =	veq.s32 v7, $0x1  }
0x1fe: {  	vm0 =	vmand vm0, vm1  }
0x1ff: {  	v4 =	vsel vm0, $0xFFFFFFFF, v1  }
0x200: {  	v4 =	vadd.s32 v6, v4  }
0x201: {  	s31 =	simm.s32 $0x10;
	vm15 =	vgt.s32 v4, $0x0  }
0x202: {  	s30 =	simm.s32 $0x20;
	s4 =	sand.u32 $0x380, s31;
	s1 =	simm.s32 $0x1D000;
	v4 =	vnsel vm15, $0x0, v4  }
.LBB2_33:
0x203: {  	p0 =	sne.s32 s30, $0x3F0;
	s7 =	sand.u32 $0x70, s31;
	s4 =	sadd.s32 s4, s0;
	v4 =	vmin.u32 v4, $0x63  }
0x204: {  	s31 =	smov.u32 s30;
	s4 =	sadd.s32 s7, s4;
	[tilespmem:s1+$0x0] =	vst v4  }
0x205: {  	v4 =	vld [tilespmem:s4+$0x0];
	_ =	sdelay $0x4  }
0x206: {  	v4 =	vadd.f32 $1.000000000e+00, v4;
	_ =	sdelay $0x1  }
0x207: {  	v4 =	vmul.f32 $5.000000000e-01, v4;
	_ =	sdelay $0x1  }
0x208: {  	v4 =	vmax.f32 v4, $0.0e+00  }
0x209: {  	v4 =	vmin.f32 v4, $1.000000000e+00  }
0x20a: {  	v4 =	vsub.f32 $1.000000000e+00, v4;
	_ =	sdelay $0x1  }
0x20b: {  	v4 =	vmul.f32 $9.900000000e+01, v4;
	_ =	sdelay $0x1  }
0x20c: {  	v4 =	vadd.f32 $5.000000000e-01, v4;
	_ =	sdelay $0x1  }
0x20d: {  	v5 =	vtrunc.f32 v4  }
0x20e: {  	v6 =	vcvt.f32.s32 v5;
	_ =	sdelay $0x1  }
0x20f: {  	v7 =	vand.u32 $0x1, v6  }
0x210: {  	vm0 =	veq.f32 v4, v5;
	vm1 =	veq.s32 v7, $0x1  }
.Ltmp15:
0x211: {  	vm0 =	vmand vm0, vm1;
	(pc) =	sbr.rel @p0 .LBB2_33-.Ltmp15, $4  }
0x212: {  	v4 =	vsel vm0, $0xFFFFFFFF, v1  }
0x213: {  	v4 =	vadd.s32 v6, v4  }
0x214: {  	vm0 =	vgt.s32 v4, $0x0  }
0x215: {  	s30 =	sadd.s32 $0x10, s30;
	s1 =	sadd.s32 $0x10, s1;
	s4 =	sand.u32 $0x380, s31;
	v4 =	vnsel vm0, $0x0, v4  }
0x216: {  	s7 =	sand.u32 $0x70, s31;
	s0 =	sadd.s32 s4, s0;
	v4 =	vmin.u32 v4, $0x63  }
0x217: {  	s0 =	sadd.s32 s7, s0;
	[tilespmem:s1+$0x0] =	vst v4  }
0x218: {  	v4 =	vld [tilespmem:s0+$0x0];
	_ =	sdelay $0x4  }
0x219: {  	v4 =	vadd.f32 $1.000000000e+00, v4;
	_ =	sdelay $0x1  }
0x21a: {  	v4 =	vmul.f32 $5.000000000e-01, v4;
	_ =	sdelay $0x1  }
0x21b: {  	v4 =	vmax.f32 v4, $0.0e+00  }
0x21c: {  	v4 =	vmin.f32 v4, $1.000000000e+00  }
0x21d: {  	v4 =	vsub.f32 $1.000000000e+00, v4;
	_ =	sdelay $0x1  }
0x21e: {  	v4 =	vmul.f32 $9.900000000e+01, v4;
	_ =	sdelay $0x1  }
0x21f: {  	v4 =	vadd.f32 $5.000000000e-01, v4;
	_ =	sdelay $0x1  }
0x220: {  	v5 =	vtrunc.f32 v4  }
0x221: {  	v6 =	vcvt.f32.s32 v5;
	_ =	sdelay $0x1  }
0x222: {  	v7 =	vand.u32 $0x1, v6  }
0x223: {  	vm0 =	veq.f32 v4, v5;
	vm1 =	veq.s32 v7, $0x1  }
0x224: {  	vm0 =	vmand vm0, vm1  }
0x225: {  	v4 =	vsel vm0, $0xFFFFFFFF, v1  }
0x226: {  	v4 =	vadd.s32 v6, v4  }
0x227: {  	vm15 =	vgt.s32 v4, $0x0  }
0x228: {  	v4 =	vnsel vm15, $0x0, v4  }
0x229: {  	s31 =	sadd.s32 $0x10, s1;
	v4 =	vmin.u32 v4, $0x63  }
0x22a: {  	[tilespmem:s31+$0x0] =	vst v4  }
0x22b: {  	_ =	swait.ge [sflag:s22], $0x6400  }
0x22c: {  	s4 =	simm.s32 $0x0;
	s30 =	simm.s32 $0x0;
	[sflag:s22] =	ssyncset.done $0x0  }
0x22d: {  	s1 =	simm.s32 $0x1D400;
	s0 =	simm.s32 $0x0;
	[sflag:s22] =	ssyncadd.s32 $0xFFFF9C00  }
.LBB2_35:
0x22e: {  	v4 =	vld [tilespmem:s1+$0x0];
	_ =	sdelay $0x4  }
0x22f: {  	vm0 =	vgt.s32 v4, $0x0  }
0x230: {  	v5 =	vnsel vm0, $0x0, v4  }
0x231: {  	s7 =	sshll.u32 s30, $0x4;
	v5 =	vmin.u32 v5, $0x18  }
0x232: {  	s7 =	sand.u32 $0xFFFFFF80, s7;
	v5 =	vshll.u32 v5, $0xA  }
0x233: {  	s31 =	sand.u32 $0x70, s4;
	v5 =	vadd.s32 s7, v5  }
0x234: {  	vm15 =	vlt.u32 v4, $0x19;
	v4 =	vor.u32 s31, v5  }
0x235: {  	p0 =	sne.s32 s30, $0x3F;
	v4 =	vor.u32 v0, v4  }
.Ltmp16:
0x236: {  	_ = 	snop;
	(pc) =	sbr.rel @p0 .LBB2_35-.Ltmp16, $2  }
0x237: {  	_ =	sdelay $0x2  }
0x238: {  	s1 =	sadd.s32 $0x10, s1;
	s4 =	sadd.s32 $0x10, s4;
	s30 =	sadd.s32 $0x1, s30;
	[tilespmem:v4+s16+$0x0] =	vst.idx.msk vm15, v2  }
0x239: {  	s1 =	simm.s32 $0x1D000  }
0x23a: {  	v4 =	vld [tilespmem:s1+$0x0];
	_ =	sdelay $0x4  }
0x23b: {  	vm0 =	vgt.s32 v4, $0x0  }
0x23c: {  	v5 =	vnsel vm0, $0x0, v4  }
0x23d: {  	s31 =	simm.s32 $0x0;
	v5 =	vmin.u32 v5, $0x18  }
0x23e: {  	s1 =	sand.u32 $0xFFFFFF80, s31;
	v5 =	vshll.u32 v5, $0xA  }
0x23f: {  	s4 =	sand.u32 $0x70, s0;
	v5 =	vadd.s32 s1, v5  }
0x240: {  	vm15 =	vlt.u32 v4, $0x19;
	v4 =	vor.u32 s4, v5  }
0x241: {  	v4 =	vor.u32 v0, v4;
	_ =	sdelay $0x4  }
0x242: {  	s4 =	simm.s32 $0x1D010;
	[tilespmem:v4+s16+$0x0] =	vst.idx.msk vm15, v3  }
0x243: {  	s30 =	simm.s32 $0x2;
	s1 =	simm.s32 $0x1;
	v4 =	vld [tilespmem:s4+$0x0]  }
.LBB2_37:
0x244: {  	p0 =	sne.s32 s30, $0x3F;
	_ =	sdelay $0x3  }
0x245: {  	vm0 =	vgt.s32 v4, $0x0  }
0x246: {  	v5 =	vnsel vm0, $0x0, v4  }
0x247: {  	s7 =	sshll.u32 s1, $0x4;
	s1 =	smov.u32 s30;
	v5 =	vmin.u32 v5, $0x18  }
0x248: {  	s0 =	sadd.s32 $0x10, s0;
	s7 =	sand.u32 $0xFFFFFF80, s7;
	v5 =	vshll.u32 v5, $0xA  }
0x249: {  	s31 =	sand.u32 $0x70, s0;
	v5 =	vadd.s32 s7, v5  }
0x24a: {  	vm0 =	vlt.u32 v4, $0x19;
	v4 =	vor.u32 s31, v5  }
0x24b: {  	v4 =	vor.u32 v0, v4;
	_ =	sdelay $0x1  }
.Ltmp17:
0x24c: {  	(pc) =	sbr.rel @p0 .LBB2_37-.Ltmp17, $3  }
0x24d: {  	_ =	sdelay $0x1  }
0x24e: {  	s4 =	sadd.s32 $0x10, s4;
	[tilespmem:v4+s16+$0x0] =	vst.idx.msk vm0, v3  }
0x24f: {  	s30 =	sadd.s32 $0x1, s30;
	v4 =	vld [tilespmem:s4+$0x0]  }
0x250: {  	_ =	sdelay $0x3  }
0x251: {  	vm0 =	vgt.s32 v4, $0x0  }
0x252: {  	v5 =	vnsel vm0, $0x0, v4  }
0x253: {  	s1 =	sshll.u32 s1, $0x4;
	v5 =	vmin.u32 v5, $0x18  }
0x254: {  	s0 =	sadd.s32 $0x10, s0;
	s1 =	sand.u32 $0xFFFFFF80, s1;
	v5 =	vshll.u32 v5, $0xA  }
0x255: {  	s0 =	sand.u32 $0x70, s0;
	v5 =	vadd.s32 s1, v5  }
0x256: {  	vm15 =	vlt.u32 v4, $0x19;
	v4 =	vor.u32 s0, v5  }
0x257: {  	v4 =	vor.u32 v0, v4;
	_ =	sdelay $0x2  }
0x258: {  	s31 =	sadd.s32 s6, s29  }
0x259: {  	s29 =	sshrl.u32 s31, $0x3  }
0x25a: {  	s0 =	sadd.s32 s2, s29;
	[tilespmem:v4+s16+$0x0] =	vst.idx.msk vm15, v3  }
0x25b: {  	[hbm4b:s0+s20] =	stream.strided.scatter [tilespmem:s16], [sflag:$0x1], $0x6400, s21, s20, $0x38;
	[tilespmem:$0x1D800] =	vst v63  }
0x25c: {  	_ =	swait.ge [sflag:s23], $0x6400  }
0x25d: {  	s4 =	simm.s32 $0x0;
	s30 =	simm.s32 $0x0;
	[sflag:s23] =	ssyncset.done $0x0  }
0x25e: {  	s1 =	simm.s32 $0x1D400;
	s0 =	simm.s32 $0x0;
	[sflag:s23] =	ssyncadd.s32 $0xFFFF9C00  }
.LBB2_39:
0x25f: {  	v4 =	vld [tilespmem:s1+$0x0];
	_ =	sdelay $0x4  }
0x260: {  	v4 =	vadd.s32 $0xFFFFFFE7, v4  }
0x261: {  	vm0 =	vgt.s32 v4, $0x0  }
0x262: {  	v5 =	vnsel vm0, $0x0, v4  }
0x263: {  	s7 =	sshll.u32 s30, $0x4;
	v5 =	vmin.u32 v5, $0x18  }
0x264: {  	s7 =	sand.u32 $0xFFFFFF80, s7;
	v5 =	vshll.u32 v5, $0xA  }
0x265: {  	s31 =	sand.u32 $0x70, s4;
	v5 =	vadd.s32 s7, v5  }
0x266: {  	vm15 =	vlt.u32 v4, $0x19;
	v4 =	vor.u32 s31, v5  }
0x267: {  	p0 =	sne.s32 s30, $0x3F;
	v4 =	vor.u32 v0, v4  }
.Ltmp18:
0x268: {  	_ = 	snop;
	(pc) =	sbr.rel @p0 .LBB2_39-.Ltmp18, $2  }
0x269: {  	_ =	sdelay $0x2  }
0x26a: {  	s1 =	sadd.s32 $0x10, s1;
	s4 =	sadd.s32 $0x10, s4;
	s30 =	sadd.s32 $0x1, s30;
	[tilespmem:v4+s17+$0x0] =	vst.idx.msk vm15, v2  }
0x26b: {  	s1 =	simm.s32 $0x1D000  }
0x26c: {  	v4 =	vld [tilespmem:s1+$0x0];
	_ =	sdelay $0x4  }
0x26d: {  	v4 =	vadd.s32 $0xFFFFFFE7, v4  }
0x26e: {  	vm0 =	vgt.s32 v4, $0x0  }
0x26f: {  	v5 =	vnsel vm0, $0x0, v4  }
0x270: {  	s31 =	simm.s32 $0x0;
	v5 =	vmin.u32 v5, $0x18  }
0x271: {  	s1 =	sand.u32 $0xFFFFFF80, s31;
	v5 =	vshll.u32 v5, $0xA  }
0x272: {  	s4 =	sand.u32 $0x70, s0;
	v5 =	vadd.s32 s1, v5  }
0x273: {  	vm15 =	vlt.u32 v4, $0x19;
	v4 =	vor.u32 s4, v5  }
0x274: {  	v4 =	vor.u32 v0, v4;
	_ =	sdelay $0x4  }
0x275: {  	s30 =	simm.s32 $0x1D010;
	[tilespmem:v4+s17+$0x0] =	vst.idx.msk vm15, v3  }
0x276: {  	s1 =	simm.s32 $0x1;
	s4 =	simm.s32 $0x2;
	v4 =	vld [tilespmem:s30+$0x0]  }
.LBB2_41:
0x277: {  	p0 =	sne.s32 s4, $0x3F;
	_ =	sdelay $0x3  }
0x278: {  	v4 =	vadd.s32 $0xFFFFFFE7, v4  }
0x279: {  	vm0 =	vgt.s32 v4, $0x0  }
0x27a: {  	v5 =	vnsel vm0, $0x0, v4  }
0x27b: {  	s7 =	sshll.u32 s1, $0x4;
	s1 =	smov.u32 s4;
	v5 =	vmin.u32 v5, $0x18  }
0x27c: {  	s0 =	sadd.s32 $0x10, s0;
	s7 =	sand.u32 $0xFFFFFF80, s7;
	v5 =	vshll.u32 v5, $0xA  }
0x27d: {  	s31 =	sand.u32 $0x70, s0;
	v5 =	vadd.s32 s7, v5  }
0x27e: {  	vm0 =	vlt.u32 v4, $0x19;
	v4 =	vor.u32 s31, v5  }
0x27f: {  	v4 =	vor.u32 v0, v4;
	_ =	sdelay $0x1  }
.Ltmp19:
0x280: {  	(pc) =	sbr.rel @p0 .LBB2_41-.Ltmp19, $3  }
0x281: {  	_ =	sdelay $0x1  }
0x282: {  	s30 =	sadd.s32 $0x10, s30;
	[tilespmem:v4+s17+$0x0] =	vst.idx.msk vm0, v3  }
0x283: {  	s4 =	sadd.s32 $0x1, s4;
	v4 =	vld [tilespmem:s30+$0x0]  }
0x284: {  	_ =	sdelay $0x3  }
0x285: {  	v4 =	vadd.s32 $0xFFFFFFE7, v4  }
0x286: {  	vm0 =	vgt.s32 v4, $0x0  }
0x287: {  	v5 =	vnsel vm0, $0x0, v4  }
0x288: {  	s1 =	sshll.u32 s1, $0x4;
	v5 =	vmin.u32 v5, $0x18  }
0x289: {  	s0 =	sadd.s32 $0x10, s0;
	s1 =	sand.u32 $0xFFFFFF80, s1;
	v5 =	vshll.u32 v5, $0xA  }
0x28a: {  	s0 =	sand.u32 $0x70, s0;
	v5 =	vadd.s32 s1, v5  }
0x28b: {  	vm15 =	vlt.u32 v4, $0x19;
	v4 =	vor.u32 s0, v5  }
0x28c: {  	v4 =	vor.u32 v0, v4;
	_ =	sdelay $0x3  }
0x28d: {  	s31 =	sor.u32 $0x190000, s29  }
0x28e: {  	s0 =	sadd.s32 s2, s31;
	[tilespmem:v4+s17+$0x0] =	vst.idx.msk vm15, v3  }
0x28f: {  	[hbm4b:s0+s20] =	stream.strided.scatter [tilespmem:s17], [sflag:$0x2], $0x6400, s21, s20, $0x38;
	[tilespmem:$0x1D800] =	vst v63  }
0x290: {  	_ =	swait.ge [sflag:s24], $0x6400  }
0x291: {  	s4 =	simm.s32 $0x0;
	s30 =	simm.s32 $0x0;
	[sflag:s24] =	ssyncset.done $0x0  }
0x292: {  	s1 =	simm.s32 $0x1D400;
	s0 =	simm.s32 $0x0;
	[sflag:s24] =	ssyncadd.s32 $0xFFFF9C00  }
.LBB2_43:
0x293: {  	v4 =	vld [tilespmem:s1+$0x0];
	_ =	sdelay $0x4  }
0x294: {  	v4 =	vadd.s32 $0xFFFFFFCE, v4  }
0x295: {  	vm0 =	vgt.s32 v4, $0x0  }
0x296: {  	v5 =	vnsel vm0, $0x0, v4  }
0x297: {  	s7 =	sshll.u32 s30, $0x4;
	v5 =	vmin.u32 v5, $0x18  }
0x298: {  	s7 =	sand.u32 $0xFFFFFF80, s7;
	v5 =	vshll.u32 v5, $0xA  }
0x299: {  	s31 =	sand.u32 $0x70, s4;
	v5 =	vadd.s32 s7, v5  }
0x29a: {  	vm15 =	vlt.u32 v4, $0x19;
	v4 =	vor.u32 s31, v5  }
0x29b: {  	p0 =	sne.s32 s30, $0x3F;
	v4 =	vor.u32 v0, v4  }
.Ltmp20:
0x29c: {  	_ = 	snop;
	(pc) =	sbr.rel @p0 .LBB2_43-.Ltmp20, $2  }
0x29d: {  	_ =	sdelay $0x2  }
0x29e: {  	s1 =	sadd.s32 $0x10, s1;
	s4 =	sadd.s32 $0x10, s4;
	s30 =	sadd.s32 $0x1, s30;
	[tilespmem:v4+s18+$0x0] =	vst.idx.msk vm15, v2  }
0x29f: {  	s1 =	simm.s32 $0x1D000  }
0x2a0: {  	v4 =	vld [tilespmem:s1+$0x0];
	_ =	sdelay $0x4  }
0x2a1: {  	v4 =	vadd.s32 $0xFFFFFFCE, v4  }
0x2a2: {  	vm0 =	vgt.s32 v4, $0x0  }
0x2a3: {  	v5 =	vnsel vm0, $0x0, v4  }
0x2a4: {  	s31 =	simm.s32 $0x0;
	v5 =	vmin.u32 v5, $0x18  }
0x2a5: {  	s1 =	sand.u32 $0xFFFFFF80, s31;
	v5 =	vshll.u32 v5, $0xA  }
0x2a6: {  	s4 =	sand.u32 $0x70, s0;
	v5 =	vadd.s32 s1, v5  }
0x2a7: {  	vm15 =	vlt.u32 v4, $0x19;
	v4 =	vor.u32 s4, v5  }
0x2a8: {  	v4 =	vor.u32 v0, v4;
	_ =	sdelay $0x4  }
0x2a9: {  	s30 =	simm.s32 $0x1D010;
	[tilespmem:v4+s18+$0x0] =	vst.idx.msk vm15, v3  }
0x2aa: {  	s1 =	simm.s32 $0x1;
	s4 =	simm.s32 $0x2;
	v4 =	vld [tilespmem:s30+$0x0]  }
.LBB2_45:
0x2ab: {  	p0 =	sne.s32 s4, $0x3F;
	_ =	sdelay $0x3  }
0x2ac: {  	v4 =	vadd.s32 $0xFFFFFFCE, v4  }
0x2ad: {  	vm0 =	vgt.s32 v4, $0x0  }
0x2ae: {  	v5 =	vnsel vm0, $0x0, v4  }
0x2af: {  	s7 =	sshll.u32 s1, $0x4;
	s1 =	smov.u32 s4;
	v5 =	vmin.u32 v5, $0x18  }
0x2b0: {  	s0 =	sadd.s32 $0x10, s0;
	s7 =	sand.u32 $0xFFFFFF80, s7;
	v5 =	vshll.u32 v5, $0xA  }
0x2b1: {  	s31 =	sand.u32 $0x70, s0;
	v5 =	vadd.s32 s7, v5  }
0x2b2: {  	vm0 =	vlt.u32 v4, $0x19;
	v4 =	vor.u32 s31, v5  }
0x2b3: {  	v4 =	vor.u32 v0, v4;
	_ =	sdelay $0x1  }
.Ltmp21:
0x2b4: {  	(pc) =	sbr.rel @p0 .LBB2_45-.Ltmp21, $3  }
0x2b5: {  	_ =	sdelay $0x1  }
0x2b6: {  	s30 =	sadd.s32 $0x10, s30;
	[tilespmem:v4+s18+$0x0] =	vst.idx.msk vm0, v3  }
0x2b7: {  	s4 =	sadd.s32 $0x1, s4;
	v4 =	vld [tilespmem:s30+$0x0]  }
0x2b8: {  	_ =	sdelay $0x3  }
0x2b9: {  	v4 =	vadd.s32 $0xFFFFFFCE, v4  }
0x2ba: {  	vm0 =	vgt.s32 v4, $0x0  }
0x2bb: {  	v5 =	vnsel vm0, $0x0, v4  }
0x2bc: {  	s1 =	sshll.u32 s1, $0x4;
	v5 =	vmin.u32 v5, $0x18  }
0x2bd: {  	s0 =	sadd.s32 $0x10, s0;
	s1 =	sand.u32 $0xFFFFFF80, s1;
	v5 =	vshll.u32 v5, $0xA  }
0x2be: {  	s0 =	sand.u32 $0x70, s0;
	v5 =	vadd.s32 s1, v5  }
0x2bf: {  	vm15 =	vlt.u32 v4, $0x19;
	v4 =	vor.u32 s0, v5  }
0x2c0: {  	v4 =	vor.u32 v0, v4;
	_ =	sdelay $0x3  }
0x2c1: {  	s31 =	sor.u32 $0x320000, s29  }
0x2c2: {  	s0 =	sadd.s32 s2, s31;
	[tilespmem:v4+s18+$0x0] =	vst.idx.msk vm15, v3  }
0x2c3: {  	[hbm4b:s0+s20] =	stream.strided.scatter [tilespmem:s18], [sflag:$0x3], $0x6400, s21, s20, $0x38;
	[tilespmem:$0x1D800] =	vst v63  }
0x2c4: {  	_ =	swait.ge [sflag:s25], $0x6400  }
0x2c5: {  	s4 =	simm.s32 $0x0;
	s30 =	simm.s32 $0x0;
	[sflag:s25] =	ssyncset.done $0x0  }
0x2c6: {  	s1 =	simm.s32 $0x1D400;
	s0 =	simm.s32 $0x0;
	[sflag:s25] =	ssyncadd.s32 $0xFFFF9C00  }
.LBB2_47:
0x2c7: {  	v4 =	vld [tilespmem:s1+$0x0];
	_ =	sdelay $0x4  }
0x2c8: {  	v4 =	vadd.s32 $0xFFFFFFB5, v4  }
0x2c9: {  	vm0 =	vgt.s32 v4, $0x0  }
0x2ca: {  	v5 =	vnsel vm0, $0x0, v4  }
0x2cb: {  	s7 =	sshll.u32 s30, $0x4;
	v5 =	vmin.u32 v5, $0x18  }
0x2cc: {  	s7 =	sand.u32 $0xFFFFFF80, s7;
	v5 =	vshll.u32 v5, $0xA  }
0x2cd: {  	s31 =	sand.u32 $0x70, s4;
	v5 =	vadd.s32 s7, v5  }
0x2ce: {  	vm15 =	vlt.u32 v4, $0x19;
	v4 =	vor.u32 s31, v5  }
0x2cf: {  	p0 =	sne.s32 s30, $0x3F;
	v4 =	vor.u32 v0, v4  }
.Ltmp22:
0x2d0: {  	_ = 	snop;
	(pc) =	sbr.rel @p0 .LBB2_47-.Ltmp22, $2  }
0x2d1: {  	_ =	sdelay $0x2  }
0x2d2: {  	s1 =	sadd.s32 $0x10, s1;
	s4 =	sadd.s32 $0x10, s4;
	s30 =	sadd.s32 $0x1, s30;
	[tilespmem:v4+s19+$0x0] =	vst.idx.msk vm15, v2  }
0x2d3: {  	s1 =	simm.s32 $0x1D000  }
0x2d4: {  	v4 =	vld [tilespmem:s1+$0x0];
	_ =	sdelay $0x4  }
0x2d5: {  	v4 =	vadd.s32 $0xFFFFFFB5, v4  }
0x2d6: {  	vm0 =	vgt.s32 v4, $0x0  }
0x2d7: {  	v5 =	vnsel vm0, $0x0, v4  }
0x2d8: {  	s31 =	simm.s32 $0x0;
	v5 =	vmin.u32 v5, $0x18  }
0x2d9: {  	s1 =	sand.u32 $0xFFFFFF80, s31;
	v5 =	vshll.u32 v5, $0xA  }
0x2da: {  	s4 =	sand.u32 $0x70, s0;
	v5 =	vadd.s32 s1, v5  }
0x2db: {  	vm15 =	vlt.u32 v4, $0x19;
	v4 =	vor.u32 s4, v5  }
0x2dc: {  	v4 =	vor.u32 v0, v4;
	_ =	sdelay $0x4  }
0x2dd: {  	s30 =	simm.s32 $0x1D010;
	[tilespmem:v4+s19+$0x0] =	vst.idx.msk vm15, v3  }
0x2de: {  	s1 =	simm.s32 $0x1;
	s4 =	simm.s32 $0x2;
	v4 =	vld [tilespmem:s30+$0x0]  }
.LBB2_49:
0x2df: {  	p0 =	sne.s32 s4, $0x3F;
	_ =	sdelay $0x3  }
0x2e0: {  	v4 =	vadd.s32 $0xFFFFFFB5, v4  }
0x2e1: {  	vm0 =	vgt.s32 v4, $0x0  }
0x2e2: {  	v5 =	vnsel vm0, $0x0, v4  }
0x2e3: {  	s7 =	sshll.u32 s1, $0x4;
	s1 =	smov.u32 s4;
	v5 =	vmin.u32 v5, $0x18  }
0x2e4: {  	s0 =	sadd.s32 $0x10, s0;
	s7 =	sand.u32 $0xFFFFFF80, s7;
	v5 =	vshll.u32 v5, $0xA  }
0x2e5: {  	s31 =	sand.u32 $0x70, s0;
	v5 =	vadd.s32 s7, v5  }
0x2e6: {  	vm0 =	vlt.u32 v4, $0x19;
	v4 =	vor.u32 s31, v5  }
0x2e7: {  	v4 =	vor.u32 v0, v4;
	_ =	sdelay $0x1  }
.Ltmp23:
0x2e8: {  	(pc) =	sbr.rel @p0 .LBB2_49-.Ltmp23, $3  }
0x2e9: {  	_ =	sdelay $0x1  }
0x2ea: {  	s30 =	sadd.s32 $0x10, s30;
	[tilespmem:v4+s19+$0x0] =	vst.idx.msk vm0, v3  }
0x2eb: {  	s4 =	sadd.s32 $0x1, s4;
	v4 =	vld [tilespmem:s30+$0x0]  }
0x2ec: {  	_ =	sdelay $0x3  }
0x2ed: {  	v4 =	vadd.s32 $0xFFFFFFB5, v4  }
0x2ee: {  	vm0 =	vgt.s32 v4, $0x0  }
0x2ef: {  	v5 =	vnsel vm0, $0x0, v4  }
0x2f0: {  	s1 =	sshll.u32 s1, $0x4;
	v5 =	vmin.u32 v5, $0x18  }
0x2f1: {  	s0 =	sadd.s32 $0x10, s0;
	s1 =	sand.u32 $0xFFFFFF80, s1;
	v5 =	vshll.u32 v5, $0xA  }
0x2f2: {  	s0 =	sand.u32 $0x70, s0;
	v5 =	vadd.s32 s1, v5  }
0x2f3: {  	vm13 =	vlt.u32 v4, $0x19;
	v4 =	vor.u32 s0, v5  }
0x2f4: {  	v4 =	vor.u32 v0, v4;
	_ =	sdelay $0x3  }
0x2f5: {  	s4 =	sshllo.u32 s28, $0x1;
	s1 =	sor.u32 $0x4B0000, s29  }
0x2f6: {  	s7 =	simm.s32 $0x0;
	s29 =	sshll.u32 s4, $0xA;
	s0 =	sadd.s32 s2, s1;
	[tilespmem:v4+s19+$0x0] =	vst.idx.msk vm13, v3  }
0x2f7: {  	[hbm4b:s0+s20] =	stream.strided.scatter [tilespmem:s19], [sflag:$0x4], $0x6400, s21, s20, $0x38;
	[tilespmem:$0x1D800] =	vst v63  }
0x2f8: {  	s4 =	sand.u32 $0x380, s7;
	s0 =	sand.u32 $0x3FFFFC00, s29  }
0x2f9: {  	s1 =	sand.u32 $0x70, s7;
	s4 =	sadd.s32 s4, s0  }
0x2fa: {  	s1 =	sadd.s32 s1, s4  }
0x2fb: {  	v4 =	vld [tilespmem:s1+$0x0];
	_ =	sdelay $0x4  }
0x2fc: {  	v4 =	vadd.f32 $1.000000000e+00, v4;
	_ =	sdelay $0x1  }
0x2fd: {  	v4 =	vmul.f32 $5.000000000e-01, v4;
	_ =	sdelay $0x1  }
0x2fe: {  	v4 =	vmax.f32 v4, $0.0e+00  }
0x2ff: {  	v4 =	vmin.f32 v4, $1.000000000e+00  }
0x300: {  	v4 =	vsub.f32 $1.000000000e+00, v4;
	_ =	sdelay $0x1  }
0x301: {  	v4 =	vmul.f32 $9.900000000e+01, v4;
	_ =	sdelay $0x1  }
0x302: {  	v4 =	vadd.f32 $5.000000000e-01, v4;
	_ =	sdelay $0x1  }
0x303: {  	v5 =	vtrunc.f32 v4  }
0x304: {  	v6 =	vcvt.f32.s32 v5;
	_ =	sdelay $0x1  }
0x305: {  	v7 =	vand.u32 $0x1, v6  }
0x306: {  	vm14 =	veq.f32 v4, v5;
	vm1 =	veq.s32 v7, $0x1  }
0x307: {  	vm0 =	vmand vm14, vm1  }
0x308: {  	v4 =	vsel vm0, $0xFFFFFFFF, v1  }
0x309: {  	v4 =	vadd.s32 v6, v4  }
0x30a: {  	s31 =	simm.s32 $0x10;
	vm15 =	vgt.s32 v4, $0x0  }
0x30b: {  	s30 =	simm.s32 $0x20;
	s4 =	sand.u32 $0x380, s31;
	s1 =	simm.s32 $0x1D400;
	v4 =	vnsel vm15, $0x0, v4  }
.LBB2_51:
0x30c: {  	p0 =	sne.s32 s30, $0x3F0;
	s7 =	sand.u32 $0x70, s31;
	s4 =	sadd.s32 s4, s0;
	v4 =	vmin.u32 v4, $0x63  }
0x30d: {  	s31 =	smov.u32 s30;
	s4 =	sadd.s32 s7, s4;
	[tilespmem:s1+$0x0] =	vst v4  }
0x30e: {  	v4 =	vld [tilespmem:s4+$0x0];
	_ =	sdelay $0x4  }
0x30f: {  	v4 =	vadd.f32 $1.000000000e+00, v4;
	_ =	sdelay $0x1  }
0x310: {  	v4 =	vmul.f32 $5.000000000e-01, v4;
	_ =	sdelay $0x1  }
0x311: {  	v4 =	vmax.f32 v4, $0.0e+00  }
0x312: {  	v4 =	vmin.f32 v4, $1.000000000e+00  }
0x313: {  	v4 =	vsub.f32 $1.000000000e+00, v4;
	_ =	sdelay $0x1  }
0x314: {  	v4 =	vmul.f32 $9.900000000e+01, v4;
	_ =	sdelay $0x1  }
0x315: {  	v4 =	vadd.f32 $5.000000000e-01, v4;
	_ =	sdelay $0x1  }
0x316: {  	v5 =	vtrunc.f32 v4  }
0x317: {  	v6 =	vcvt.f32.s32 v5;
	_ =	sdelay $0x1  }
0x318: {  	v7 =	vand.u32 $0x1, v6  }
0x319: {  	vm0 =	veq.f32 v4, v5;
	vm1 =	veq.s32 v7, $0x1  }
.Ltmp24:
0x31a: {  	vm0 =	vmand vm0, vm1;
	(pc) =	sbr.rel @p0 .LBB2_51-.Ltmp24, $4  }
0x31b: {  	v4 =	vsel vm0, $0xFFFFFFFF, v1  }
0x31c: {  	v4 =	vadd.s32 v6, v4  }
0x31d: {  	vm0 =	vgt.s32 v4, $0x0  }
0x31e: {  	s30 =	sadd.s32 $0x10, s30;
	s1 =	sadd.s32 $0x10, s1;
	s4 =	sand.u32 $0x380, s31;
	v4 =	vnsel vm0, $0x0, v4  }
0x31f: {  	s7 =	sand.u32 $0x70, s31;
	s0 =	sadd.s32 s4, s0;
	v4 =	vmin.u32 v4, $0x63  }
0x320: {  	s0 =	sadd.s32 s7, s0;
	[tilespmem:s1+$0x0] =	vst v4  }
0x321: {  	v4 =	vld [tilespmem:s0+$0x0];
	_ =	sdelay $0x4  }
0x322: {  	v4 =	vadd.f32 $1.000000000e+00, v4;
	_ =	sdelay $0x1  }
0x323: {  	v4 =	vmul.f32 $5.000000000e-01, v4;
	_ =	sdelay $0x1  }
0x324: {  	v4 =	vmax.f32 v4, $0.0e+00  }
0x325: {  	v4 =	vmin.f32 v4, $1.000000000e+00  }
0x326: {  	v4 =	vsub.f32 $1.000000000e+00, v4;
	_ =	sdelay $0x1  }
0x327: {  	v4 =	vmul.f32 $9.900000000e+01, v4;
	_ =	sdelay $0x1  }
0x328: {  	v4 =	vadd.f32 $5.000000000e-01, v4;
	_ =	sdelay $0x1  }
0x329: {  	v5 =	vtrunc.f32 v4  }
0x32a: {  	v6 =	vcvt.f32.s32 v5;
	_ =	sdelay $0x1  }
0x32b: {  	v7 =	vand.u32 $0x1, v6  }
0x32c: {  	vm0 =	veq.f32 v4, v5;
	vm1 =	veq.s32 v7, $0x1  }
0x32d: {  	vm0 =	vmand vm0, vm1  }
0x32e: {  	v4 =	vsel vm0, $0xFFFFFFFF, v1  }
0x32f: {  	v4 =	vadd.s32 v6, v4  }
0x330: {  	vm15 =	vgt.s32 v4, $0x0  }
0x331: {  	v4 =	vnsel vm15, $0x0, v4  }
0x332: {  	s31 =	sadd.s32 $0x10, s1;
	v4 =	vmin.u32 v4, $0x63  }
0x333: {  	[tilespmem:s31+$0x0] =	vst v4  }
0x334: {  	_ =	swait.ge [sflag:s22], $0x6400  }
0x335: {  	s4 =	simm.s32 $0x0;
	s30 =	simm.s32 $0x0;
	[sflag:s22] =	ssyncset.done $0x0  }
0x336: {  	s1 =	simm.s32 $0x1D000;
	s0 =	simm.s32 $0x0;
	[sflag:s22] =	ssyncadd.s32 $0xFFFF9C00  }
.LBB2_53:
0x337: {  	v4 =	vld [tilespmem:s1+$0x0];
	_ =	sdelay $0x4  }
0x338: {  	vm0 =	vgt.s32 v4, $0x0  }
0x339: {  	v5 =	vnsel vm0, $0x0, v4  }
0x33a: {  	s7 =	sshll.u32 s30, $0x4;
	v5 =	vmin.u32 v5, $0x18  }
0x33b: {  	s7 =	sand.u32 $0xFFFFFF80, s7;
	v5 =	vshll.u32 v5, $0xA  }
0x33c: {  	s31 =	sand.u32 $0x70, s4;
	v5 =	vadd.s32 s7, v5  }
0x33d: {  	vm15 =	vlt.u32 v4, $0x19;
	v4 =	vor.u32 s31, v5  }
0x33e: {  	p0 =	sne.s32 s30, $0x3F;
	v4 =	vor.u32 v0, v4  }
.Ltmp25:
0x33f: {  	_ = 	snop;
	(pc) =	sbr.rel @p0 .LBB2_53-.Ltmp25, $2  }
0x340: {  	_ =	sdelay $0x2  }
0x341: {  	s1 =	sadd.s32 $0x10, s1;
	s4 =	sadd.s32 $0x10, s4;
	s30 =	sadd.s32 $0x1, s30;
	[tilespmem:v4+s16+$0x0] =	vst.idx.msk vm15, v2  }
0x342: {  	s1 =	simm.s32 $0x1D400  }
0x343: {  	v4 =	vld [tilespmem:s1+$0x0];
	_ =	sdelay $0x4  }
0x344: {  	vm0 =	vgt.s32 v4, $0x0  }
0x345: {  	v5 =	vnsel vm0, $0x0, v4  }
0x346: {  	s31 =	simm.s32 $0x0;
	v5 =	vmin.u32 v5, $0x18  }
0x347: {  	s1 =	sand.u32 $0xFFFFFF80, s31;
	v5 =	vshll.u32 v5, $0xA  }
0x348: {  	s4 =	sand.u32 $0x70, s0;
	v5 =	vadd.s32 s1, v5  }
0x349: {  	vm15 =	vlt.u32 v4, $0x19;
	v4 =	vor.u32 s4, v5  }
0x34a: {  	v4 =	vor.u32 v0, v4;
	_ =	sdelay $0x4  }
0x34b: {  	s4 =	simm.s32 $0x1D410;
	[tilespmem:v4+s16+$0x0] =	vst.idx.msk vm15, v3  }
0x34c: {  	s30 =	simm.s32 $0x2;
	s1 =	simm.s32 $0x1;
	v4 =	vld [tilespmem:s4+$0x0]  }
.LBB2_55:
0x34d: {  	p0 =	sne.s32 s30, $0x3F;
	_ =	sdelay $0x3  }
0x34e: {  	vm0 =	vgt.s32 v4, $0x0  }
0x34f: {  	v5 =	vnsel vm0, $0x0, v4  }
0x350: {  	s7 =	sshll.u32 s1, $0x4;
	s1 =	smov.u32 s30;
	v5 =	vmin.u32 v5, $0x18  }
0x351: {  	s0 =	sadd.s32 $0x10, s0;
	s7 =	sand.u32 $0xFFFFFF80, s7;
	v5 =	vshll.u32 v5, $0xA  }
0x352: {  	s31 =	sand.u32 $0x70, s0;
	v5 =	vadd.s32 s7, v5  }
0x353: {  	vm0 =	vlt.u32 v4, $0x19;
	v4 =	vor.u32 s31, v5  }
0x354: {  	v4 =	vor.u32 v0, v4;
	_ =	sdelay $0x1  }
.Ltmp26:
0x355: {  	(pc) =	sbr.rel @p0 .LBB2_55-.Ltmp26, $3  }
0x356: {  	_ =	sdelay $0x1  }
0x357: {  	s4 =	sadd.s32 $0x10, s4;
	[tilespmem:v4+s16+$0x0] =	vst.idx.msk vm0, v3  }
0x358: {  	s30 =	sadd.s32 $0x1, s30;
	v4 =	vld [tilespmem:s4+$0x0]  }
0x359: {  	_ =	sdelay $0x3  }
0x35a: {  	vm0 =	vgt.s32 v4, $0x0  }
0x35b: {  	v5 =	vnsel vm0, $0x0, v4  }
0x35c: {  	s1 =	sshll.u32 s1, $0x4;
	v5 =	vmin.u32 v5, $0x18  }
0x35d: {  	s0 =	sadd.s32 $0x10, s0;
	s1 =	sand.u32 $0xFFFFFF80, s1;
	v5 =	vshll.u32 v5, $0xA  }
0x35e: {  	s0 =	sand.u32 $0x70, s0;
	v5 =	vadd.s32 s1, v5  }
0x35f: {  	vm15 =	vlt.u32 v4, $0x19;
	v4 =	vor.u32 s0, v5  }
0x360: {  	v4 =	vor.u32 v0, v4;
	_ =	sdelay $0x2  }
0x361: {  	s31 =	sadd.s32 s6, s29  }
0x362: {  	s29 =	sshrl.u32 s31, $0x3  }
0x363: {  	s0 =	sadd.s32 s2, s29;
	[tilespmem:v4+s16+$0x0] =	vst.idx.msk vm15, v3  }
0x364: {  	[hbm4b:s0+s20] =	stream.strided.scatter [tilespmem:s16], [sflag:$0x1], $0x6400, s21, s20, $0x38;
	[tilespmem:$0x1D800] =	vst v63  }
0x365: {  	_ =	swait.ge [sflag:s23], $0x6400  }
0x366: {  	s4 =	simm.s32 $0x0;
	s30 =	simm.s32 $0x0;
	[sflag:s23] =	ssyncset.done $0x0  }
0x367: {  	s1 =	simm.s32 $0x1D000;
	s0 =	simm.s32 $0x0;
	[sflag:s23] =	ssyncadd.s32 $0xFFFF9C00  }
.LBB2_57:
0x368: {  	v4 =	vld [tilespmem:s1+$0x0];
	_ =	sdelay $0x4  }
0x369: {  	v4 =	vadd.s32 $0xFFFFFFE7, v4  }
0x36a: {  	vm0 =	vgt.s32 v4, $0x0  }
0x36b: {  	v5 =	vnsel vm0, $0x0, v4  }
0x36c: {  	s7 =	sshll.u32 s30, $0x4;
	v5 =	vmin.u32 v5, $0x18  }
0x36d: {  	s7 =	sand.u32 $0xFFFFFF80, s7;
	v5 =	vshll.u32 v5, $0xA  }
0x36e: {  	s31 =	sand.u32 $0x70, s4;
	v5 =	vadd.s32 s7, v5  }
0x36f: {  	vm15 =	vlt.u32 v4, $0x19;
	v4 =	vor.u32 s31, v5  }
0x370: {  	p0 =	sne.s32 s30, $0x3F;
	v4 =	vor.u32 v0, v4  }
.Ltmp27:
0x371: {  	_ = 	snop;
	(pc) =	sbr.rel @p0 .LBB2_57-.Ltmp27, $2  }
0x372: {  	_ =	sdelay $0x2  }
0x373: {  	s1 =	sadd.s32 $0x10, s1;
	s4 =	sadd.s32 $0x10, s4;
	s30 =	sadd.s32 $0x1, s30;
	[tilespmem:v4+s17+$0x0] =	vst.idx.msk vm15, v2  }
0x374: {  	s1 =	simm.s32 $0x1D400  }
0x375: {  	v4 =	vld [tilespmem:s1+$0x0];
	_ =	sdelay $0x4  }
0x376: {  	v4 =	vadd.s32 $0xFFFFFFE7, v4  }
0x377: {  	vm0 =	vgt.s32 v4, $0x0  }
0x378: {  	v5 =	vnsel vm0, $0x0, v4  }
0x379: {  	s31 =	simm.s32 $0x0;
	v5 =	vmin.u32 v5, $0x18  }
0x37a: {  	s1 =	sand.u32 $0xFFFFFF80, s31;
	v5 =	vshll.u32 v5, $0xA  }
0x37b: {  	s4 =	sand.u32 $0x70, s0;
	v5 =	vadd.s32 s1, v5  }
0x37c: {  	vm15 =	vlt.u32 v4, $0x19;
	v4 =	vor.u32 s4, v5  }
0x37d: {  	v4 =	vor.u32 v0, v4;
	_ =	sdelay $0x4  }
0x37e: {  	s30 =	simm.s32 $0x1D410;
	[tilespmem:v4+s17+$0x0] =	vst.idx.msk vm15, v3  }
0x37f: {  	s1 =	simm.s32 $0x1;
	s4 =	simm.s32 $0x2;
	v4 =	vld [tilespmem:s30+$0x0]  }
.LBB2_59:
0x380: {  	p0 =	sne.s32 s4, $0x3F;
	_ =	sdelay $0x3  }
0x381: {  	v4 =	vadd.s32 $0xFFFFFFE7, v4  }
0x382: {  	vm0 =	vgt.s32 v4, $0x0  }
0x383: {  	v5 =	vnsel vm0, $0x0, v4  }
0x384: {  	s7 =	sshll.u32 s1, $0x4;
	s1 =	smov.u32 s4;
	v5 =	vmin.u32 v5, $0x18  }
0x385: {  	s0 =	sadd.s32 $0x10, s0;
	s7 =	sand.u32 $0xFFFFFF80, s7;
	v5 =	vshll.u32 v5, $0xA  }
0x386: {  	s31 =	sand.u32 $0x70, s0;
	v5 =	vadd.s32 s7, v5  }
0x387: {  	vm0 =	vlt.u32 v4, $0x19;
	v4 =	vor.u32 s31, v5  }
0x388: {  	v4 =	vor.u32 v0, v4;
	_ =	sdelay $0x1  }
.Ltmp28:
0x389: {  	(pc) =	sbr.rel @p0 .LBB2_59-.Ltmp28, $3  }
0x38a: {  	_ =	sdelay $0x1  }
0x38b: {  	s30 =	sadd.s32 $0x10, s30;
	[tilespmem:v4+s17+$0x0] =	vst.idx.msk vm0, v3  }
0x38c: {  	s4 =	sadd.s32 $0x1, s4;
	v4 =	vld [tilespmem:s30+$0x0]  }
0x38d: {  	_ =	sdelay $0x3  }
0x38e: {  	v4 =	vadd.s32 $0xFFFFFFE7, v4  }
0x38f: {  	vm0 =	vgt.s32 v4, $0x0  }
0x390: {  	v5 =	vnsel vm0, $0x0, v4  }
0x391: {  	s1 =	sshll.u32 s1, $0x4;
	v5 =	vmin.u32 v5, $0x18  }
0x392: {  	s0 =	sadd.s32 $0x10, s0;
	s1 =	sand.u32 $0xFFFFFF80, s1;
	v5 =	vshll.u32 v5, $0xA  }
0x393: {  	s0 =	sand.u32 $0x70, s0;
	v5 =	vadd.s32 s1, v5  }
0x394: {  	vm15 =	vlt.u32 v4, $0x19;
	v4 =	vor.u32 s0, v5  }
0x395: {  	v4 =	vor.u32 v0, v4;
	_ =	sdelay $0x3  }
0x396: {  	s31 =	sor.u32 $0x190000, s29  }
0x397: {  	s0 =	sadd.s32 s2, s31;
	[tilespmem:v4+s17+$0x0] =	vst.idx.msk vm15, v3  }
0x398: {  	[hbm4b:s0+s20] =	stream.strided.scatter [tilespmem:s17], [sflag:$0x2], $0x6400, s21, s20, $0x38;
	[tilespmem:$0x1D800] =	vst v63  }
0x399: {  	_ =	swait.ge [sflag:s24], $0x6400  }
0x39a: {  	s4 =	simm.s32 $0x0;
	s30 =	simm.s32 $0x0;
	[sflag:s24] =	ssyncset.done $0x0  }
0x39b: {  	s1 =	simm.s32 $0x1D000;
	s0 =	simm.s32 $0x0;
	[sflag:s24] =	ssyncadd.s32 $0xFFFF9C00  }
.LBB2_61:
0x39c: {  	v4 =	vld [tilespmem:s1+$0x0];
	_ =	sdelay $0x4  }
0x39d: {  	v4 =	vadd.s32 $0xFFFFFFCE, v4  }
0x39e: {  	vm0 =	vgt.s32 v4, $0x0  }
0x39f: {  	v5 =	vnsel vm0, $0x0, v4  }
0x3a0: {  	s7 =	sshll.u32 s30, $0x4;
	v5 =	vmin.u32 v5, $0x18  }
0x3a1: {  	s7 =	sand.u32 $0xFFFFFF80, s7;
	v5 =	vshll.u32 v5, $0xA  }
0x3a2: {  	s31 =	sand.u32 $0x70, s4;
	v5 =	vadd.s32 s7, v5  }
0x3a3: {  	vm15 =	vlt.u32 v4, $0x19;
	v4 =	vor.u32 s31, v5  }
0x3a4: {  	p0 =	sne.s32 s30, $0x3F;
	v4 =	vor.u32 v0, v4  }
.Ltmp29:
0x3a5: {  	_ = 	snop;
	(pc) =	sbr.rel @p0 .LBB2_61-.Ltmp29, $2  }
0x3a6: {  	_ =	sdelay $0x2  }
0x3a7: {  	s1 =	sadd.s32 $0x10, s1;
	s4 =	sadd.s32 $0x10, s4;
	s30 =	sadd.s32 $0x1, s30;
	[tilespmem:v4+s18+$0x0] =	vst.idx.msk vm15, v2  }
0x3a8: {  	s1 =	simm.s32 $0x1D400  }
0x3a9: {  	v4 =	vld [tilespmem:s1+$0x0];
	_ =	sdelay $0x4  }
0x3aa: {  	v4 =	vadd.s32 $0xFFFFFFCE, v4  }
0x3ab: {  	vm0 =	vgt.s32 v4, $0x0  }
0x3ac: {  	v5 =	vnsel vm0, $0x0, v4  }
0x3ad: {  	s31 =	simm.s32 $0x0;
	v5 =	vmin.u32 v5, $0x18  }
0x3ae: {  	s1 =	sand.u32 $0xFFFFFF80, s31;
	v5 =	vshll.u32 v5, $0xA  }
0x3af: {  	s4 =	sand.u32 $0x70, s0;
	v5 =	vadd.s32 s1, v5  }
0x3b0: {  	vm15 =	vlt.u32 v4, $0x19;
	v4 =	vor.u32 s4, v5  }
0x3b1: {  	v4 =	vor.u32 v0, v4;
	_ =	sdelay $0x4  }
0x3b2: {  	s30 =	simm.s32 $0x1D410;
	[tilespmem:v4+s18+$0x0] =	vst.idx.msk vm15, v3  }
0x3b3: {  	s1 =	simm.s32 $0x1;
	s4 =	simm.s32 $0x2;
	v4 =	vld [tilespmem:s30+$0x0]  }
.LBB2_63:
0x3b4: {  	p0 =	sne.s32 s4, $0x3F;
	_ =	sdelay $0x3  }
0x3b5: {  	v4 =	vadd.s32 $0xFFFFFFCE, v4  }
0x3b6: {  	vm0 =	vgt.s32 v4, $0x0  }
0x3b7: {  	v5 =	vnsel vm0, $0x0, v4  }
0x3b8: {  	s7 =	sshll.u32 s1, $0x4;
	s1 =	smov.u32 s4;
	v5 =	vmin.u32 v5, $0x18  }
0x3b9: {  	s0 =	sadd.s32 $0x10, s0;
	s7 =	sand.u32 $0xFFFFFF80, s7;
	v5 =	vshll.u32 v5, $0xA  }
0x3ba: {  	s31 =	sand.u32 $0x70, s0;
	v5 =	vadd.s32 s7, v5  }
0x3bb: {  	vm0 =	vlt.u32 v4, $0x19;
	v4 =	vor.u32 s31, v5  }
0x3bc: {  	v4 =	vor.u32 v0, v4;
	_ =	sdelay $0x1  }
.Ltmp30:
0x3bd: {  	(pc) =	sbr.rel @p0 .LBB2_63-.Ltmp30, $3  }
0x3be: {  	_ =	sdelay $0x1  }
0x3bf: {  	s30 =	sadd.s32 $0x10, s30;
	[tilespmem:v4+s18+$0x0] =	vst.idx.msk vm0, v3  }
0x3c0: {  	s4 =	sadd.s32 $0x1, s4;
	v4 =	vld [tilespmem:s30+$0x0]  }
0x3c1: {  	_ =	sdelay $0x3  }
0x3c2: {  	v4 =	vadd.s32 $0xFFFFFFCE, v4  }
0x3c3: {  	vm0 =	vgt.s32 v4, $0x0  }
0x3c4: {  	v5 =	vnsel vm0, $0x0, v4  }
0x3c5: {  	s1 =	sshll.u32 s1, $0x4;
	v5 =	vmin.u32 v5, $0x18  }
0x3c6: {  	s0 =	sadd.s32 $0x10, s0;
	s1 =	sand.u32 $0xFFFFFF80, s1;
	v5 =	vshll.u32 v5, $0xA  }
0x3c7: {  	s0 =	sand.u32 $0x70, s0;
	v5 =	vadd.s32 s1, v5  }
0x3c8: {  	vm15 =	vlt.u32 v4, $0x19;
	v4 =	vor.u32 s0, v5  }
0x3c9: {  	v4 =	vor.u32 v0, v4;
	_ =	sdelay $0x3  }
0x3ca: {  	s31 =	sor.u32 $0x320000, s29  }
0x3cb: {  	s0 =	sadd.s32 s2, s31;
	[tilespmem:v4+s18+$0x0] =	vst.idx.msk vm15, v3  }
0x3cc: {  	[hbm4b:s0+s20] =	stream.strided.scatter [tilespmem:s18], [sflag:$0x3], $0x6400, s21, s20, $0x38;
	[tilespmem:$0x1D800] =	vst v63  }
0x3cd: {  	_ =	swait.ge [sflag:s25], $0x6400  }
0x3ce: {  	s4 =	simm.s32 $0x0;
	s30 =	simm.s32 $0x0;
	[sflag:s25] =	ssyncset.done $0x0  }
0x3cf: {  	s1 =	simm.s32 $0x1D000;
	s0 =	simm.s32 $0x0;
	[sflag:s25] =	ssyncadd.s32 $0xFFFF9C00  }
.LBB2_65:
0x3d0: {  	v4 =	vld [tilespmem:s1+$0x0];
	_ =	sdelay $0x4  }
0x3d1: {  	v4 =	vadd.s32 $0xFFFFFFB5, v4  }
0x3d2: {  	vm0 =	vgt.s32 v4, $0x0  }
0x3d3: {  	v5 =	vnsel vm0, $0x0, v4  }
0x3d4: {  	s7 =	sshll.u32 s30, $0x4;
	v5 =	vmin.u32 v5, $0x18  }
0x3d5: {  	s7 =	sand.u32 $0xFFFFFF80, s7;
	v5 =	vshll.u32 v5, $0xA  }
0x3d6: {  	s31 =	sand.u32 $0x70, s4;
	v5 =	vadd.s32 s7, v5  }
0x3d7: {  	vm15 =	vlt.u32 v4, $0x19;
	v4 =	vor.u32 s31, v5  }
0x3d8: {  	p0 =	sne.s32 s30, $0x3F;
	v4 =	vor.u32 v0, v4  }
.Ltmp31:
0x3d9: {  	_ = 	snop;
	(pc) =	sbr.rel @p0 .LBB2_65-.Ltmp31, $2  }
0x3da: {  	_ =	sdelay $0x2  }
0x3db: {  	s1 =	sadd.s32 $0x10, s1;
	s4 =	sadd.s32 $0x10, s4;
	s30 =	sadd.s32 $0x1, s30;
	[tilespmem:v4+s19+$0x0] =	vst.idx.msk vm15, v2  }
0x3dc: {  	s1 =	simm.s32 $0x1D400  }
0x3dd: {  	v4 =	vld [tilespmem:s1+$0x0];
	_ =	sdelay $0x4  }
0x3de: {  	v4 =	vadd.s32 $0xFFFFFFB5, v4  }
0x3df: {  	vm0 =	vgt.s32 v4, $0x0  }
0x3e0: {  	v5 =	vnsel vm0, $0x0, v4  }
0x3e1: {  	s31 =	simm.s32 $0x0;
	v5 =	vmin.u32 v5, $0x18  }
0x3e2: {  	s1 =	sand.u32 $0xFFFFFF80, s31;
	v5 =	vshll.u32 v5, $0xA  }
0x3e3: {  	s4 =	sand.u32 $0x70, s0;
	v5 =	vadd.s32 s1, v5  }
0x3e4: {  	vm15 =	vlt.u32 v4, $0x19;
	v4 =	vor.u32 s4, v5  }
0x3e5: {  	v4 =	vor.u32 v0, v4;
	_ =	sdelay $0x4  }
0x3e6: {  	s30 =	simm.s32 $0x1D410;
	[tilespmem:v4+s19+$0x0] =	vst.idx.msk vm15, v3  }
0x3e7: {  	s1 =	simm.s32 $0x1;
	s4 =	simm.s32 $0x2;
	v4 =	vld [tilespmem:s30+$0x0]  }
.LBB2_67:
0x3e8: {  	p0 =	sne.s32 s4, $0x3F;
	_ =	sdelay $0x3  }
0x3e9: {  	v4 =	vadd.s32 $0xFFFFFFB5, v4  }
0x3ea: {  	vm0 =	vgt.s32 v4, $0x0  }
0x3eb: {  	v5 =	vnsel vm0, $0x0, v4  }
0x3ec: {  	s7 =	sshll.u32 s1, $0x4;
	s1 =	smov.u32 s4;
	v5 =	vmin.u32 v5, $0x18  }
0x3ed: {  	s0 =	sadd.s32 $0x10, s0;
	s7 =	sand.u32 $0xFFFFFF80, s7;
	v5 =	vshll.u32 v5, $0xA  }
0x3ee: {  	s31 =	sand.u32 $0x70, s0;
	v5 =	vadd.s32 s7, v5  }
0x3ef: {  	vm0 =	vlt.u32 v4, $0x19;
	v4 =	vor.u32 s31, v5  }
0x3f0: {  	v4 =	vor.u32 v0, v4;
	_ =	sdelay $0x1  }
.Ltmp32:
0x3f1: {  	(pc) =	sbr.rel @p0 .LBB2_67-.Ltmp32, $3  }
0x3f2: {  	_ =	sdelay $0x1  }
0x3f3: {  	s30 =	sadd.s32 $0x10, s30;
	[tilespmem:v4+s19+$0x0] =	vst.idx.msk vm0, v3  }
0x3f4: {  	s4 =	sadd.s32 $0x1, s4;
	v4 =	vld [tilespmem:s30+$0x0]  }
0x3f5: {  	_ =	sdelay $0x3  }
0x3f6: {  	v4 =	vadd.s32 $0xFFFFFFB5, v4  }
0x3f7: {  	vm0 =	vgt.s32 v4, $0x0  }
0x3f8: {  	v5 =	vnsel vm0, $0x0, v4  }
0x3f9: {  	s1 =	sshll.u32 s1, $0x4;
	v5 =	vmin.u32 v5, $0x18  }
0x3fa: {  	s0 =	sadd.s32 $0x10, s0;
	s1 =	sand.u32 $0xFFFFFF80, s1;
	v5 =	vshll.u32 v5, $0xA  }
0x3fb: {  	s0 =	sand.u32 $0x70, s0;
	v5 =	vadd.s32 s1, v5  }
0x3fc: {  	vm15 =	vlt.u32 v4, $0x19;
	v4 =	vor.u32 s0, v5  }
0x3fd: {  	s28 =	sadd.s32 $0x1, s28;
	v4 =	vor.u32 v0, v4  }
0x3fe: {  	p0 =	sne.s32 s28, $0x8  }
.Ltmp33:
0x3ff: {  	_ = 	snop;
	(pc) =	sbr.rel @p0 .LBB2_32-.Ltmp33, $4  }
0x400: {  	_ = 	snop  }
0x401: {  	s31 =	sor.u32 $0x4B0000, s29  }
0x402: {  	s0 =	sadd.s32 s2, s31;
	[tilespmem:v4+s19+$0x0] =	vst.idx.msk vm15, v3  }
0x403: {  	[hbm4b:s0+s20] =	stream.strided.scatter [tilespmem:s19], [sflag:$0x4], $0x6400, s21, s20, $0x38;
	[tilespmem:$0x1D800] =	vst v63  }
0x404: {  	_ =	swait.ge [sflag:s22], $0x6400  }
0x405: {  	[sflag:s22] =	ssyncset.done $0x0  }
0x406: {  	[sflag:s22] =	ssyncadd.s32 $0xFFFF9C00  }
0x407: {  	_ =	swait.ge [sflag:s23], $0x6400  }
0x408: {  	[sflag:s23] =	ssyncset.done $0x0  }
0x409: {  	s26 =	sadd.s32 $0x1, s26;
	[sflag:s23] =	ssyncadd.s32 $0xFFFF9C00  }
0x40a: {  	p0 =	sne.s32 s26, s14;
	_ =	swait.ge [sflag:s24], $0x6400  }
.Ltmp34:
0x40b: {  	[sflag:s24] =	ssyncset.done $0x0;
	(pc) =	sbr.rel @p0 .LBB2_1-.Ltmp34, $4  }
0x40c: {  	[sflag:s24] =	ssyncadd.s32 $0xFFFF9C00  }
0x40d: {  	_ =	swait.ge [sflag:s25], $0x6400  }
0x40e: {  	[sflag:s25] =	ssyncset.done $0x0  }
0x40f: {  	[sflag:s25] =	ssyncadd.s32 $0xFFFF9C00  }
0x410: {  	_ =	sfence.sel $0x180000  }
0x411: {  	[bflag:$0x0] =	sbarrier.arrive $0xFFFF  }
0x412: {  	_ =	strace $0x90000047  }
0x413: {  	s0 =	stileid.u32;
	[bflag:$0x2] =	sbarrier.arrive $0xFFFF  }
0x414: {  	p0 =	sne.s32 s0, $0x0;
	s0 =	rddreg [dreg:$0x2]  }
0x415: {  	s0 =	sadd.s32 @!p0 $0x100000, s0  }
0x416: {  	[sflag:s0] =	ssyncadd.tile.s32 @!p0 $0x1;
	_ =	shalt  }
.Lfunc_end2:
_tile_overlayer_lowered:
.L_overlay_start_2:
0x417: {  	(tag) =	ssettag $0x2  }
0x418: {  	s0 =	rddreg [dreg:$0x0];
	s2 =	stileid.u32  }
0x419: {  	s1 =	rddreg [dreg:$0x1];
	p0 =	sne.s32 s2, $0x0  }
0x41a: {  	s3 =	rddreg [dreg:$0x2];
	[bflag:$0x3] =	sbarrier.arrive $0xFFFF;
	s2 =	simm.s32 @!p0 $0x1C05  }
0x41b: {  	[timem:s3], [sflag:s2] =	dma.local @!p0 [hbm:s0], s1  }
0x41c: {  	s0 =	simm.s32 @!p0 $0x5  }
0x41d: {  	_ =	swait.ge @!p0 [sflag:s0], s1  }
0x41e: {  	s1 =	ssub.s32 @!p0 $0x0, s1;
	[sflag:s0] =	ssyncset.done @!p0 $0x0  }
0x41f: {  	[sflag:s0] =	ssyncadd.s32 @!p0 s1  }
0x420: {  	[bflag:$0x3] =	sbarrier.arrive $0xFFFF  }
0x421: {  	_ =	shalt  }

</sc_bundles>
